<compile_context>
chip_gen: v7x
topology: tpu7x:2x2x1
jax: 0.10.2.dev20260603
libtpu: 0.0.44.dev20260713+nightly
codegen_flags: <defaults>
</compile_context>

<pallas_src>
import functools

import jax
import jax.numpy as jnp
from jax import lax
from jax.experimental import pallas as pl
from jax.experimental.pallas import tpu as pltpu
from jax.experimental.pallas import tpu_sc as plsc

_ELECTRODE_POS = (
    (1, 0), (2, 8), (3, 9), (4, 17), (5, 18), (6, 26),
    (7, 21), (8, 23), (9, 30), (10, 31), (11, 32), (12, 39),
    (13, 40), (14, 41), (15, 48), (16, 49), (17, 50),
)
_POS_TO_ELEC = {p: e for e, p in _ELECTRODE_POS}

_NPOS = 54
_BATCH = 64
_ROWS = _NPOS * _BATCH
_H, _W = 32, 512
_NW = 32
_RPW = _ROWS // _NW
_DEPTH = 6
_AHEAD = 3


def _sc_body(x_hbm, rem_hbm, zeros_hbm, out_hbm, rem_v, zbuf, *rest):
    bufs = rest[:_DEPTH]
    ksm, zsm = rest[_DEPTH:_DEPTH + 2]
    rsems = rest[_DEPTH + 2:2 * _DEPTH + 2]
    wsems = rest[2 * _DEPTH + 2:3 * _DEPTH + 2]
    zsem = rest[3 * _DEPTH + 2]

    wid = lax.axis_index("s") * 2 + lax.axis_index("c")
    base = wid * _RPW

    pltpu.sync_copy(rem_hbm, rem_v)
    pltpu.sync_copy(zeros_hbm, zbuf)

    r0v = rem_v[pl.ds(0, 16)]
    r1v = rem_v[pl.ds(16, 16)]
    rem_vals = [r0v[j] for j in range(16)] + [r1v[0], r1v[1]]

    pres = {}
    for e, _p in _ELECTRODE_POS:
        acc = rem_vals[0] == e
        for j in range(1, 18):
            acc = jnp.logical_or(acc, rem_vals[j] == e)
        pres[e] = acc

    nk = jnp.int32(0)
    nz = jnp.int32(0)
    for i in range(_RPW):
        e = _POS_TO_ELEC.get(i % _NPOS)
        if e is None:
            ksm[nk] = jnp.int32(i)
            nk = nk + 1
        else:
            z = pres[e].astype(jnp.int32)
            ksm[nk] = jnp.int32(i)
            zsm[nz] = jnp.int32(i)
            nk = nk + (1 - z)
            nz = nz + z

    def zfire(j, carry):
        r = base + zsm[j]
        pltpu.make_async_copy(zbuf, out_hbm.at[r], zsem).start()
        return carry

    lax.fori_loop(0, nz, zfire, jnp.int32(0))

    for k in range(_AHEAD):
        @pl.when(k < nk)
        def _(k=k):
            pltpu.make_async_copy(
                x_hbm.at[base + ksm[k]], bufs[k], rsems[k]).start()

    def kbody(j, carry):
        for b in range(_DEPTH):
            @pl.when(lax.rem(j, _DEPTH) == b)
            def _(b=b):
                pltpu.make_async_copy(
                    x_hbm.at[base], bufs[b], rsems[b]).wait()
                pltpu.make_async_copy(
                    bufs[b], out_hbm.at[base + ksm[j]], wsems[b]).start()

                c = (b + _AHEAD) % _DEPTH

                @pl.when(j + _AHEAD < nk)
                def _():
                    @pl.when(j + _AHEAD >= _DEPTH)
                    def _():
                        pltpu.make_async_copy(
                            bufs[c], out_hbm.at[base], wsems[c]).wait()

                    pltpu.make_async_copy(
                        x_hbm.at[base + ksm[j + _AHEAD]], bufs[c],
                        rsems[c]).start()

        return carry

    lax.fori_loop(0, nk, kbody, jnp.int32(0))

    for b in range(_DEPTH):
        @pl.when(b < nk)
        def _(b=b):
            pltpu.make_async_copy(bufs[b], out_hbm.at[base], wsems[b]).wait()

    def zdrain(j, carry):
        pltpu.make_async_copy(zbuf, out_hbm.at[base], zsem).wait()
        return carry

    lax.fori_loop(0, nz, zdrain, jnp.int32(0))


def kernel(x, removed_electrodes):
    xt = jnp.transpose(x, (0, 3, 4, 1, 2)).reshape(_ROWS, _H, _W)
    rem = jnp.zeros((32,), jnp.int32).at[:18].set(
        removed_electrodes.astype(jnp.int32))
    zeros = jnp.zeros((_H, _W), jnp.float32)
    mesh = plsc.VectorSubcoreMesh(core_axis_name="c", subcore_axis_name="s")
    sck = functools.partial(
        pl.kernel,
        out_type=jax.ShapeDtypeStruct((_ROWS, _H, _W), jnp.float32),
        mesh=mesh,
        scratch_types=(
            [pltpu.VMEM((32,), jnp.int32),
             pltpu.VMEM((_H, _W), jnp.float32)]
            + [pltpu.VMEM((_H, _W), jnp.float32) for _ in range(_DEPTH)]
            + [pltpu.SMEM((_RPW + 1,), jnp.int32),
               pltpu.SMEM((_RPW + 1,), jnp.int32)]
            + [pltpu.SemaphoreType.DMA for _ in range(2 * _DEPTH + 1)]
        ),
    )(_sc_body)
    out = sck(xt, rem, zeros)
    return jnp.transpose(out.reshape(_BATCH, 6, 9, _H, _W), (0, 3, 4, 1, 2))

# --- scband reference (transcript-rebuilt; emitter-appended) ---
"""Pipeline reference for scband-input-operate-33088428048418 (READ-ONLY COPY).

The authoritative reference and input builder live on the scoring server;
editing this copy changes nothing except your own understanding.
"""

import jax, jax.numpy as jnp
import numpy as np

_ELECTRODE_COORDS = {
    1: (0, 0), 2: (0, 8), 3: (1, 0), 4: (1, 8), 5: (2, 0), 6: (2, 8),
    7: (2, 3), 8: (2, 5), 9: (3, 3), 10: (3, 4), 11: (3, 5), 12: (4, 3),
    13: (4, 4), 14: (4, 5), 15: (5, 3), 16: (5, 4), 17: (5, 5),
}


def setup_inputs(seed: int = 0) -> dict:
    key = jax.random.key(seed)
    k1, _ = jax.random.split(key)
    x = jax.random.normal(k1, (64, 32, 512, 6, 9), dtype=jnp.float32)
    removed_electrodes = jnp.arange(18, dtype=jnp.int64 if jax.config.jax_enable_x64 else jnp.int32)
    return {"x": x, "removed_electrodes": removed_electrodes}


def reference(x, removed_electrodes):
    # Faithful translation: iterate over removed_electrodes and zero the
    # corresponding (h, w) grid location across all leading dims.
    for e, (h, w) in _ELECTRODE_COORDS.items():
        present = jnp.any(removed_electrodes == e)
        x = x.at[:, :, :, h, w].set(
            jnp.where(present, jnp.zeros_like(x[:, :, :, h, w]), x[:, :, :, h, w])
        )
    return x

if __name__ == "__main__":
    import jax
    _d = setup_inputs()
    print(jax.jit(kernel)(*tuple(_d.values())))

</pallas_src>

<mosaic_0001>
#map = affine_map<(d0, d1) -> (0, 0, 0)>
#map1 = affine_map<(d0, d1) -> (0)>
#map2 = affine_map<(d0, d1) -> (0, 0)>
module attributes {stable_mosaic.version = 14 : i64} {
  func.func @_sc_body(%arg0: i32, %arg1: i32, %arg2: memref<3456x32x512xf32, #tpu.memory_space<hbm>>, %arg3: memref<32xi32, #tpu.memory_space<hbm>>, %arg4: memref<32x512xf32, #tpu.memory_space<hbm>>, %arg5: memref<3456x32x512xf32, #tpu.memory_space<hbm>>, %arg6: memref<32xi32, #tpu.memory_space<vmem>>, %arg7: memref<32x512xf32, #tpu.memory_space<vmem>>, %arg8: memref<32x512xf32, #tpu.memory_space<vmem>>, %arg9: memref<32x512xf32, #tpu.memory_space<vmem>>, %arg10: memref<32x512xf32, #tpu.memory_space<vmem>>, %arg11: memref<32x512xf32, #tpu.memory_space<vmem>>, %arg12: memref<32x512xf32, #tpu.memory_space<vmem>>, %arg13: memref<32x512xf32, #tpu.memory_space<vmem>>, %arg14: memref<109xi32, #tpu.memory_space<smem>>, %arg15: memref<109xi32, #tpu.memory_space<smem>>, %arg16: memref<!tpu.dma_semaphore, #tpu.memory_space<semaphore_mem>>, %arg17: memref<!tpu.dma_semaphore, #tpu.memory_space<semaphore_mem>>, %arg18: memref<!tpu.dma_semaphore, #tpu.memory_space<semaphore_mem>>, %arg19: memref<!tpu.dma_semaphore, #tpu.memory_space<semaphore_mem>>, %arg20: memref<!tpu.dma_semaphore, #tpu.memory_space<semaphore_mem>>, %arg21: memref<!tpu.dma_semaphore, #tpu.memory_space<semaphore_mem>>, %arg22: memref<!tpu.dma_semaphore, #tpu.memory_space<semaphore_mem>>, %arg23: memref<!tpu.dma_semaphore, #tpu.memory_space<semaphore_mem>>, %arg24: memref<!tpu.dma_semaphore, #tpu.memory_space<semaphore_mem>>, %arg25: memref<!tpu.dma_semaphore, #tpu.memory_space<semaphore_mem>>, %arg26: memref<!tpu.dma_semaphore, #tpu.memory_space<semaphore_mem>>, %arg27: memref<!tpu.dma_semaphore, #tpu.memory_space<semaphore_mem>>, %arg28: memref<!tpu.dma_semaphore, #tpu.memory_space<semaphore_mem>>) attributes {dimension_semantics = [#tpu.dimension_semantics<core_parallel>, #tpu.dimension_semantics<subcore_parallel>], iteration_bounds = array<i64: 2, 16>, scalar_prefetch = 0 : i64, scratch_operands = 23 : i64, tpu.core_type = #tpu.core_type<sc_vector_subcore>, window_params = [{transform_indices = #map}, {transform_indices = #map1}, {transform_indices = #map2}, {transform_indices = #map}]} {
    %mul3A = arith.constant 2 : i32
    %mul3A_0 = arith.muli %arg1, %mul3A : i32
    %add3A = arith.addi %mul3A_0, %arg0 : i32
    %mul3A_1 = arith.constant 108 : i32
    %mul3A_2 = arith.muli %add3A, %mul3A_1 : i32
    "tpu.region"() ({
      %run_scoped3A = tpu.sem_alloc : memref<!tpu.dma_semaphore, #tpu.memory_space<semaphore_mem>>
      tpu.enqueue_dma source(%arg3 : memref<32xi32, #tpu.memory_space<hbm>>) target(%arg6 : memref<32xi32, #tpu.memory_space<vmem>>) target_semaphore(%run_scoped3A : memref<!tpu.dma_semaphore, #tpu.memory_space<semaphore_mem>>)
      tpu.wait_dma2 semaphore(%run_scoped3A : memref<!tpu.dma_semaphore, #tpu.memory_space<semaphore_mem>>) src(%arg3 : memref<32xi32, #tpu.memory_space<hbm>>) dst(%arg6 : memref<32xi32, #tpu.memory_space<vmem>>)
      tpu.yield
    }) : () -> ()
    "tpu.region"() ({
      %run_scoped3A = tpu.sem_alloc : memref<!tpu.dma_semaphore, #tpu.memory_space<semaphore_mem>>
      tpu.enqueue_dma source(%arg4 : memref<32x512xf32, #tpu.memory_space<hbm>>) target(%arg7 : memref<32x512xf32, #tpu.memory_space<vmem>>) target_semaphore(%run_scoped3A : memref<!tpu.dma_semaphore, #tpu.memory_space<semaphore_mem>>)
      tpu.wait_dma2 semaphore(%run_scoped3A : memref<!tpu.dma_semaphore, #tpu.memory_space<semaphore_mem>>) src(%arg4 : memref<32x512xf32, #tpu.memory_space<hbm>>) dst(%arg7 : memref<32x512xf32, #tpu.memory_space<vmem>>)
      tpu.yield
    }) : () -> ()
    %get3A = arith.constant 0 : index
    %get3A_3 = tpu.vector_load %arg6[%get3A] {strides = array<i32>} : memref<32xi32, #tpu.memory_space<vmem>>, vector<16xi32>,
    %get3A_4 = vector.shape_cast %get3A_3 : vector<16xi32> to vector<16xi32>
    %get3A_5 = arith.constant 16 : index
    %get3A_6 = tpu.vector_load %arg6[%get3A_5] {strides = array<i32>} : memref<32xi32, #tpu.memory_space<vmem>>, vector<16xi32>,
    %get3A_7 = vector.shape_cast %get3A_6 : vector<16xi32> to vector<16xi32>
    %slice3A = vector.extract_strided_slice %get3A_4 {offsets = [0], sizes = [1], strides = [1]} : vector<16xi32> to vector<1xi32>
    %squeeze3A = vector.extract %slice3A[0] : i32 from vector<1xi32>
    %slice3A_8 = vector.extract_strided_slice %get3A_4 {offsets = [1], sizes = [1], strides = [1]} : vector<16xi32> to vector<1xi32>
    %squeeze3A_9 = vector.extract %slice3A_8[0] : i32 from vector<1xi32>
    %slice3A_10 = vector.extract_strided_slice %get3A_4 {offsets = [2], sizes = [1], strides = [1]} : vector<16xi32> to vector<1xi32>
    %squeeze3A_11 = vector.extract %slice3A_10[0] : i32 from vector<1xi32>
    %slice3A_12 = vector.extract_strided_slice %get3A_4 {offsets = [3], sizes = [1], strides = [1]} : vector<16xi32> to vector<1xi32>
    %squeeze3A_13 = vector.extract %slice3A_12[0] : i32 from vector<1xi32>
    %slice3A_14 = vector.extract_strided_slice %get3A_4 {offsets = [4], sizes = [1], strides = [1]} : vector<16xi32> to vector<1xi32>
    %squeeze3A_15 = vector.extract %slice3A_14[0] : i32 from vector<1xi32>
    %slice3A_16 = vector.extract_strided_slice %get3A_4 {offsets = [5], sizes = [1], strides = [1]} : vector<16xi32> to vector<1xi32>
    %squeeze3A_17 = vector.extract %slice3A_16[0] : i32 from vector<1xi32>
    %slice3A_18 = vector.extract_strided_slice %get3A_4 {offsets = [6], sizes = [1], strides = [1]} : vector<16xi32> to vector<1xi32>
    %squeeze3A_19 = vector.extract %slice3A_18[0] : i32 from vector<1xi32>
    %slice3A_20 = vector.extract_strided_slice %get3A_4 {offsets = [7], sizes = [1], strides = [1]} : vector<16xi32> to vector<1xi32>
    %squeeze3A_21 = vector.extract %slice3A_20[0] : i32 from vector<1xi32>
    %slice3A_22 = vector.extract_strided_slice %get3A_4 {offsets = [8], sizes = [1], strides = [1]} : vector<16xi32> to vector<1xi32>
    %squeeze3A_23 = vector.extract %slice3A_22[0] : i32 from vector<1xi32>
    %slice3A_24 = vector.extract_strided_slice %get3A_4 {offsets = [9], sizes = [1], strides = [1]} : vector<16xi32> to vector<1xi32>
    %squeeze3A_25 = vector.extract %slice3A_24[0] : i32 from vector<1xi32>
    %slice3A_26 = vector.extract_strided_slice %get3A_4 {offsets = [10], sizes = [1], strides = [1]} : vector<16xi32> to vector<1xi32>
    %squeeze3A_27 = vector.extract %slice3A_26[0] : i32 from vector<1xi32>
    %slice3A_28 = vector.extract_strided_slice %get3A_4 {offsets = [11], sizes = [1], strides = [1]} : vector<16xi32> to vector<1xi32>
    %squeeze3A_29 = vector.extract %slice3A_28[0] : i32 from vector<1xi32>
    %slice3A_30 = vector.extract_strided_slice %get3A_4 {offsets = [12], sizes = [1], strides = [1]} : vector<16xi32> to vector<1xi32>
    %squeeze3A_31 = vector.extract %slice3A_30[0] : i32 from vector<1xi32>
    %slice3A_32 = vector.extract_strided_slice %get3A_4 {offsets = [13], sizes = [1], strides = [1]} : vector<16xi32> to vector<1xi32>
    %squeeze3A_33 = vector.extract %slice3A_32[0] : i32 from vector<1xi32>
    %slice3A_34 = vector.extract_strided_slice %get3A_4 {offsets = [14], sizes = [1], strides = [1]} : vector<16xi32> to vector<1xi32>
    %squeeze3A_35 = vector.extract %slice3A_34[0] : i32 from vector<1xi32>
    %slice3A_36 = vector.extract_strided_slice %get3A_4 {offsets = [15], sizes = [1], strides = [1]} : vector<16xi32> to vector<1xi32>
    %squeeze3A_37 = vector.extract %slice3A_36[0] : i32 from vector<1xi32>
    %slice3A_38 = vector.extract_strided_slice %get3A_7 {offsets = [0], sizes = [1], strides = [1]} : vector<16xi32> to vector<1xi32>
    %squeeze3A_39 = vector.extract %slice3A_38[0] : i32 from vector<1xi32>
    %slice3A_40 = vector.extract_strided_slice %get3A_7 {offsets = [1], sizes = [1], strides = [1]} : vector<16xi32> to vector<1xi32>
    %squeeze3A_41 = vector.extract %slice3A_40[0] : i32 from vector<1xi32>
    %eq3A = arith.constant 1 : i32
    %eq3A_42 = arith.cmpi eq, %squeeze3A, %eq3A : i32
    %eq3A_43 = arith.constant 1 : i32
    %eq3A_44 = arith.cmpi eq, %squeeze3A_9, %eq3A_43 : i32
    %or3A = arith.ori %eq3A_42, %eq3A_44 : i1
    %eq3A_45 = arith.constant 1 : i32
    %eq3A_46 = arith.cmpi eq, %squeeze3A_11, %eq3A_45 : i32
    %or3A_47 = arith.ori %or3A, %eq3A_46 : i1
    %eq3A_48 = arith.constant 1 : i32
    %eq3A_49 = arith.cmpi eq, %squeeze3A_13, %eq3A_48 : i32
    %or3A_50 = arith.ori %or3A_47, %eq3A_49 : i1
    %eq3A_51 = arith.constant 1 : i32
    %eq3A_52 = arith.cmpi eq, %squeeze3A_15, %eq3A_51 : i32
    %or3A_53 = arith.ori %or3A_50, %eq3A_52 : i1
    %eq3A_54 = arith.constant 1 : i32
    %eq3A_55 = arith.cmpi eq, %squeeze3A_17, %eq3A_54 : i32
    %or3A_56 = arith.ori %or3A_53, %eq3A_55 : i1
    %eq3A_57 = arith.constant 1 : i32
    %eq3A_58 = arith.cmpi eq, %squeeze3A_19, %eq3A_57 : i32
    %or3A_59 = arith.ori %or3A_56, %eq3A_58 : i1
    %eq3A_60 = arith.constant 1 : i32
    %eq3A_61 = arith.cmpi eq, %squeeze3A_21, %eq3A_60 : i32
    %or3A_62 = arith.ori %or3A_59, %eq3A_61 : i1
    %eq3A_63 = arith.constant 1 : i32
    %eq3A_64 = arith.cmpi eq, %squeeze3A_23, %eq3A_63 : i32
    %or3A_65 = arith.ori %or3A_62, %eq3A_64 : i1
    %eq3A_66 = arith.constant 1 : i32
    %eq3A_67 = arith.cmpi eq, %squeeze3A_25, %eq3A_66 : i32
    %or3A_68 = arith.ori %or3A_65, %eq3A_67 : i1
    %eq3A_69 = arith.constant 1 : i32
    %eq3A_70 = arith.cmpi eq, %squeeze3A_27, %eq3A_69 : i32
    %or3A_71 = arith.ori %or3A_68, %eq3A_70 : i1
    %eq3A_72 = arith.constant 1 : i32
    %eq3A_73 = arith.cmpi eq, %squeeze3A_29, %eq3A_72 : i32
    %or3A_74 = arith.ori %or3A_71, %eq3A_73 : i1
    %eq3A_75 = arith.constant 1 : i32
    %eq3A_76 = arith.cmpi eq, %squeeze3A_31, %eq3A_75 : i32
    %or3A_77 = arith.ori %or3A_74, %eq3A_76 : i1
    %eq3A_78 = arith.constant 1 : i32
    %eq3A_79 = arith.cmpi eq, %squeeze3A_33, %eq3A_78 : i32
    %or3A_80 = arith.ori %or3A_77, %eq3A_79 : i1
    %eq3A_81 = arith.constant 1 : i32
    %eq3A_82 = arith.cmpi eq, %squeeze3A_35, %eq3A_81 : i32
    %or3A_83 = arith.ori %or3A_80, %eq3A_82 : i1
    %eq3A_84 = arith.constant 1 : i32
    %eq3A_85 = arith.cmpi eq, %squeeze3A_37, %eq3A_84 : i32
    %or3A_86 = arith.ori %or3A_83, %eq3A_85 : i1
    %eq3A_87 = arith.constant 1 : i32
    %eq3A_88 = arith.cmpi eq, %squeeze3A_39, %eq3A_87 : i32
    %or3A_89 = arith.ori %or3A_86, %eq3A_88 : i1
    %eq3A_90 = arith.constant 1 : i32
    %eq3A_91 = arith.cmpi eq, %squeeze3A_41, %eq3A_90 : i32
    %or3A_92 = arith.ori %or3A_89, %eq3A_91 : i1
    %eq3A_93 = arith.constant 2 : i32
    %eq3A_94 = arith.cmpi eq, %squeeze3A, %eq3A_93 : i32
    %eq3A_95 = arith.constant 2 : i32
    %eq3A_96 = arith.cmpi eq, %squeeze3A_9, %eq3A_95 : i32
    %or3A_97 = arith.ori %eq3A_94, %eq3A_96 : i1
    %eq3A_98 = arith.constant 2 : i32
    %eq3A_99 = arith.cmpi eq, %squeeze3A_11, %eq3A_98 : i32
    %or3A_100 = arith.ori %or3A_97, %eq3A_99 : i1
    %eq3A_101 = arith.constant 2 : i32
    %eq3A_102 = arith.cmpi eq, %squeeze3A_13, %eq3A_101 : i32
    %or3A_103 = arith.ori %or3A_100, %eq3A_102 : i1
    %eq3A_104 = arith.constant 2 : i32
    %eq3A_105 = arith.cmpi eq, %squeeze3A_15, %eq3A_104 : i32
    %or3A_106 = arith.ori %or3A_103, %eq3A_105 : i1
    %eq3A_107 = arith.constant 2 : i32
    %eq3A_108 = arith.cmpi eq, %squeeze3A_17, %eq3A_107 : i32
    %or3A_109 = arith.ori %or3A_106, %eq3A_108 : i1
    %eq3A_110 = arith.constant 2 : i32
    %eq3A_111 = arith.cmpi eq, %squeeze3A_19, %eq3A_110 : i32
    %or3A_112 = arith.ori %or3A_109, %eq3A_111 : i1
    %eq3A_113 = arith.constant 2 : i32
    %eq3A_114 = arith.cmpi eq, %squeeze3A_21, %eq3A_113 : i32
    %or3A_115 = arith.ori %or3A_112, %eq3A_114 : i1
    %eq3A_116 = arith.constant 2 : i32
    %eq3A_117 = arith.cmpi eq, %squeeze3A_23, %eq3A_116 : i32
    %or3A_118 = arith.ori %or3A_115, %eq3A_117 : i1
    %eq3A_119 = arith.constant 2 : i32
    %eq3A_120 = arith.cmpi eq, %squeeze3A_25, %eq3A_119 : i32
    %or3A_121 = arith.ori %or3A_118, %eq3A_120 : i1
    %eq3A_122 = arith.constant 2 : i32
    %eq3A_123 = arith.cmpi eq, %squeeze3A_27, %eq3A_122 : i32
    %or3A_124 = arith.ori %or3A_121, %eq3A_123 : i1
    %eq3A_125 = arith.constant 2 : i32
    %eq3A_126 = arith.cmpi eq, %squeeze3A_29, %eq3A_125 : i32
    %or3A_127 = arith.ori %or3A_124, %eq3A_126 : i1
    %eq3A_128 = arith.constant 2 : i32
    %eq3A_129 = arith.cmpi eq, %squeeze3A_31, %eq3A_128 : i32
    %or3A_130 = arith.ori %or3A_127, %eq3A_129 : i1
    %eq3A_131 = arith.constant 2 : i32
    %eq3A_132 = arith.cmpi eq, %squeeze3A_33, %eq3A_131 : i32
    %or3A_133 = arith.ori %or3A_130, %eq3A_132 : i1
    %eq3A_134 = arith.constant 2 : i32
    %eq3A_135 = arith.cmpi eq, %squeeze3A_35, %eq3A_134 : i32
    %or3A_136 = arith.ori %or3A_133, %eq3A_135 : i1
    %eq3A_137 = arith.constant 2 : i32
    %eq3A_138 = arith.cmpi eq, %squeeze3A_37, %eq3A_137 : i32
    %or3A_139 = arith.ori %or3A_136, %eq3A_138 : i1
    %eq3A_140 = arith.constant 2 : i32
    %eq3A_141 = arith.cmpi eq, %squeeze3A_39, %eq3A_140 : i32
    %or3A_142 = arith.ori %or3A_139, %eq3A_141 : i1
    %eq3A_143 = arith.constant 2 : i32
    %eq3A_144 = arith.cmpi eq, %squeeze3A_41, %eq3A_143 : i32
    %or3A_145 = arith.ori %or3A_142, %eq3A_144 : i1
    %eq3A_146 = arith.constant 3 : i32
    %eq3A_147 = arith.cmpi eq, %squeeze3A, %eq3A_146 : i32
    %eq3A_148 = arith.constant 3 : i32
    %eq3A_149 = arith.cmpi eq, %squeeze3A_9, %eq3A_148 : i32
    %or3A_150 = arith.ori %eq3A_147, %eq3A_149 : i1
    %eq3A_151 = arith.constant 3 : i32
    %eq3A_152 = arith.cmpi eq, %squeeze3A_11, %eq3A_151 : i32
    %or3A_153 = arith.ori %or3A_150, %eq3A_152 : i1
    %eq3A_154 = arith.constant 3 : i32
    %eq3A_155 = arith.cmpi eq, %squeeze3A_13, %eq3A_154 : i32
    %or3A_156 = arith.ori %or3A_153, %eq3A_155 : i1
    %eq3A_157 = arith.constant 3 : i32
    %eq3A_158 = arith.cmpi eq, %squeeze3A_15, %eq3A_157 : i32
    %or3A_159 = arith.ori %or3A_156, %eq3A_158 : i1
    %eq3A_160 = arith.constant 3 : i32
    %eq3A_161 = arith.cmpi eq, %squeeze3A_17, %eq3A_160 : i32
    %or3A_162 = arith.ori %or3A_159, %eq3A_161 : i1
    %eq3A_163 = arith.constant 3 : i32
    %eq3A_164 = arith.cmpi eq, %squeeze3A_19, %eq3A_163 : i32
    %or3A_165 = arith.ori %or3A_162, %eq3A_164 : i1
    %eq3A_166 = arith.constant 3 : i32
    %eq3A_167 = arith.cmpi eq, %squeeze3A_21, %eq3A_166 : i32
    %or3A_168 = arith.ori %or3A_165, %eq3A_167 : i1
    %eq3A_169 = arith.constant 3 : i32
    %eq3A_170 = arith.cmpi eq, %squeeze3A_23, %eq3A_169 : i32
    %or3A_171 = arith.ori %or3A_168, %eq3A_170 : i1
    %eq3A_172 = arith.constant 3 : i32
    %eq3A_173 = arith.cmpi eq, %squeeze3A_25, %eq3A_172 : i32
    %or3A_174 = arith.ori %or3A_171, %eq3A_173 : i1
    %eq3A_175 = arith.constant 3 : i32
    %eq3A_176 = arith.cmpi eq, %squeeze3A_27, %eq3A_175 : i32
    %or3A_177 = arith.ori %or3A_174, %eq3A_176 : i1
    %eq3A_178 = arith.constant 3 : i32
    %eq3A_179 = arith.cmpi eq, %squeeze3A_29, %eq3A_178 : i32
    %or3A_180 = arith.ori %or3A_177, %eq3A_179 : i1
    %eq3A_181 = arith.constant 3 : i32
    %eq3A_182 = arith.cmpi eq, %squeeze3A_31, %eq3A_181 : i32
    %or3A_183 = arith.ori %or3A_180, %eq3A_182 : i1
    %eq3A_184 = arith.constant 3 : i32
    %eq3A_185 = arith.cmpi eq, %squeeze3A_33, %eq3A_184 : i32
    %or3A_186 = arith.ori %or3A_183, %eq3A_185 : i1
    %eq3A_187 = arith.constant 3 : i32
    %eq3A_188 = arith.cmpi eq, %squeeze3A_35, %eq3A_187 : i32
    %or3A_189 = arith.ori %or3A_186, %eq3A_188 : i1
    %eq3A_190 = arith.constant 3 : i32
    %eq3A_191 = arith.cmpi eq, %squeeze3A_37, %eq3A_190 : i32
    %or3A_192 = arith.ori %or3A_189, %eq3A_191 : i1
    %eq3A_193 = arith.constant 3 : i32
    %eq3A_194 = arith.cmpi eq, %squeeze3A_39, %eq3A_193 : i32
    %or3A_195 = arith.ori %or3A_192, %eq3A_194 : i1
    %eq3A_196 = arith.constant 3 : i32
    %eq3A_197 = arith.cmpi eq, %squeeze3A_41, %eq3A_196 : i32
    %or3A_198 = arith.ori %or3A_195, %eq3A_197 : i1
    %eq3A_199 = arith.constant 4 : i32
    %eq3A_200 = arith.cmpi eq, %squeeze3A, %eq3A_199 : i32
    %eq3A_201 = arith.constant 4 : i32
    %eq3A_202 = arith.cmpi eq, %squeeze3A_9, %eq3A_201 : i32
    %or3A_203 = arith.ori %eq3A_200, %eq3A_202 : i1
    %eq3A_204 = arith.constant 4 : i32
    %eq3A_205 = arith.cmpi eq, %squeeze3A_11, %eq3A_204 : i32
    %or3A_206 = arith.ori %or3A_203, %eq3A_205 : i1
    %eq3A_207 = arith.constant 4 : i32
    %eq3A_208 = arith.cmpi eq, %squeeze3A_13, %eq3A_207 : i32
    %or3A_209 = arith.ori %or3A_206, %eq3A_208 : i1
    %eq3A_210 = arith.constant 4 : i32
    %eq3A_211 = arith.cmpi eq, %squeeze3A_15, %eq3A_210 : i32
    %or3A_212 = arith.ori %or3A_209, %eq3A_211 : i1
    %eq3A_213 = arith.constant 4 : i32
    %eq3A_214 = arith.cmpi eq, %squeeze3A_17, %eq3A_213 : i32
    %or3A_215 = arith.ori %or3A_212, %eq3A_214 : i1
    %eq3A_216 = arith.constant 4 : i32
    %eq3A_217 = arith.cmpi eq, %squeeze3A_19, %eq3A_216 : i32
    %or3A_218 = arith.ori %or3A_215, %eq3A_217 : i1
    %eq3A_219 = arith.constant 4 : i32
    %eq3A_220 = arith.cmpi eq, %squeeze3A_21, %eq3A_219 : i32
    %or3A_221 = arith.ori %or3A_218, %eq3A_220 : i1
    %eq3A_222 = arith.constant 4 : i32
    %eq3A_223 = arith.cmpi eq, %squeeze3A_23, %eq3A_222 : i32
    %or3A_224 = arith.ori %or3A_221, %eq3A_223 : i1
    %eq3A_225 = arith.constant 4 : i32
    %eq3A_226 = arith.cmpi eq, %squeeze3A_25, %eq3A_225 : i32
    %or3A_227 = arith.ori %or3A_224, %eq3A_226 : i1
    %eq3A_228 = arith.constant 4 : i32
    %eq3A_229 = arith.cmpi eq, %squeeze3A_27, %eq3A_228 : i32
    %or3A_230 = arith.ori %or3A_227, %eq3A_229 : i1
    %eq3A_231 = arith.constant 4 : i32
    %eq3A_232 = arith.cmpi eq, %squeeze3A_29, %eq3A_231 : i32
    %or3A_233 = arith.ori %or3A_230, %eq3A_232 : i1
    %eq3A_234 = arith.constant 4 : i32
    %eq3A_235 = arith.cmpi eq, %squeeze3A_31, %eq3A_234 : i32
    %or3A_236 = arith.ori %or3A_233, %eq3A_235 : i1
    %eq3A_237 = arith.constant 4 : i32
    %eq3A_238 = arith.cmpi eq, %squeeze3A_33, %eq3A_237 : i32
    %or3A_239 = arith.ori %or3A_236, %eq3A_238 : i1
    %eq3A_240 = arith.constant 4 : i32
    %eq3A_241 = arith.cmpi eq, %squeeze3A_35, %eq3A_240 : i32
    %or3A_242 = arith.ori %or3A_239, %eq3A_241 : i1
    %eq3A_243 = arith.constant 4 : i32
    %eq3A_244 = arith.cmpi eq, %squeeze3A_37, %eq3A_243 : i32
    %or3A_245 = arith.ori %or3A_242, %eq3A_244 : i1
    %eq3A_246 = arith.constant 4 : i32
    %eq3A_247 = arith.cmpi eq, %squeeze3A_39, %eq3A_246 : i32
    %or3A_248 = arith.ori %or3A_245, %eq3A_247 : i1
    %eq3A_249 = arith.constant 4 : i32
    %eq3A_250 = arith.cmpi eq, %squeeze3A_41, %eq3A_249 : i32
    %or3A_251 = arith.ori %or3A_248, %eq3A_250 : i1
    %eq3A_252 = arith.constant 5 : i32
    %eq3A_253 = arith.cmpi eq, %squeeze3A, %eq3A_252 : i32
    %eq3A_254 = arith.constant 5 : i32
    %eq3A_255 = arith.cmpi eq, %squeeze3A_9, %eq3A_254 : i32
    %or3A_256 = arith.ori %eq3A_253, %eq3A_255 : i1
    %eq3A_257 = arith.constant 5 : i32
    %eq3A_258 = arith.cmpi eq, %squeeze3A_11, %eq3A_257 : i32
    %or3A_259 = arith.ori %or3A_256, %eq3A_258 : i1
    %eq3A_260 = arith.constant 5 : i32
    %eq3A_261 = arith.cmpi eq, %squeeze3A_13, %eq3A_260 : i32
    %or3A_262 = arith.ori %or3A_259, %eq3A_261 : i1
    %eq3A_263 = arith.constant 5 : i32
    %eq3A_264 = arith.cmpi eq, %squeeze3A_15, %eq3A_263 : i32
    %or3A_265 = arith.ori %or3A_262, %eq3A_264 : i1
    %eq3A_266 = arith.constant 5 : i32
    %eq3A_267 = arith.cmpi eq, %squeeze3A_17, %eq3A_266 : i32
    %or3A_268 = arith.ori %or3A_265, %eq3A_267 : i1
    %eq3A_269 = arith.constant 5 : i32
    %eq3A_270 = arith.cmpi eq, %squeeze3A_19, %eq3A_269 : i32
    %or3A_271 = arith.ori %or3A_268, %eq3A_270 : i1
    %eq3A_272 = arith.constant 5 : i32
    %eq3A_273 = arith.cmpi eq, %squeeze3A_21, %eq3A_272 : i32
    %or3A_274 = arith.ori %or3A_271, %eq3A_273 : i1
    %eq3A_275 = arith.constant 5 : i32
    %eq3A_276 = arith.cmpi eq, %squeeze3A_23, %eq3A_275 : i32
    %or3A_277 = arith.ori %or3A_274, %eq3A_276 : i1
    %eq3A_278 = arith.constant 5 : i32
    %eq3A_279 = arith.cmpi eq, %squeeze3A_25, %eq3A_278 : i32
    %or3A_280 = arith.ori %or3A_277, %eq3A_279 : i1
    %eq3A_281 = arith.constant 5 : i32
    %eq3A_282 = arith.cmpi eq, %squeeze3A_27, %eq3A_281 : i32
    %or3A_283 = arith.ori %or3A_280, %eq3A_282 : i1
    %eq3A_284 = arith.constant 5 : i32
    %eq3A_285 = arith.cmpi eq, %squeeze3A_29, %eq3A_284 : i32
    %or3A_286 = arith.ori %or3A_283, %eq3A_285 : i1
    %eq3A_287 = arith.constant 5 : i32
    %eq3A_288 = arith.cmpi eq, %squeeze3A_31, %eq3A_287 : i32
    %or3A_289 = arith.ori %or3A_286, %eq3A_288 : i1
    %eq3A_290 = arith.constant 5 : i32
    %eq3A_291 = arith.cmpi eq, %squeeze3A_33, %eq3A_290 : i32
    %or3A_292 = arith.ori %or3A_289, %eq3A_291 : i1
    %eq3A_293 = arith.constant 5 : i32
    %eq3A_294 = arith.cmpi eq, %squeeze3A_35, %eq3A_293 : i32
    %or3A_295 = arith.ori %or3A_292, %eq3A_294 : i1
    %eq3A_296 = arith.constant 5 : i32
    %eq3A_297 = arith.cmpi eq, %squeeze3A_37, %eq3A_296 : i32
    %or3A_298 = arith.ori %or3A_295, %eq3A_297 : i1
    %eq3A_299 = arith.constant 5 : i32
    %eq3A_300 = arith.cmpi eq, %squeeze3A_39, %eq3A_299 : i32
    %or3A_301 = arith.ori %or3A_298, %eq3A_300 : i1
    %eq3A_302 = arith.constant 5 : i32
    %eq3A_303 = arith.cmpi eq, %squeeze3A_41, %eq3A_302 : i32
    %or3A_304 = arith.ori %or3A_301, %eq3A_303 : i1
    %eq3A_305 = arith.constant 6 : i32
    %eq3A_306 = arith.cmpi eq, %squeeze3A, %eq3A_305 : i32
    %eq3A_307 = arith.constant 6 : i32
    %eq3A_308 = arith.cmpi eq, %squeeze3A_9, %eq3A_307 : i32
    %or3A_309 = arith.ori %eq3A_306, %eq3A_308 : i1
    %eq3A_310 = arith.constant 6 : i32
    %eq3A_311 = arith.cmpi eq, %squeeze3A_11, %eq3A_310 : i32
    %or3A_312 = arith.ori %or3A_309, %eq3A_311 : i1
    %eq3A_313 = arith.constant 6 : i32
    %eq3A_314 = arith.cmpi eq, %squeeze3A_13, %eq3A_313 : i32
    %or3A_315 = arith.ori %or3A_312, %eq3A_314 : i1
    %eq3A_316 = arith.constant 6 : i32
    %eq3A_317 = arith.cmpi eq, %squeeze3A_15, %eq3A_316 : i32
    %or3A_318 = arith.ori %or3A_315, %eq3A_317 : i1
    %eq3A_319 = arith.constant 6 : i32
    %eq3A_320 = arith.cmpi eq, %squeeze3A_17, %eq3A_319 : i32
    %or3A_321 = arith.ori %or3A_318, %eq3A_320 : i1
    %eq3A_322 = arith.constant 6 : i32
    %eq3A_323 = arith.cmpi eq, %squeeze3A_19, %eq3A_322 : i32
    %or3A_324 = arith.ori %or3A_321, %eq3A_323 : i1
    %eq3A_325 = arith.constant 6 : i32
    %eq3A_326 = arith.cmpi eq, %squeeze3A_21, %eq3A_325 : i32
    %or3A_327 = arith.ori %or3A_324, %eq3A_326 : i1
    %eq3A_328 = arith.constant 6 : i32
    %eq3A_329 = arith.cmpi eq, %squeeze3A_23, %eq3A_328 : i32
    %or3A_330 = arith.ori %or3A_327, %eq3A_329 : i1
    %eq3A_331 = arith.constant 6 : i32
    %eq3A_332 = arith.cmpi eq, %squeeze3A_25, %eq3A_331 : i32
    %or3A_333 = arith.ori %or3A_330, %eq3A_332 : i1
    %eq3A_334 = arith.constant 6 : i32
    %eq3A_335 = arith.cmpi eq, %squeeze3A_27, %eq3A_334 : i32
    %or3A_336 = arith.ori %or3A_333, %eq3A_335 : i1
    %eq3A_337 = arith.constant 6 : i32
    %eq3A_338 = arith.cmpi eq, %squeeze3A_29, %eq3A_337 : i32
    %or3A_339 = arith.ori %or3A_336, %eq3A_338 : i1
    %eq3A_340 = arith.constant 6 : i32
    %eq3A_341 = arith.cmpi eq, %squeeze3A_31, %eq3A_340 : i32
    %or3A_342 = arith.ori %or3A_339, %eq3A_341 : i1
    %eq3A_343 = arith.constant 6 : i32
    %eq3A_344 = arith.cmpi eq, %squeeze3A_33, %eq3A_343 : i32
    %or3A_345 = arith.ori %or3A_342, %eq3A_344 : i1
    %eq3A_346 = arith.constant 6 : i32
    %eq3A_347 = arith.cmpi eq, %squeeze3A_35, %eq3A_346 : i32
    %or3A_348 = arith.ori %or3A_345, %eq3A_347 : i1
    %eq3A_349 = arith.constant 6 : i32
    %eq3A_350 = arith.cmpi eq, %squeeze3A_37, %eq3A_349 : i32
    %or3A_351 = arith.ori %or3A_348, %eq3A_350 : i1
    %eq3A_352 = arith.constant 6 : i32
    %eq3A_353 = arith.cmpi eq, %squeeze3A_39, %eq3A_352 : i32
    %or3A_354 = arith.ori %or3A_351, %eq3A_353 : i1
    %eq3A_355 = arith.constant 6 : i32
    %eq3A_356 = arith.cmpi eq, %squeeze3A_41, %eq3A_355 : i32
    %or3A_357 = arith.ori %or3A_354, %eq3A_356 : i1
    %eq3A_358 = arith.constant 7 : i32
    %eq3A_359 = arith.cmpi eq, %squeeze3A, %eq3A_358 : i32
    %eq3A_360 = arith.constant 7 : i32
    %eq3A_361 = arith.cmpi eq, %squeeze3A_9, %eq3A_360 : i32
    %or3A_362 = arith.ori %eq3A_359, %eq3A_361 : i1
    %eq3A_363 = arith.constant 7 : i32
    %eq3A_364 = arith.cmpi eq, %squeeze3A_11, %eq3A_363 : i32
    %or3A_365 = arith.ori %or3A_362, %eq3A_364 : i1
    %eq3A_366 = arith.constant 7 : i32
    %eq3A_367 = arith.cmpi eq, %squeeze3A_13, %eq3A_366 : i32
    %or3A_368 = arith.ori %or3A_365, %eq3A_367 : i1
    %eq3A_369 = arith.constant 7 : i32
    %eq3A_370 = arith.cmpi eq, %squeeze3A_15, %eq3A_369 : i32
    %or3A_371 = arith.ori %or3A_368, %eq3A_370 : i1
    %eq3A_372 = arith.constant 7 : i32
    %eq3A_373 = arith.cmpi eq, %squeeze3A_17, %eq3A_372 : i32
    %or3A_374 = arith.ori %or3A_371, %eq3A_373 : i1
    %eq3A_375 = arith.constant 7 : i32
    %eq3A_376 = arith.cmpi eq, %squeeze3A_19, %eq3A_375 : i32
    %or3A_377 = arith.ori %or3A_374, %eq3A_376 : i1
    %eq3A_378 = arith.constant 7 : i32
    %eq3A_379 = arith.cmpi eq, %squeeze3A_21, %eq3A_378 : i32
    %or3A_380 = arith.ori %or3A_377, %eq3A_379 : i1
    %eq3A_381 = arith.constant 7 : i32
    %eq3A_382 = arith.cmpi eq, %squeeze3A_23, %eq3A_381 : i32
    %or3A_383 = arith.ori %or3A_380, %eq3A_382 : i1
    %eq3A_384 = arith.constant 7 : i32
    %eq3A_385 = arith.cmpi eq, %squeeze3A_25, %eq3A_384 : i32
    %or3A_386 = arith.ori %or3A_383, %eq3A_385 : i1
    %eq3A_387 = arith.constant 7 : i32
    %eq3A_388 = arith.cmpi eq, %squeeze3A_27, %eq3A_387 : i32
    %or3A_389 = arith.ori %or3A_386, %eq3A_388 : i1
    %eq3A_390 = arith.constant 7 : i32
    %eq3A_391 = arith.cmpi eq, %squeeze3A_29, %eq3A_390 : i32
    %or3A_392 = arith.ori %or3A_389, %eq3A_391 : i1
    %eq3A_393 = arith.constant 7 : i32
    %eq3A_394 = arith.cmpi eq, %squeeze3A_31, %eq3A_393 : i32
    %or3A_395 = arith.ori %or3A_392, %eq3A_394 : i1
    %eq3A_396 = arith.constant 7 : i32
    %eq3A_397 = arith.cmpi eq, %squeeze3A_33, %eq3A_396 : i32
    %or3A_398 = arith.ori %or3A_395, %eq3A_397 : i1
    %eq3A_399 = arith.constant 7 : i32
    %eq3A_400 = arith.cmpi eq, %squeeze3A_35, %eq3A_399 : i32
    %or3A_401 = arith.ori %or3A_398, %eq3A_400 : i1
    %eq3A_402 = arith.constant 7 : i32
    %eq3A_403 = arith.cmpi eq, %squeeze3A_37, %eq3A_402 : i32
    %or3A_404 = arith.ori %or3A_401, %eq3A_403 : i1
    %eq3A_405 = arith.constant 7 : i32
    %eq3A_406 = arith.cmpi eq, %squeeze3A_39, %eq3A_405 : i32
    %or3A_407 = arith.ori %or3A_404, %eq3A_406 : i1
    %eq3A_408 = arith.constant 7 : i32
    %eq3A_409 = arith.cmpi eq, %squeeze3A_41, %eq3A_408 : i32
    %or3A_410 = arith.ori %or3A_407, %eq3A_409 : i1
    %eq3A_411 = arith.constant 8 : i32
    %eq3A_412 = arith.cmpi eq, %squeeze3A, %eq3A_411 : i32
    %eq3A_413 = arith.constant 8 : i32
    %eq3A_414 = arith.cmpi eq, %squeeze3A_9, %eq3A_413 : i32
    %or3A_415 = arith.ori %eq3A_412, %eq3A_414 : i1
    %eq3A_416 = arith.constant 8 : i32
    %eq3A_417 = arith.cmpi eq, %squeeze3A_11, %eq3A_416 : i32
    %or3A_418 = arith.ori %or3A_415, %eq3A_417 : i1
    %eq3A_419 = arith.constant 8 : i32
    %eq3A_420 = arith.cmpi eq, %squeeze3A_13, %eq3A_419 : i32
    %or3A_421 = arith.ori %or3A_418, %eq3A_420 : i1
    %eq3A_422 = arith.constant 8 : i32
    %eq3A_423 = arith.cmpi eq, %squeeze3A_15, %eq3A_422 : i32
    %or3A_424 = arith.ori %or3A_421, %eq3A_423 : i1
    %eq3A_425 = arith.constant 8 : i32
    %eq3A_426 = arith.cmpi eq, %squeeze3A_17, %eq3A_425 : i32
    %or3A_427 = arith.ori %or3A_424, %eq3A_426 : i1
    %eq3A_428 = arith.constant 8 : i32
    %eq3A_429 = arith.cmpi eq, %squeeze3A_19, %eq3A_428 : i32
    %or3A_430 = arith.ori %or3A_427, %eq3A_429 : i1
    %eq3A_431 = arith.constant 8 : i32
    %eq3A_432 = arith.cmpi eq, %squeeze3A_21, %eq3A_431 : i32
    %or3A_433 = arith.ori %or3A_430, %eq3A_432 : i1
    %eq3A_434 = arith.constant 8 : i32
    %eq3A_435 = arith.cmpi eq, %squeeze3A_23, %eq3A_434 : i32
    %or3A_436 = arith.ori %or3A_433, %eq3A_435 : i1
    %eq3A_437 = arith.constant 8 : i32
    %eq3A_438 = arith.cmpi eq, %squeeze3A_25, %eq3A_437 : i32
    %or3A_439 = arith.ori %or3A_436, %eq3A_438 : i1
    %eq3A_440 = arith.constant 8 : i32
    %eq3A_441 = arith.cmpi eq, %squeeze3A_27, %eq3A_440 : i32
    %or3A_442 = arith.ori %or3A_439, %eq3A_441 : i1
    %eq3A_443 = arith.constant 8 : i32
    %eq3A_444 = arith.cmpi eq, %squeeze3A_29, %eq3A_443 : i32
    %or3A_445 = arith.ori %or3A_442, %eq3A_444 : i1
    %eq3A_446 = arith.constant 8 : i32
    %eq3A_447 = arith.cmpi eq, %squeeze3A_31, %eq3A_446 : i32
    %or3A_448 = arith.ori %or3A_445, %eq3A_447 : i1
    %eq3A_449 = arith.constant 8 : i32
    %eq3A_450 = arith.cmpi eq, %squeeze3A_33, %eq3A_449 : i32
    %or3A_451 = arith.ori %or3A_448, %eq3A_450 : i1
    %eq3A_452 = arith.constant 8 : i32
    %eq3A_453 = arith.cmpi eq, %squeeze3A_35, %eq3A_452 : i32
    %or3A_454 = arith.ori %or3A_451, %eq3A_453 : i1
    %eq3A_455 = arith.constant 8 : i32
    %eq3A_456 = arith.cmpi eq, %squeeze3A_37, %eq3A_455 : i32
    %or3A_457 = arith.ori %or3A_454, %eq3A_456 : i1
    %eq3A_458 = arith.constant 8 : i32
    %eq3A_459 = arith.cmpi eq, %squeeze3A_39, %eq3A_458 : i32
    %or3A_460 = arith.ori %or3A_457, %eq3A_459 : i1
    %eq3A_461 = arith.constant 8 : i32
    %eq3A_462 = arith.cmpi eq, %squeeze3A_41, %eq3A_461 : i32
    %or3A_463 = arith.ori %or3A_460, %eq3A_462 : i1
    %eq3A_464 = arith.constant 9 : i32
    %eq3A_465 = arith.cmpi eq, %squeeze3A, %eq3A_464 : i32
    %eq3A_466 = arith.constant 9 : i32
    %eq3A_467 = arith.cmpi eq, %squeeze3A_9, %eq3A_466 : i32
    %or3A_468 = arith.ori %eq3A_465, %eq3A_467 : i1
    %eq3A_469 = arith.constant 9 : i32
    %eq3A_470 = arith.cmpi eq, %squeeze3A_11, %eq3A_469 : i32
    %or3A_471 = arith.ori %or3A_468, %eq3A_470 : i1
    %eq3A_472 = arith.constant 9 : i32
    %eq3A_473 = arith.cmpi eq, %squeeze3A_13, %eq3A_472 : i32
    %or3A_474 = arith.ori %or3A_471, %eq3A_473 : i1
    %eq3A_475 = arith.constant 9 : i32
    %eq3A_476 = arith.cmpi eq, %squeeze3A_15, %eq3A_475 : i32
    %or3A_477 = arith.ori %or3A_474, %eq3A_476 : i1
    %eq3A_478 = arith.constant 9 : i32
    %eq3A_479 = arith.cmpi eq, %squeeze3A_17, %eq3A_478 : i32
    %or3A_480 = arith.ori %or3A_477, %eq3A_479 : i1
    %eq3A_481 = arith.constant 9 : i32
    %eq3A_482 = arith.cmpi eq, %squeeze3A_19, %eq3A_481 : i32
    %or3A_483 = arith.ori %or3A_480, %eq3A_482 : i1
    %eq3A_484 = arith.constant 9 : i32
    %eq3A_485 = arith.cmpi eq, %squeeze3A_21, %eq3A_484 : i32
    %or3A_486 = arith.ori %or3A_483, %eq3A_485 : i1
    %eq3A_487 = arith.constant 9 : i32
    %eq3A_488 = arith.cmpi eq, %squeeze3A_23, %eq3A_487 : i32
    %or3A_489 = arith.ori %or3A_486, %eq3A_488 : i1
    %eq3A_490 = arith.constant 9 : i32
    %eq3A_491 = arith.cmpi eq, %squeeze3A_25, %eq3A_490 : i32
    %or3A_492 = arith.ori %or3A_489, %eq3A_491 : i1
    %eq3A_493 = arith.constant 9 : i32
    %eq3A_494 = arith.cmpi eq, %squeeze3A_27, %eq3A_493 : i32
    %or3A_495 = arith.ori %or3A_492, %eq3A_494 : i1
    %eq3A_496 = arith.constant 9 : i32
    %eq3A_497 = arith.cmpi eq, %squeeze3A_29, %eq3A_496 : i32
    %or3A_498 = arith.ori %or3A_495, %eq3A_497 : i1
    %eq3A_499 = arith.constant 9 : i32
    %eq3A_500 = arith.cmpi eq, %squeeze3A_31, %eq3A_499 : i32
    %or3A_501 = arith.ori %or3A_498, %eq3A_500 : i1
    %eq3A_502 = arith.constant 9 : i32
    %eq3A_503 = arith.cmpi eq, %squeeze3A_33, %eq3A_502 : i32
    %or3A_504 = arith.ori %or3A_501, %eq3A_503 : i1
    %eq3A_505 = arith.constant 9 : i32
    %eq3A_506 = arith.cmpi eq, %squeeze3A_35, %eq3A_505 : i32
    %or3A_507 = arith.ori %or3A_504, %eq3A_506 : i1
    %eq3A_508 = arith.constant 9 : i32
    %eq3A_509 = arith.cmpi eq, %squeeze3A_37, %eq3A_508 : i32
    %or3A_510 = arith.ori %or3A_507, %eq3A_509 : i1
    %eq3A_511 = arith.constant 9 : i32
    %eq3A_512 = arith.cmpi eq, %squeeze3A_39, %eq3A_511 : i32
    %or3A_513 = arith.ori %or3A_510, %eq3A_512 : i1
    %eq3A_514 = arith.constant 9 : i32
    %eq3A_515 = arith.cmpi eq, %squeeze3A_41, %eq3A_514 : i32
    %or3A_516 = arith.ori %or3A_513, %eq3A_515 : i1
    %eq3A_517 = arith.constant 10 : i32
    %eq3A_518 = arith.cmpi eq, %squeeze3A, %eq3A_517 : i32
    %eq3A_519 = arith.constant 10 : i32
    %eq3A_520 = arith.cmpi eq, %squeeze3A_9, %eq3A_519 : i32
    %or3A_521 = arith.ori %eq3A_518, %eq3A_520 : i1
    %eq3A_522 = arith.constant 10 : i32
    %eq3A_523 = arith.cmpi eq, %squeeze3A_11, %eq3A_522 : i32
    %or3A_524 = arith.ori %or3A_521, %eq3A_523 : i1
    %eq3A_525 = arith.constant 10 : i32
    %eq3A_526 = arith.cmpi eq, %squeeze3A_13, %eq3A_525 : i32
    %or3A_527 = arith.ori %or3A_524, %eq3A_526 : i1
    %eq3A_528 = arith.constant 10 : i32
    %eq3A_529 = arith.cmpi eq, %squeeze3A_15, %eq3A_528 : i32
    %or3A_530 = arith.ori %or3A_527, %eq3A_529 : i1
    %eq3A_531 = arith.constant 10 : i32
    %eq3A_532 = arith.cmpi eq, %squeeze3A_17, %eq3A_531 : i32
    %or3A_533 = arith.ori %or3A_530, %eq3A_532 : i1
    %eq3A_534 = arith.constant 10 : i32
    %eq3A_535 = arith.cmpi eq, %squeeze3A_19, %eq3A_534 : i32
    %or3A_536 = arith.ori %or3A_533, %eq3A_535 : i1
    %eq3A_537 = arith.constant 10 : i32
    %eq3A_538 = arith.cmpi eq, %squeeze3A_21, %eq3A_537 : i32
    %or3A_539 = arith.ori %or3A_536, %eq3A_538 : i1
    %eq3A_540 = arith.constant 10 : i32
    %eq3A_541 = arith.cmpi eq, %squeeze3A_23, %eq3A_540 : i32
    %or3A_542 = arith.ori %or3A_539, %eq3A_541 : i1
    %eq3A_543 = arith.constant 10 : i32
    %eq3A_544 = arith.cmpi eq, %squeeze3A_25, %eq3A_543 : i32
    %or3A_545 = arith.ori %or3A_542, %eq3A_544 : i1
    %eq3A_546 = arith.constant 10 : i32
    %eq3A_547 = arith.cmpi eq, %squeeze3A_27, %eq3A_546 : i32
    %or3A_548 = arith.ori %or3A_545, %eq3A_547 : i1
    %eq3A_549 = arith.constant 10 : i32
    %eq3A_550 = arith.cmpi eq, %squeeze3A_29, %eq3A_549 : i32
    %or3A_551 = arith.ori %or3A_548, %eq3A_550 : i1
    %eq3A_552 = arith.constant 10 : i32
    %eq3A_553 = arith.cmpi eq, %squeeze3A_31, %eq3A_552 : i32
    %or3A_554 = arith.ori %or3A_551, %eq3A_553 : i1
    %eq3A_555 = arith.constant 10 : i32
    %eq3A_556 = arith.cmpi eq, %squeeze3A_33, %eq3A_555 : i32
    %or3A_557 = arith.ori %or3A_554, %eq3A_556 : i1
    %eq3A_558 = arith.constant 10 : i32
    %eq3A_559 = arith.cmpi eq, %squeeze3A_35, %eq3A_558 : i32
    %or3A_560 = arith.ori %or3A_557, %eq3A_559 : i1
    %eq3A_561 = arith.constant 10 : i32
    %eq3A_562 = arith.cmpi eq, %squeeze3A_37, %eq3A_561 : i32
    %or3A_563 = arith.ori %or3A_560, %eq3A_562 : i1
    %eq3A_564 = arith.constant 10 : i32
    %eq3A_565 = arith.cmpi eq, %squeeze3A_39, %eq3A_564 : i32
    %or3A_566 = arith.ori %or3A_563, %eq3A_565 : i1
    %eq3A_567 = arith.constant 10 : i32
    %eq3A_568 = arith.cmpi eq, %squeeze3A_41, %eq3A_567 : i32
    %or3A_569 = arith.ori %or3A_566, %eq3A_568 : i1
    %eq3A_570 = arith.constant 11 : i32
    %eq3A_571 = arith.cmpi eq, %squeeze3A, %eq3A_570 : i32
    %eq3A_572 = arith.constant 11 : i32
    %eq3A_573 = arith.cmpi eq, %squeeze3A_9, %eq3A_572 : i32
    %or3A_574 = arith.ori %eq3A_571, %eq3A_573 : i1
    %eq3A_575 = arith.constant 11 : i32
    %eq3A_576 = arith.cmpi eq, %squeeze3A_11, %eq3A_575 : i32
    %or3A_577 = arith.ori %or3A_574, %eq3A_576 : i1
    %eq3A_578 = arith.constant 11 : i32
    %eq3A_579 = arith.cmpi eq, %squeeze3A_13, %eq3A_578 : i32
    %or3A_580 = arith.ori %or3A_577, %eq3A_579 : i1
    %eq3A_581 = arith.constant 11 : i32
    %eq3A_582 = arith.cmpi eq, %squeeze3A_15, %eq3A_581 : i32
    %or3A_583 = arith.ori %or3A_580, %eq3A_582 : i1
    %eq3A_584 = arith.constant 11 : i32
    %eq3A_585 = arith.cmpi eq, %squeeze3A_17, %eq3A_584 : i32
    %or3A_586 = arith.ori %or3A_583, %eq3A_585 : i1
    %eq3A_587 = arith.constant 11 : i32
    %eq3A_588 = arith.cmpi eq, %squeeze3A_19, %eq3A_587 : i32
    %or3A_589 = arith.ori %or3A_586, %eq3A_588 : i1
    %eq3A_590 = arith.constant 11 : i32
    %eq3A_591 = arith.cmpi eq, %squeeze3A_21, %eq3A_590 : i32
    %or3A_592 = arith.ori %or3A_589, %eq3A_591 : i1
    %eq3A_593 = arith.constant 11 : i32
    %eq3A_594 = arith.cmpi eq, %squeeze3A_23, %eq3A_593 : i32
    %or3A_595 = arith.ori %or3A_592, %eq3A_594 : i1
    %eq3A_596 = arith.constant 11 : i32
    %eq3A_597 = arith.cmpi eq, %squeeze3A_25, %eq3A_596 : i32
    %or3A_598 = arith.ori %or3A_595, %eq3A_597 : i1
    %eq3A_599 = arith.constant 11 : i32
    %eq3A_600 = arith.cmpi eq, %squeeze3A_27, %eq3A_599 : i32
    %or3A_601 = arith.ori %or3A_598, %eq3A_600 : i1
    %eq3A_602 = arith.constant 11 : i32
    %eq3A_603 = arith.cmpi eq, %squeeze3A_29, %eq3A_602 : i32
    %or3A_604 = arith.ori %or3A_601, %eq3A_603 : i1
    %eq3A_605 = arith.constant 11 : i32
    %eq3A_606 = arith.cmpi eq, %squeeze3A_31, %eq3A_605 : i32
    %or3A_607 = arith.ori %or3A_604, %eq3A_606 : i1
    %eq3A_608 = arith.constant 11 : i32
    %eq3A_609 = arith.cmpi eq, %squeeze3A_33, %eq3A_608 : i32
    %or3A_610 = arith.ori %or3A_607, %eq3A_609 : i1
    %eq3A_611 = arith.constant 11 : i32
    %eq3A_612 = arith.cmpi eq, %squeeze3A_35, %eq3A_611 : i32
    %or3A_613 = arith.ori %or3A_610, %eq3A_612 : i1
    %eq3A_614 = arith.constant 11 : i32
    %eq3A_615 = arith.cmpi eq, %squeeze3A_37, %eq3A_614 : i32
    %or3A_616 = arith.ori %or3A_613, %eq3A_615 : i1
    %eq3A_617 = arith.constant 11 : i32
    %eq3A_618 = arith.cmpi eq, %squeeze3A_39, %eq3A_617 : i32
    %or3A_619 = arith.ori %or3A_616, %eq3A_618 : i1
    %eq3A_620 = arith.constant 11 : i32
    %eq3A_621 = arith.cmpi eq, %squeeze3A_41, %eq3A_620 : i32
    %or3A_622 = arith.ori %or3A_619, %eq3A_621 : i1
    %eq3A_623 = arith.constant 12 : i32
    %eq3A_624 = arith.cmpi eq, %squeeze3A, %eq3A_623 : i32
    %eq3A_625 = arith.constant 12 : i32
    %eq3A_626 = arith.cmpi eq, %squeeze3A_9, %eq3A_625 : i32
    %or3A_627 = arith.ori %eq3A_624, %eq3A_626 : i1
    %eq3A_628 = arith.constant 12 : i32
    %eq3A_629 = arith.cmpi eq, %squeeze3A_11, %eq3A_628 : i32
    %or3A_630 = arith.ori %or3A_627, %eq3A_629 : i1
    %eq3A_631 = arith.constant 12 : i32
    %eq3A_632 = arith.cmpi eq, %squeeze3A_13, %eq3A_631 : i32
    %or3A_633 = arith.ori %or3A_630, %eq3A_632 : i1
    %eq3A_634 = arith.constant 12 : i32
    %eq3A_635 = arith.cmpi eq, %squeeze3A_15, %eq3A_634 : i32
    %or3A_636 = arith.ori %or3A_633, %eq3A_635 : i1
    %eq3A_637 = arith.constant 12 : i32
    %eq3A_638 = arith.cmpi eq, %squeeze3A_17, %eq3A_637 : i32
    %or3A_639 = arith.ori %or3A_636, %eq3A_638 : i1
    %eq3A_640 = arith.constant 12 : i32
    %eq3A_641 = arith.cmpi eq, %squeeze3A_19, %eq3A_640 : i32
    %or3A_642 = arith.ori %or3A_639, %eq3A_641 : i1
    %eq3A_643 = arith.constant 12 : i32
    %eq3A_644 = arith.cmpi eq, %squeeze3A_21, %eq3A_643 : i32
    %or3A_645 = arith.ori %or3A_642, %eq3A_644 : i1
    %eq3A_646 = arith.constant 12 : i32
    %eq3A_647 = arith.cmpi eq, %squeeze3A_23, %eq3A_646 : i32
    %or3A_648 = arith.ori %or3A_645, %eq3A_647 : i1
    %eq3A_649 = arith.constant 12 : i32
    %eq3A_650 = arith.cmpi eq, %squeeze3A_25, %eq3A_649 : i32
    %or3A_651 = arith.ori %or3A_648, %eq3A_650 : i1
    %eq3A_652 = arith.constant 12 : i32
    %eq3A_653 = arith.cmpi eq, %squeeze3A_27, %eq3A_652 : i32
    %or3A_654 = arith.ori %or3A_651, %eq3A_653 : i1
    %eq3A_655 = arith.constant 12 : i32
    %eq3A_656 = arith.cmpi eq, %squeeze3A_29, %eq3A_655 : i32
    %or3A_657 = arith.ori %or3A_654, %eq3A_656 : i1
    %eq3A_658 = arith.constant 12 : i32
    %eq3A_659 = arith.cmpi eq, %squeeze3A_31, %eq3A_658 : i32
    %or3A_660 = arith.ori %or3A_657, %eq3A_659 : i1
    %eq3A_661 = arith.constant 12 : i32
    %eq3A_662 = arith.cmpi eq, %squeeze3A_33, %eq3A_661 : i32
    %or3A_663 = arith.ori %or3A_660, %eq3A_662 : i1
    %eq3A_664 = arith.constant 12 : i32
    %eq3A_665 = arith.cmpi eq, %squeeze3A_35, %eq3A_664 : i32
    %or3A_666 = arith.ori %or3A_663, %eq3A_665 : i1
    %eq3A_667 = arith.constant 12 : i32
    %eq3A_668 = arith.cmpi eq, %squeeze3A_37, %eq3A_667 : i32
    %or3A_669 = arith.ori %or3A_666, %eq3A_668 : i1
    %eq3A_670 = arith.constant 12 : i32
    %eq3A_671 = arith.cmpi eq, %squeeze3A_39, %eq3A_670 : i32
    %or3A_672 = arith.ori %or3A_669, %eq3A_671 : i1
    %eq3A_673 = arith.constant 12 : i32
    %eq3A_674 = arith.cmpi eq, %squeeze3A_41, %eq3A_673 : i32
    %or3A_675 = arith.ori %or3A_672, %eq3A_674 : i1
    %eq3A_676 = arith.constant 13 : i32
    %eq3A_677 = arith.cmpi eq, %squeeze3A, %eq3A_676 : i32
    %eq3A_678 = arith.constant 13 : i32
    %eq3A_679 = arith.cmpi eq, %squeeze3A_9, %eq3A_678 : i32
    %or3A_680 = arith.ori %eq3A_677, %eq3A_679 : i1
    %eq3A_681 = arith.constant 13 : i32
    %eq3A_682 = arith.cmpi eq, %squeeze3A_11, %eq3A_681 : i32
    %or3A_683 = arith.ori %or3A_680, %eq3A_682 : i1
    %eq3A_684 = arith.constant 13 : i32
    %eq3A_685 = arith.cmpi eq, %squeeze3A_13, %eq3A_684 : i32
    %or3A_686 = arith.ori %or3A_683, %eq3A_685 : i1
    %eq3A_687 = arith.constant 13 : i32
    %eq3A_688 = arith.cmpi eq, %squeeze3A_15, %eq3A_687 : i32
    %or3A_689 = arith.ori %or3A_686, %eq3A_688 : i1
    %eq3A_690 = arith.constant 13 : i32
    %eq3A_691 = arith.cmpi eq, %squeeze3A_17, %eq3A_690 : i32
    %or3A_692 = arith.ori %or3A_689, %eq3A_691 : i1
    %eq3A_693 = arith.constant 13 : i32
    %eq3A_694 = arith.cmpi eq, %squeeze3A_19, %eq3A_693 : i32
    %or3A_695 = arith.ori %or3A_692, %eq3A_694 : i1
    %eq3A_696 = arith.constant 13 : i32
    %eq3A_697 = arith.cmpi eq, %squeeze3A_21, %eq3A_696 : i32
    %or3A_698 = arith.ori %or3A_695, %eq3A_697 : i1
    %eq3A_699 = arith.constant 13 : i32
    %eq3A_700 = arith.cmpi eq, %squeeze3A_23, %eq3A_699 : i32
    %or3A_701 = arith.ori %or3A_698, %eq3A_700 : i1
    %eq3A_702 = arith.constant 13 : i32
    %eq3A_703 = arith.cmpi eq, %squeeze3A_25, %eq3A_702 : i32
    %or3A_704 = arith.ori %or3A_701, %eq3A_703 : i1
    %eq3A_705 = arith.constant 13 : i32
    %eq3A_706 = arith.cmpi eq, %squeeze3A_27, %eq3A_705 : i32
    %or3A_707 = arith.ori %or3A_704, %eq3A_706 : i1
    %eq3A_708 = arith.constant 13 : i32
    %eq3A_709 = arith.cmpi eq, %squeeze3A_29, %eq3A_708 : i32
    %or3A_710 = arith.ori %or3A_707, %eq3A_709 : i1
    %eq3A_711 = arith.constant 13 : i32
    %eq3A_712 = arith.cmpi eq, %squeeze3A_31, %eq3A_711 : i32
    %or3A_713 = arith.ori %or3A_710, %eq3A_712 : i1
    %eq3A_714 = arith.constant 13 : i32
    %eq3A_715 = arith.cmpi eq, %squeeze3A_33, %eq3A_714 : i32
    %or3A_716 = arith.ori %or3A_713, %eq3A_715 : i1
    %eq3A_717 = arith.constant 13 : i32
    %eq3A_718 = arith.cmpi eq, %squeeze3A_35, %eq3A_717 : i32
    %or3A_719 = arith.ori %or3A_716, %eq3A_718 : i1
    %eq3A_720 = arith.constant 13 : i32
    %eq3A_721 = arith.cmpi eq, %squeeze3A_37, %eq3A_720 : i32
    %or3A_722 = arith.ori %or3A_719, %eq3A_721 : i1
    %eq3A_723 = arith.constant 13 : i32
    %eq3A_724 = arith.cmpi eq, %squeeze3A_39, %eq3A_723 : i32
    %or3A_725 = arith.ori %or3A_722, %eq3A_724 : i1
    %eq3A_726 = arith.constant 13 : i32
    %eq3A_727 = arith.cmpi eq, %squeeze3A_41, %eq3A_726 : i32
    %or3A_728 = arith.ori %or3A_725, %eq3A_727 : i1
    %eq3A_729 = arith.constant 14 : i32
    %eq3A_730 = arith.cmpi eq, %squeeze3A, %eq3A_729 : i32
    %eq3A_731 = arith.constant 14 : i32
    %eq3A_732 = arith.cmpi eq, %squeeze3A_9, %eq3A_731 : i32
    %or3A_733 = arith.ori %eq3A_730, %eq3A_732 : i1
    %eq3A_734 = arith.constant 14 : i32
    %eq3A_735 = arith.cmpi eq, %squeeze3A_11, %eq3A_734 : i32
    %or3A_736 = arith.ori %or3A_733, %eq3A_735 : i1
    %eq3A_737 = arith.constant 14 : i32
    %eq3A_738 = arith.cmpi eq, %squeeze3A_13, %eq3A_737 : i32
    %or3A_739 = arith.ori %or3A_736, %eq3A_738 : i1
    %eq3A_740 = arith.constant 14 : i32
    %eq3A_741 = arith.cmpi eq, %squeeze3A_15, %eq3A_740 : i32
    %or3A_742 = arith.ori %or3A_739, %eq3A_741 : i1
    %eq3A_743 = arith.constant 14 : i32
    %eq3A_744 = arith.cmpi eq, %squeeze3A_17, %eq3A_743 : i32
    %or3A_745 = arith.ori %or3A_742, %eq3A_744 : i1
    %eq3A_746 = arith.constant 14 : i32
    %eq3A_747 = arith.cmpi eq, %squeeze3A_19, %eq3A_746 : i32
    %or3A_748 = arith.ori %or3A_745, %eq3A_747 : i1
    %eq3A_749 = arith.constant 14 : i32
    %eq3A_750 = arith.cmpi eq, %squeeze3A_21, %eq3A_749 : i32
    %or3A_751 = arith.ori %or3A_748, %eq3A_750 : i1
    %eq3A_752 = arith.constant 14 : i32
    %eq3A_753 = arith.cmpi eq, %squeeze3A_23, %eq3A_752 : i32
    %or3A_754 = arith.ori %or3A_751, %eq3A_753 : i1
    %eq3A_755 = arith.constant 14 : i32
    %eq3A_756 = arith.cmpi eq, %squeeze3A_25, %eq3A_755 : i32
    %or3A_757 = arith.ori %or3A_754, %eq3A_756 : i1
    %eq3A_758 = arith.constant 14 : i32
    %eq3A_759 = arith.cmpi eq, %squeeze3A_27, %eq3A_758 : i32
    %or3A_760 = arith.ori %or3A_757, %eq3A_759 : i1
    %eq3A_761 = arith.constant 14 : i32
    %eq3A_762 = arith.cmpi eq, %squeeze3A_29, %eq3A_761 : i32
    %or3A_763 = arith.ori %or3A_760, %eq3A_762 : i1
    %eq3A_764 = arith.constant 14 : i32
    %eq3A_765 = arith.cmpi eq, %squeeze3A_31, %eq3A_764 : i32
    %or3A_766 = arith.ori %or3A_763, %eq3A_765 : i1
    %eq3A_767 = arith.constant 14 : i32
    %eq3A_768 = arith.cmpi eq, %squeeze3A_33, %eq3A_767 : i32
    %or3A_769 = arith.ori %or3A_766, %eq3A_768 : i1
    %eq3A_770 = arith.constant 14 : i32
    %eq3A_771 = arith.cmpi eq, %squeeze3A_35, %eq3A_770 : i32
    %or3A_772 = arith.ori %or3A_769, %eq3A_771 : i1
    %eq3A_773 = arith.constant 14 : i32
    %eq3A_774 = arith.cmpi eq, %squeeze3A_37, %eq3A_773 : i32
    %or3A_775 = arith.ori %or3A_772, %eq3A_774 : i1
    %eq3A_776 = arith.constant 14 : i32
    %eq3A_777 = arith.cmpi eq, %squeeze3A_39, %eq3A_776 : i32
    %or3A_778 = arith.ori %or3A_775, %eq3A_777 : i1
    %eq3A_779 = arith.constant 14 : i32
    %eq3A_780 = arith.cmpi eq, %squeeze3A_41, %eq3A_779 : i32
    %or3A_781 = arith.ori %or3A_778, %eq3A_780 : i1
    %eq3A_782 = arith.constant 15 : i32
    %eq3A_783 = arith.cmpi eq, %squeeze3A, %eq3A_782 : i32
    %eq3A_784 = arith.constant 15 : i32
    %eq3A_785 = arith.cmpi eq, %squeeze3A_9, %eq3A_784 : i32
    %or3A_786 = arith.ori %eq3A_783, %eq3A_785 : i1
    %eq3A_787 = arith.constant 15 : i32
    %eq3A_788 = arith.cmpi eq, %squeeze3A_11, %eq3A_787 : i32
    %or3A_789 = arith.ori %or3A_786, %eq3A_788 : i1
    %eq3A_790 = arith.constant 15 : i32
    %eq3A_791 = arith.cmpi eq, %squeeze3A_13, %eq3A_790 : i32
    %or3A_792 = arith.ori %or3A_789, %eq3A_791 : i1
    %eq3A_793 = arith.constant 15 : i32
    %eq3A_794 = arith.cmpi eq, %squeeze3A_15, %eq3A_793 : i32
    %or3A_795 = arith.ori %or3A_792, %eq3A_794 : i1
    %eq3A_796 = arith.constant 15 : i32
    %eq3A_797 = arith.cmpi eq, %squeeze3A_17, %eq3A_796 : i32
    %or3A_798 = arith.ori %or3A_795, %eq3A_797 : i1
    %eq3A_799 = arith.constant 15 : i32
    %eq3A_800 = arith.cmpi eq, %squeeze3A_19, %eq3A_799 : i32
    %or3A_801 = arith.ori %or3A_798, %eq3A_800 : i1
    %eq3A_802 = arith.constant 15 : i32
    %eq3A_803 = arith.cmpi eq, %squeeze3A_21, %eq3A_802 : i32
    %or3A_804 = arith.ori %or3A_801, %eq3A_803 : i1
    %eq3A_805 = arith.constant 15 : i32
    %eq3A_806 = arith.cmpi eq, %squeeze3A_23, %eq3A_805 : i32
    %or3A_807 = arith.ori %or3A_804, %eq3A_806 : i1
    %eq3A_808 = arith.constant 15 : i32
    %eq3A_809 = arith.cmpi eq, %squeeze3A_25, %eq3A_808 : i32
    %or3A_810 = arith.ori %or3A_807, %eq3A_809 : i1
    %eq3A_811 = arith.constant 15 : i32
    %eq3A_812 = arith.cmpi eq, %squeeze3A_27, %eq3A_811 : i32
    %or3A_813 = arith.ori %or3A_810, %eq3A_812 : i1
    %eq3A_814 = arith.constant 15 : i32
    %eq3A_815 = arith.cmpi eq, %squeeze3A_29, %eq3A_814 : i32
    %or3A_816 = arith.ori %or3A_813, %eq3A_815 : i1
    %eq3A_817 = arith.constant 15 : i32
    %eq3A_818 = arith.cmpi eq, %squeeze3A_31, %eq3A_817 : i32
    %or3A_819 = arith.ori %or3A_816, %eq3A_818 : i1
    %eq3A_820 = arith.constant 15 : i32
    %eq3A_821 = arith.cmpi eq, %squeeze3A_33, %eq3A_820 : i32
    %or3A_822 = arith.ori %or3A_819, %eq3A_821 : i1
    %eq3A_823 = arith.constant 15 : i32
    %eq3A_824 = arith.cmpi eq, %squeeze3A_35, %eq3A_823 : i32
    %or3A_825 = arith.ori %or3A_822, %eq3A_824 : i1
    %eq3A_826 = arith.constant 15 : i32
    %eq3A_827 = arith.cmpi eq, %squeeze3A_37, %eq3A_826 : i32
    %or3A_828 = arith.ori %or3A_825, %eq3A_827 : i1
    %eq3A_829 = arith.constant 15 : i32
    %eq3A_830 = arith.cmpi eq, %squeeze3A_39, %eq3A_829 : i32
    %or3A_831 = arith.ori %or3A_828, %eq3A_830 : i1
    %eq3A_832 = arith.constant 15 : i32
    %eq3A_833 = arith.cmpi eq, %squeeze3A_41, %eq3A_832 : i32
    %or3A_834 = arith.ori %or3A_831, %eq3A_833 : i1
    %eq3A_835 = arith.constant 16 : i32
    %eq3A_836 = arith.cmpi eq, %squeeze3A, %eq3A_835 : i32
    %eq3A_837 = arith.constant 16 : i32
    %eq3A_838 = arith.cmpi eq, %squeeze3A_9, %eq3A_837 : i32
    %or3A_839 = arith.ori %eq3A_836, %eq3A_838 : i1
    %eq3A_840 = arith.constant 16 : i32
    %eq3A_841 = arith.cmpi eq, %squeeze3A_11, %eq3A_840 : i32
    %or3A_842 = arith.ori %or3A_839, %eq3A_841 : i1
    %eq3A_843 = arith.constant 16 : i32
    %eq3A_844 = arith.cmpi eq, %squeeze3A_13, %eq3A_843 : i32
    %or3A_845 = arith.ori %or3A_842, %eq3A_844 : i1
    %eq3A_846 = arith.constant 16 : i32
    %eq3A_847 = arith.cmpi eq, %squeeze3A_15, %eq3A_846 : i32
    %or3A_848 = arith.ori %or3A_845, %eq3A_847 : i1
    %eq3A_849 = arith.constant 16 : i32
    %eq3A_850 = arith.cmpi eq, %squeeze3A_17, %eq3A_849 : i32
    %or3A_851 = arith.ori %or3A_848, %eq3A_850 : i1
    %eq3A_852 = arith.constant 16 : i32
    %eq3A_853 = arith.cmpi eq, %squeeze3A_19, %eq3A_852 : i32
    %or3A_854 = arith.ori %or3A_851, %eq3A_853 : i1
    %eq3A_855 = arith.constant 16 : i32
    %eq3A_856 = arith.cmpi eq, %squeeze3A_21, %eq3A_855 : i32
    %or3A_857 = arith.ori %or3A_854, %eq3A_856 : i1
    %eq3A_858 = arith.constant 16 : i32
    %eq3A_859 = arith.cmpi eq, %squeeze3A_23, %eq3A_858 : i32
    %or3A_860 = arith.ori %or3A_857, %eq3A_859 : i1
    %eq3A_861 = arith.constant 16 : i32
    %eq3A_862 = arith.cmpi eq, %squeeze3A_25, %eq3A_861 : i32
    %or3A_863 = arith.ori %or3A_860, %eq3A_862 : i1
    %eq3A_864 = arith.constant 16 : i32
    %eq3A_865 = arith.cmpi eq, %squeeze3A_27, %eq3A_864 : i32
    %or3A_866 = arith.ori %or3A_863, %eq3A_865 : i1
    %eq3A_867 = arith.constant 16 : i32
    %eq3A_868 = arith.cmpi eq, %squeeze3A_29, %eq3A_867 : i32
    %or3A_869 = arith.ori %or3A_866, %eq3A_868 : i1
    %eq3A_870 = arith.constant 16 : i32
    %eq3A_871 = arith.cmpi eq, %squeeze3A_31, %eq3A_870 : i32
    %or3A_872 = arith.ori %or3A_869, %eq3A_871 : i1
    %eq3A_873 = arith.constant 16 : i32
    %eq3A_874 = arith.cmpi eq, %squeeze3A_33, %eq3A_873 : i32
    %or3A_875 = arith.ori %or3A_872, %eq3A_874 : i1
    %eq3A_876 = arith.constant 16 : i32
    %eq3A_877 = arith.cmpi eq, %squeeze3A_35, %eq3A_876 : i32
    %or3A_878 = arith.ori %or3A_875, %eq3A_877 : i1
    %eq3A_879 = arith.constant 16 : i32
    %eq3A_880 = arith.cmpi eq, %squeeze3A_37, %eq3A_879 : i32
    %or3A_881 = arith.ori %or3A_878, %eq3A_880 : i1
    %eq3A_882 = arith.constant 16 : i32
    %eq3A_883 = arith.cmpi eq, %squeeze3A_39, %eq3A_882 : i32
    %or3A_884 = arith.ori %or3A_881, %eq3A_883 : i1
    %eq3A_885 = arith.constant 16 : i32
    %eq3A_886 = arith.cmpi eq, %squeeze3A_41, %eq3A_885 : i32
    %or3A_887 = arith.ori %or3A_884, %eq3A_886 : i1
    %eq3A_888 = arith.constant 17 : i32
    %eq3A_889 = arith.cmpi eq, %squeeze3A, %eq3A_888 : i32
    %eq3A_890 = arith.constant 17 : i32
    %eq3A_891 = arith.cmpi eq, %squeeze3A_9, %eq3A_890 : i32
    %or3A_892 = arith.ori %eq3A_889, %eq3A_891 : i1
    %eq3A_893 = arith.constant 17 : i32
    %eq3A_894 = arith.cmpi eq, %squeeze3A_11, %eq3A_893 : i32
    %or3A_895 = arith.ori %or3A_892, %eq3A_894 : i1
    %eq3A_896 = arith.constant 17 : i32
    %eq3A_897 = arith.cmpi eq, %squeeze3A_13, %eq3A_896 : i32
    %or3A_898 = arith.ori %or3A_895, %eq3A_897 : i1
    %eq3A_899 = arith.constant 17 : i32
    %eq3A_900 = arith.cmpi eq, %squeeze3A_15, %eq3A_899 : i32
    %or3A_901 = arith.ori %or3A_898, %eq3A_900 : i1
    %eq3A_902 = arith.constant 17 : i32
    %eq3A_903 = arith.cmpi eq, %squeeze3A_17, %eq3A_902 : i32
    %or3A_904 = arith.ori %or3A_901, %eq3A_903 : i1
    %eq3A_905 = arith.constant 17 : i32
    %eq3A_906 = arith.cmpi eq, %squeeze3A_19, %eq3A_905 : i32
    %or3A_907 = arith.ori %or3A_904, %eq3A_906 : i1
    %eq3A_908 = arith.constant 17 : i32
    %eq3A_909 = arith.cmpi eq, %squeeze3A_21, %eq3A_908 : i32
    %or3A_910 = arith.ori %or3A_907, %eq3A_909 : i1
    %eq3A_911 = arith.constant 17 : i32
    %eq3A_912 = arith.cmpi eq, %squeeze3A_23, %eq3A_911 : i32
    %or3A_913 = arith.ori %or3A_910, %eq3A_912 : i1
    %eq3A_914 = arith.constant 17 : i32
    %eq3A_915 = arith.cmpi eq, %squeeze3A_25, %eq3A_914 : i32
    %or3A_916 = arith.ori %or3A_913, %eq3A_915 : i1
    %eq3A_917 = arith.constant 17 : i32
    %eq3A_918 = arith.cmpi eq, %squeeze3A_27, %eq3A_917 : i32
    %or3A_919 = arith.ori %or3A_916, %eq3A_918 : i1
    %eq3A_920 = arith.constant 17 : i32
    %eq3A_921 = arith.cmpi eq, %squeeze3A_29, %eq3A_920 : i32
    %or3A_922 = arith.ori %or3A_919, %eq3A_921 : i1
    %eq3A_923 = arith.constant 17 : i32
    %eq3A_924 = arith.cmpi eq, %squeeze3A_31, %eq3A_923 : i32
    %or3A_925 = arith.ori %or3A_922, %eq3A_924 : i1
    %eq3A_926 = arith.constant 17 : i32
    %eq3A_927 = arith.cmpi eq, %squeeze3A_33, %eq3A_926 : i32
    %or3A_928 = arith.ori %or3A_925, %eq3A_927 : i1
    %eq3A_929 = arith.constant 17 : i32
    %eq3A_930 = arith.cmpi eq, %squeeze3A_35, %eq3A_929 : i32
    %or3A_931 = arith.ori %or3A_928, %eq3A_930 : i1
    %eq3A_932 = arith.constant 17 : i32
    %eq3A_933 = arith.cmpi eq, %squeeze3A_37, %eq3A_932 : i32
    %or3A_934 = arith.ori %or3A_931, %eq3A_933 : i1
    %eq3A_935 = arith.constant 17 : i32
    %eq3A_936 = arith.cmpi eq, %squeeze3A_39, %eq3A_935 : i32
    %or3A_937 = arith.ori %or3A_934, %eq3A_936 : i1
    %eq3A_938 = arith.constant 17 : i32
    %eq3A_939 = arith.cmpi eq, %squeeze3A_41, %eq3A_938 : i32
    %or3A_940 = arith.ori %or3A_937, %eq3A_939 : i1
    %convert_element_type3A = arith.extui %or3A_92 : i1 to i32
    %swap3A = arith.constant 0 : i32
    %swap3A_941 = arith.constant 0 : i32
    %swap3A_942 = arith.index_cast %swap3A_941 : i32 to index
    %swap3A_943 = memref.load %arg14[%swap3A_942] : memref<109xi32, #tpu.memory_space<smem>>
    memref.store %swap3A, %arg14[%swap3A_942] : memref<109xi32, #tpu.memory_space<smem>>
    %swap3A_944 = arith.constant 0 : i32
    %swap3A_945 = arith.constant 0 : i32
    %swap3A_946 = arith.index_cast %swap3A_945 : i32 to index
    %swap3A_947 = memref.load %arg15[%swap3A_946] : memref<109xi32, #tpu.memory_space<smem>>
    memref.store %swap3A_944, %arg15[%swap3A_946] : memref<109xi32, #tpu.memory_space<smem>>
    %sub3A = arith.constant 1 : i32
    %sub3A_948 = arith.subi %sub3A, %convert_element_type3A : i32
    %add3A_949 = arith.constant 0 : i32
    %add3A_950 = arith.addi %add3A_949, %sub3A_948 : i32
    %add3A_951 = arith.constant 0 : i32
    %add3A_952 = arith.addi %add3A_951, %convert_element_type3A : i32
    %swap3A_953 = arith.constant 1 : i32
    %swap3A_954 = arith.index_cast %add3A_950 : i32 to index
    %swap3A_955 = memref.load %arg14[%swap3A_954] : memref<109xi32, #tpu.memory_space<smem>>
    memref.store %swap3A_953, %arg14[%swap3A_954] : memref<109xi32, #tpu.memory_space<smem>>
    %add3A_956 = arith.constant 1 : i32
    %add3A_957 = arith.addi %add3A_950, %add3A_956 : i32
    %swap3A_958 = arith.constant 2 : i32
    %swap3A_959 = arith.index_cast %add3A_957 : i32 to index
    %swap3A_960 = memref.load %arg14[%swap3A_959] : memref<109xi32, #tpu.memory_space<smem>>
    memref.store %swap3A_958, %arg14[%swap3A_959] : memref<109xi32, #tpu.memory_space<smem>>
    %add3A_961 = arith.constant 1 : i32
    %add3A_962 = arith.addi %add3A_957, %add3A_961 : i32
    %swap3A_963 = arith.constant 3 : i32
    %swap3A_964 = arith.index_cast %add3A_962 : i32 to index
    %swap3A_965 = memref.load %arg14[%swap3A_964] : memref<109xi32, #tpu.memory_space<smem>>
    memref.store %swap3A_963, %arg14[%swap3A_964] : memref<109xi32, #tpu.memory_space<smem>>
    %add3A_966 = arith.constant 1 : i32
    %add3A_967 = arith.addi %add3A_962, %add3A_966 : i32
    %swap3A_968 = arith.constant 4 : i32
    %swap3A_969 = arith.index_cast %add3A_967 : i32 to index
    %swap3A_970 = memref.load %arg14[%swap3A_969] : memref<109xi32, #tpu.memory_space<smem>>
    memref.store %swap3A_968, %arg14[%swap3A_969] : memref<109xi32, #tpu.memory_space<smem>>
    %add3A_971 = arith.constant 1 : i32
    %add3A_972 = arith.addi %add3A_967, %add3A_971 : i32
    %swap3A_973 = arith.constant 5 : i32
    %swap3A_974 = arith.index_cast %add3A_972 : i32 to index
    %swap3A_975 = memref.load %arg14[%swap3A_974] : memref<109xi32, #tpu.memory_space<smem>>
    memref.store %swap3A_973, %arg14[%swap3A_974] : memref<109xi32, #tpu.memory_space<smem>>
    %add3A_976 = arith.constant 1 : i32
    %add3A_977 = arith.addi %add3A_972, %add3A_976 : i32
    %swap3A_978 = arith.constant 6 : i32
    %swap3A_979 = arith.index_cast %add3A_977 : i32 to index
    %swap3A_980 = memref.load %arg14[%swap3A_979] : memref<109xi32, #tpu.memory_space<smem>>
    memref.store %swap3A_978, %arg14[%swap3A_979] : memref<109xi32, #tpu.memory_space<smem>>
    %add3A_981 = arith.constant 1 : i32
    %add3A_982 = arith.addi %add3A_977, %add3A_981 : i32
    %swap3A_983 = arith.constant 7 : i32
    %swap3A_984 = arith.index_cast %add3A_982 : i32 to index
    %swap3A_985 = memref.load %arg14[%swap3A_984] : memref<109xi32, #tpu.memory_space<smem>>
    memref.store %swap3A_983, %arg14[%swap3A_984] : memref<109xi32, #tpu.memory_space<smem>>
    %add3A_986 = arith.constant 1 : i32
    %add3A_987 = arith.addi %add3A_982, %add3A_986 : i32
    %convert_element_type3A_988 = arith.extui %or3A_145 : i1 to i32
    %swap3A_989 = arith.constant 8 : i32
    %swap3A_990 = arith.index_cast %add3A_987 : i32 to index
    %swap3A_991 = memref.load %arg14[%swap3A_990] : memref<109xi32, #tpu.memory_space<smem>>
    memref.store %swap3A_989, %arg14[%swap3A_990] : memref<109xi32, #tpu.memory_space<smem>>
    %swap3A_992 = arith.constant 8 : i32
    %swap3A_993 = arith.index_cast %add3A_952 : i32 to index
    %swap3A_994 = memref.load %arg15[%swap3A_993] : memref<109xi32, #tpu.memory_space<smem>>
    memref.store %swap3A_992, %arg15[%swap3A_993] : memref<109xi32, #tpu.memory_space<smem>>
    %sub3A_995 = arith.constant 1 : i32
    %sub3A_996 = arith.subi %sub3A_995, %convert_element_type3A_988 : i32
    %add3A_997 = arith.addi %add3A_987, %sub3A_996 : i32
    %add3A_998 = arith.addi %add3A_952, %convert_element_type3A_988 : i32
    %convert_element_type3A_999 = arith.extui %or3A_198 : i1 to i32
    %swap3A_1000 = arith.constant 9 : i32
    %swap3A_1001 = arith.index_cast %add3A_997 : i32 to index
    %swap3A_1002 = memref.load %arg14[%swap3A_1001] : memref<109xi32, #tpu.memory_space<smem>>
    memref.store %swap3A_1000, %arg14[%swap3A_1001] : memref<109xi32, #tpu.memory_space<smem>>
    %swap3A_1003 = arith.constant 9 : i32
    %swap3A_1004 = arith.index_cast %add3A_998 : i32 to index
    %swap3A_1005 = memref.load %arg15[%swap3A_1004] : memref<109xi32, #tpu.memory_space<smem>>
    memref.store %swap3A_1003, %arg15[%swap3A_1004] : memref<109xi32, #tpu.memory_space<smem>>
    %sub3A_1006 = arith.constant 1 : i32
    %sub3A_1007 = arith.subi %sub3A_1006, %convert_element_type3A_999 : i32
    %add3A_1008 = arith.addi %add3A_997, %sub3A_1007 : i32
    %add3A_1009 = arith.addi %add3A_998, %convert_element_type3A_999 : i32
    %swap3A_1010 = arith.constant 10 : i32
    %swap3A_1011 = arith.index_cast %add3A_1008 : i32 to index
    %swap3A_1012 = memref.load %arg14[%swap3A_1011] : memref<109xi32, #tpu.memory_space<smem>>
    memref.store %swap3A_1010, %arg14[%swap3A_1011] : memref<109xi32, #tpu.memory_space<smem>>
    %add3A_1013 = arith.constant 1 : i32
    %add3A_1014 = arith.addi %add3A_1008, %add3A_1013 : i32
    %swap3A_1015 = arith.constant 11 : i32
    %swap3A_1016 = arith.index_cast %add3A_1014 : i32 to index
    %swap3A_1017 = memref.load %arg14[%swap3A_1016] : memref<109xi32, #tpu.memory_space<smem>>
    memref.store %swap3A_1015, %arg14[%swap3A_1016] : memref<109xi32, #tpu.memory_space<smem>>
    %add3A_1018 = arith.constant 1 : i32
    %add3A_1019 = arith.addi %add3A_1014, %add3A_1018 : i32
    %swap3A_1020 = arith.constant 12 : i32
    %swap3A_1021 = arith.index_cast %add3A_1019 : i32 to index
    %swap3A_1022 = memref.load %arg14[%swap3A_1021] : memref<109xi32, #tpu.memory_space<smem>>
    memref.store %swap3A_1020, %arg14[%swap3A_1021] : memref<109xi32, #tpu.memory_space<smem>>
    %add3A_1023 = arith.constant 1 : i32
    %add3A_1024 = arith.addi %add3A_1019, %add3A_1023 : i32
    %swap3A_1025 = arith.constant 13 : i32
    %swap3A_1026 = arith.index_cast %add3A_1024 : i32 to index
    %swap3A_1027 = memref.load %arg14[%swap3A_1026] : memref<109xi32, #tpu.memory_space<smem>>
    memref.store %swap3A_1025, %arg14[%swap3A_1026] : memref<109xi32, #tpu.memory_space<smem>>
    %add3A_1028 = arith.constant 1 : i32
    %add3A_1029 = arith.addi %add3A_1024, %add3A_1028 : i32
    %swap3A_1030 = arith.constant 14 : i32
    %swap3A_1031 = arith.index_cast %add3A_1029 : i32 to index
    %swap3A_1032 = memref.load %arg14[%swap3A_1031] : memref<109xi32, #tpu.memory_space<smem>>
    memref.store %swap3A_1030, %arg14[%swap3A_1031] : memref<109xi32, #tpu.memory_space<smem>>
    %add3A_1033 = arith.constant 1 : i32
    %add3A_1034 = arith.addi %add3A_1029, %add3A_1033 : i32
    %swap3A_1035 = arith.constant 15 : i32
    %swap3A_1036 = arith.index_cast %add3A_1034 : i32 to index
    %swap3A_1037 = memref.load %arg14[%swap3A_1036] : memref<109xi32, #tpu.memory_space<smem>>
    memref.store %swap3A_1035, %arg14[%swap3A_1036] : memref<109xi32, #tpu.memory_space<smem>>
    %add3A_1038 = arith.constant 1 : i32
    %add3A_1039 = arith.addi %add3A_1034, %add3A_1038 : i32
    %swap3A_1040 = arith.constant 16 : i32
    %swap3A_1041 = arith.index_cast %add3A_1039 : i32 to index
    %swap3A_1042 = memref.load %arg14[%swap3A_1041] : memref<109xi32, #tpu.memory_space<smem>>
    memref.store %swap3A_1040, %arg14[%swap3A_1041] : memref<109xi32, #tpu.memory_space<smem>>
    %add3A_1043 = arith.constant 1 : i32
    %add3A_1044 = arith.addi %add3A_1039, %add3A_1043 : i32
    %convert_element_type3A_1045 = arith.extui %or3A_251 : i1 to i32
    %swap3A_1046 = arith.constant 17 : i32
    %swap3A_1047 = arith.index_cast %add3A_1044 : i32 to index
    %swap3A_1048 = memref.load %arg14[%swap3A_1047] : memref<109xi32, #tpu.memory_space<smem>>
    memref.store %swap3A_1046, %arg14[%swap3A_1047] : memref<109xi32, #tpu.memory_space<smem>>
    %swap3A_1049 = arith.constant 17 : i32
    %swap3A_1050 = arith.index_cast %add3A_1009 : i32 to index
    %swap3A_1051 = memref.load %arg15[%swap3A_1050] : memref<109xi32, #tpu.memory_space<smem>>
    memref.store %swap3A_1049, %arg15[%swap3A_1050] : memref<109xi32, #tpu.memory_space<smem>>
    %sub3A_1052 = arith.constant 1 : i32
    %sub3A_1053 = arith.subi %sub3A_1052, %convert_element_type3A_1045 : i32
    %add3A_1054 = arith.addi %add3A_1044, %sub3A_1053 : i32
    %add3A_1055 = arith.addi %add3A_1009, %convert_element_type3A_1045 : i32
    %convert_element_type3A_1056 = arith.extui %or3A_304 : i1 to i32
    %swap3A_1057 = arith.constant 18 : i32
    %swap3A_1058 = arith.index_cast %add3A_1054 : i32 to index
    %swap3A_1059 = memref.load %arg14[%swap3A_1058] : memref<109xi32, #tpu.memory_space<smem>>
    memref.store %swap3A_1057, %arg14[%swap3A_1058] : memref<109xi32, #tpu.memory_space<smem>>
    %swap3A_1060 = arith.constant 18 : i32
    %swap3A_1061 = arith.index_cast %add3A_1055 : i32 to index
    %swap3A_1062 = memref.load %arg15[%swap3A_1061] : memref<109xi32, #tpu.memory_space<smem>>
    memref.store %swap3A_1060, %arg15[%swap3A_1061] : memref<109xi32, #tpu.memory_space<smem>>
    %sub3A_1063 = arith.constant 1 : i32
    %sub3A_1064 = arith.subi %sub3A_1063, %convert_element_type3A_1056 : i32
    %add3A_1065 = arith.addi %add3A_1054, %sub3A_1064 : i32
    %add3A_1066 = arith.addi %add3A_1055, %convert_element_type3A_1056 : i32
    %swap3A_1067 = arith.constant 19 : i32
    %swap3A_1068 = arith.index_cast %add3A_1065 : i32 to index
    %swap3A_1069 = memref.load %arg14[%swap3A_1068] : memref<109xi32, #tpu.memory_space<smem>>
    memref.store %swap3A_1067, %arg14[%swap3A_1068] : memref<109xi32, #tpu.memory_space<smem>>
    %add3A_1070 = arith.constant 1 : i32
    %add3A_1071 = arith.addi %add3A_1065, %add3A_1070 : i32
    %swap3A_1072 = arith.constant 20 : i32
    %swap3A_1073 = arith.index_cast %add3A_1071 : i32 to index
    %swap3A_1074 = memref.load %arg14[%swap3A_1073] : memref<109xi32, #tpu.memory_space<smem>>
    memref.store %swap3A_1072, %arg14[%swap3A_1073] : memref<109xi32, #tpu.memory_space<smem>>
    %add3A_1075 = arith.constant 1 : i32
    %add3A_1076 = arith.addi %add3A_1071, %add3A_1075 : i32
    %convert_element_type3A_1077 = arith.extui %or3A_410 : i1 to i32
    %swap3A_1078 = arith.constant 21 : i32
    %swap3A_1079 = arith.index_cast %add3A_1076 : i32 to index
    %swap3A_1080 = memref.load %arg14[%swap3A_1079] : memref<109xi32, #tpu.memory_space<smem>>
    memref.store %swap3A_1078, %arg14[%swap3A_1079] : memref<109xi32, #tpu.memory_space<smem>>
    %swap3A_1081 = arith.constant 21 : i32
    %swap3A_1082 = arith.index_cast %add3A_1066 : i32 to index
    %swap3A_1083 = memref.load %arg15[%swap3A_1082] : memref<109xi32, #tpu.memory_space<smem>>
    memref.store %swap3A_1081, %arg15[%swap3A_1082] : memref<109xi32, #tpu.memory_space<smem>>
    %sub3A_1084 = arith.constant 1 : i32
    %sub3A_1085 = arith.subi %sub3A_1084, %convert_element_type3A_1077 : i32
    %add3A_1086 = arith.addi %add3A_1076, %sub3A_1085 : i32
    %add3A_1087 = arith.addi %add3A_1066, %convert_element_type3A_1077 : i32
    %swap3A_1088 = arith.constant 22 : i32
    %swap3A_1089 = arith.index_cast %add3A_1086 : i32 to index
    %swap3A_1090 = memref.load %arg14[%swap3A_1089] : memref<109xi32, #tpu.memory_space<smem>>
    memref.store %swap3A_1088, %arg14[%swap3A_1089] : memref<109xi32, #tpu.memory_space<smem>>
    %add3A_1091 = arith.constant 1 : i32
    %add3A_1092 = arith.addi %add3A_1086, %add3A_1091 : i32
    %convert_element_type3A_1093 = arith.extui %or3A_463 : i1 to i32
    %swap3A_1094 = arith.constant 23 : i32
    %swap3A_1095 = arith.index_cast %add3A_1092 : i32 to index
    %swap3A_1096 = memref.load %arg14[%swap3A_1095] : memref<109xi32, #tpu.memory_space<smem>>
    memref.store %swap3A_1094, %arg14[%swap3A_1095] : memref<109xi32, #tpu.memory_space<smem>>
    %swap3A_1097 = arith.constant 23 : i32
    %swap3A_1098 = arith.index_cast %add3A_1087 : i32 to index
    %swap3A_1099 = memref.load %arg15[%swap3A_1098] : memref<109xi32, #tpu.memory_space<smem>>
    memref.store %swap3A_1097, %arg15[%swap3A_1098] : memref<109xi32, #tpu.memory_space<smem>>
    %sub3A_1100 = arith.constant 1 : i32
    %sub3A_1101 = arith.subi %sub3A_1100, %convert_element_type3A_1093 : i32
    %add3A_1102 = arith.addi %add3A_1092, %sub3A_1101 : i32
    %add3A_1103 = arith.addi %add3A_1087, %convert_element_type3A_1093 : i32
    %swap3A_1104 = arith.constant 24 : i32
    %swap3A_1105 = arith.index_cast %add3A_1102 : i32 to index
    %swap3A_1106 = memref.load %arg14[%swap3A_1105] : memref<109xi32, #tpu.memory_space<smem>>
    memref.store %swap3A_1104, %arg14[%swap3A_1105] : memref<109xi32, #tpu.memory_space<smem>>
    %add3A_1107 = arith.constant 1 : i32
    %add3A_1108 = arith.addi %add3A_1102, %add3A_1107 : i32
    %swap3A_1109 = arith.constant 25 : i32
    %swap3A_1110 = arith.index_cast %add3A_1108 : i32 to index
    %swap3A_1111 = memref.load %arg14[%swap3A_1110] : memref<109xi32, #tpu.memory_space<smem>>
    memref.store %swap3A_1109, %arg14[%swap3A_1110] : memref<109xi32, #tpu.memory_space<smem>>
    %add3A_1112 = arith.constant 1 : i32
    %add3A_1113 = arith.addi %add3A_1108, %add3A_1112 : i32
    %convert_element_type3A_1114 = arith.extui %or3A_357 : i1 to i32
    %swap3A_1115 = arith.constant 26 : i32
    %swap3A_1116 = arith.index_cast %add3A_1113 : i32 to index
    %swap3A_1117 = memref.load %arg14[%swap3A_1116] : memref<109xi32, #tpu.memory_space<smem>>
    memref.store %swap3A_1115, %arg14[%swap3A_1116] : memref<109xi32, #tpu.memory_space<smem>>
    %swap3A_1118 = arith.constant 26 : i32
    %swap3A_1119 = arith.index_cast %add3A_1103 : i32 to index
    %swap3A_1120 = memref.load %arg15[%swap3A_1119] : memref<109xi32, #tpu.memory_space<smem>>
    memref.store %swap3A_1118, %arg15[%swap3A_1119] : memref<109xi32, #tpu.memory_space<smem>>
    %sub3A_1121 = arith.constant 1 : i32
    %sub3A_1122 = arith.subi %sub3A_1121, %convert_element_type3A_1114 : i32
    %add3A_1123 = arith.addi %add3A_1113, %sub3A_1122 : i32
    %add3A_1124 = arith.addi %add3A_1103, %convert_element_type3A_1114 : i32
    %swap3A_1125 = arith.constant 27 : i32
    %swap3A_1126 = arith.index_cast %add3A_1123 : i32 to index
    %swap3A_1127 = memref.load %arg14[%swap3A_1126] : memref<109xi32, #tpu.memory_space<smem>>
    memref.store %swap3A_1125, %arg14[%swap3A_1126] : memref<109xi32, #tpu.memory_space<smem>>
    %add3A_1128 = arith.constant 1 : i32
    %add3A_1129 = arith.addi %add3A_1123, %add3A_1128 : i32
    %swap3A_1130 = arith.constant 28 : i32
    %swap3A_1131 = arith.index_cast %add3A_1129 : i32 to index
    %swap3A_1132 = memref.load %arg14[%swap3A_1131] : memref<109xi32, #tpu.memory_space<smem>>
    memref.store %swap3A_1130, %arg14[%swap3A_1131] : memref<109xi32, #tpu.memory_space<smem>>
    %add3A_1133 = arith.constant 1 : i32
    %add3A_1134 = arith.addi %add3A_1129, %add3A_1133 : i32
    %swap3A_1135 = arith.constant 29 : i32
    %swap3A_1136 = arith.index_cast %add3A_1134 : i32 to index
    %swap3A_1137 = memref.load %arg14[%swap3A_1136] : memref<109xi32, #tpu.memory_space<smem>>
    memref.store %swap3A_1135, %arg14[%swap3A_1136] : memref<109xi32, #tpu.memory_space<smem>>
    %add3A_1138 = arith.constant 1 : i32
    %add3A_1139 = arith.addi %add3A_1134, %add3A_1138 : i32
    %convert_element_type3A_1140 = arith.extui %or3A_516 : i1 to i32
    %swap3A_1141 = arith.constant 30 : i32
    %swap3A_1142 = arith.index_cast %add3A_1139 : i32 to index
    %swap3A_1143 = memref.load %arg14[%swap3A_1142] : memref<109xi32, #tpu.memory_space<smem>>
    memref.store %swap3A_1141, %arg14[%swap3A_1142] : memref<109xi32, #tpu.memory_space<smem>>
    %swap3A_1144 = arith.constant 30 : i32
    %swap3A_1145 = arith.index_cast %add3A_1124 : i32 to index
    %swap3A_1146 = memref.load %arg15[%swap3A_1145] : memref<109xi32, #tpu.memory_space<smem>>
    memref.store %swap3A_1144, %arg15[%swap3A_1145] : memref<109xi32, #tpu.memory_space<smem>>
    %sub3A_1147 = arith.constant 1 : i32
    %sub3A_1148 = arith.subi %sub3A_1147, %convert_element_type3A_1140 : i32
    %add3A_1149 = arith.addi %add3A_1139, %sub3A_1148 : i32
    %add3A_1150 = arith.addi %add3A_1124, %convert_element_type3A_1140 : i32
    %convert_element_type3A_1151 = arith.extui %or3A_569 : i1 to i32
    %swap3A_1152 = arith.constant 31 : i32
    %swap3A_1153 = arith.index_cast %add3A_1149 : i32 to index
    %swap3A_1154 = memref.load %arg14[%swap3A_1153] : memref<109xi32, #tpu.memory_space<smem>>
    memref.store %swap3A_1152, %arg14[%swap3A_1153] : memref<109xi32, #tpu.memory_space<smem>>
    %swap3A_1155 = arith.constant 31 : i32
    %swap3A_1156 = arith.index_cast %add3A_1150 : i32 to index
    %swap3A_1157 = memref.load %arg15[%swap3A_1156] : memref<109xi32, #tpu.memory_space<smem>>
    memref.store %swap3A_1155, %arg15[%swap3A_1156] : memref<109xi32, #tpu.memory_space<smem>>
    %sub3A_1158 = arith.constant 1 : i32
    %sub3A_1159 = arith.subi %sub3A_1158, %convert_element_type3A_1151 : i32
    %add3A_1160 = arith.addi %add3A_1149, %sub3A_1159 : i32
    %add3A_1161 = arith.addi %add3A_1150, %convert_element_type3A_1151 : i32
    %convert_element_type3A_1162 = arith.extui %or3A_622 : i1 to i32
    %swap3A_1163 = arith.constant 32 : i32
    %swap3A_1164 = arith.index_cast %add3A_1160 : i32 to index
    %swap3A_1165 = memref.load %arg14[%swap3A_1164] : memref<109xi32, #tpu.memory_space<smem>>
    memref.store %swap3A_1163, %arg14[%swap3A_1164] : memref<109xi32, #tpu.memory_space<smem>>
    %swap3A_1166 = arith.constant 32 : i32
    %swap3A_1167 = arith.index_cast %add3A_1161 : i32 to index
    %swap3A_1168 = memref.load %arg15[%swap3A_1167] : memref<109xi32, #tpu.memory_space<smem>>
    memref.store %swap3A_1166, %arg15[%swap3A_1167] : memref<109xi32, #tpu.memory_space<smem>>
    %sub3A_1169 = arith.constant 1 : i32
    %sub3A_1170 = arith.subi %sub3A_1169, %convert_element_type3A_1162 : i32
    %add3A_1171 = arith.addi %add3A_1160, %sub3A_1170 : i32
    %add3A_1172 = arith.addi %add3A_1161, %convert_element_type3A_1162 : i32
    %swap3A_1173 = arith.constant 33 : i32
    %swap3A_1174 = arith.index_cast %add3A_1171 : i32 to index
    %swap3A_1175 = memref.load %arg14[%swap3A_1174] : memref<109xi32, #tpu.memory_space<smem>>
    memref.store %swap3A_1173, %arg14[%swap3A_1174] : memref<109xi32, #tpu.memory_space<smem>>
    %add3A_1176 = arith.constant 1 : i32
    %add3A_1177 = arith.addi %add3A_1171, %add3A_1176 : i32
    %swap3A_1178 = arith.constant 34 : i32
    %swap3A_1179 = arith.index_cast %add3A_1177 : i32 to index
    %swap3A_1180 = memref.load %arg14[%swap3A_1179] : memref<109xi32, #tpu.memory_space<smem>>
    memref.store %swap3A_1178, %arg14[%swap3A_1179] : memref<109xi32, #tpu.memory_space<smem>>
    %add3A_1181 = arith.constant 1 : i32
    %add3A_1182 = arith.addi %add3A_1177, %add3A_1181 : i32
    %swap3A_1183 = arith.constant 35 : i32
    %swap3A_1184 = arith.index_cast %add3A_1182 : i32 to index
    %swap3A_1185 = memref.load %arg14[%swap3A_1184] : memref<109xi32, #tpu.memory_space<smem>>
    memref.store %swap3A_1183, %arg14[%swap3A_1184] : memref<109xi32, #tpu.memory_space<smem>>
    %add3A_1186 = arith.constant 1 : i32
    %add3A_1187 = arith.addi %add3A_1182, %add3A_1186 : i32
    %swap3A_1188 = arith.constant 36 : i32
    %swap3A_1189 = arith.index_cast %add3A_1187 : i32 to index
    %swap3A_1190 = memref.load %arg14[%swap3A_1189] : memref<109xi32, #tpu.memory_space<smem>>
    memref.store %swap3A_1188, %arg14[%swap3A_1189] : memref<109xi32, #tpu.memory_space<smem>>
    %add3A_1191 = arith.constant 1 : i32
    %add3A_1192 = arith.addi %add3A_1187, %add3A_1191 : i32
    %swap3A_1193 = arith.constant 37 : i32
    %swap3A_1194 = arith.index_cast %add3A_1192 : i32 to index
    %swap3A_1195 = memref.load %arg14[%swap3A_1194] : memref<109xi32, #tpu.memory_space<smem>>
    memref.store %swap3A_1193, %arg14[%swap3A_1194] : memref<109xi32, #tpu.memory_space<smem>>
    %add3A_1196 = arith.constant 1 : i32
    %add3A_1197 = arith.addi %add3A_1192, %add3A_1196 : i32
    %swap3A_1198 = arith.constant 38 : i32
    %swap3A_1199 = arith.index_cast %add3A_1197 : i32 to index
    %swap3A_1200 = memref.load %arg14[%swap3A_1199] : memref<109xi32, #tpu.memory_space<smem>>
    memref.store %swap3A_1198, %arg14[%swap3A_1199] : memref<109xi32, #tpu.memory_space<smem>>
    %add3A_1201 = arith.constant 1 : i32
    %add3A_1202 = arith.addi %add3A_1197, %add3A_1201 : i32
    %convert_element_type3A_1203 = arith.extui %or3A_675 : i1 to i32
    %swap3A_1204 = arith.constant 39 : i32
    %swap3A_1205 = arith.index_cast %add3A_1202 : i32 to index
    %swap3A_1206 = memref.load %arg14[%swap3A_1205] : memref<109xi32, #tpu.memory_space<smem>>
    memref.store %swap3A_1204, %arg14[%swap3A_1205] : memref<109xi32, #tpu.memory_space<smem>>
    %swap3A_1207 = arith.constant 39 : i32
    %swap3A_1208 = arith.index_cast %add3A_1172 : i32 to index
    %swap3A_1209 = memref.load %arg15[%swap3A_1208] : memref<109xi32, #tpu.memory_space<smem>>
    memref.store %swap3A_1207, %arg15[%swap3A_1208] : memref<109xi32, #tpu.memory_space<smem>>
    %sub3A_1210 = arith.constant 1 : i32
    %sub3A_1211 = arith.subi %sub3A_1210, %convert_element_type3A_1203 : i32
    %add3A_1212 = arith.addi %add3A_1202, %sub3A_1211 : i32
    %add3A_1213 = arith.addi %add3A_1172, %convert_element_type3A_1203 : i32
    %convert_element_type3A_1214 = arith.extui %or3A_728 : i1 to i32
    %swap3A_1215 = arith.constant 40 : i32
    %swap3A_1216 = arith.index_cast %add3A_1212 : i32 to index
    %swap3A_1217 = memref.load %arg14[%swap3A_1216] : memref<109xi32, #tpu.memory_space<smem>>
    memref.store %swap3A_1215, %arg14[%swap3A_1216] : memref<109xi32, #tpu.memory_space<smem>>
    %swap3A_1218 = arith.constant 40 : i32
    %swap3A_1219 = arith.index_cast %add3A_1213 : i32 to index
    %swap3A_1220 = memref.load %arg15[%swap3A_1219] : memref<109xi32, #tpu.memory_space<smem>>
    memref.store %swap3A_1218, %arg15[%swap3A_1219] : memref<109xi32, #tpu.memory_space<smem>>
    %sub3A_1221 = arith.constant 1 : i32
    %sub3A_1222 = arith.subi %sub3A_1221, %convert_element_type3A_1214 : i32
    %add3A_1223 = arith.addi %add3A_1212, %sub3A_1222 : i32
    %add3A_1224 = arith.addi %add3A_1213, %convert_element_type3A_1214 : i32
    %convert_element_type3A_1225 = arith.extui %or3A_781 : i1 to i32
    %swap3A_1226 = arith.constant 41 : i32
    %swap3A_1227 = arith.index_cast %add3A_1223 : i32 to index
    %swap3A_1228 = memref.load %arg14[%swap3A_1227] : memref<109xi32, #tpu.memory_space<smem>>
    memref.store %swap3A_1226, %arg14[%swap3A_1227] : memref<109xi32, #tpu.memory_space<smem>>
    %swap3A_1229 = arith.constant 41 : i32
    %swap3A_1230 = arith.index_cast %add3A_1224 : i32 to index
    %swap3A_1231 = memref.load %arg15[%swap3A_1230] : memref<109xi32, #tpu.memory_space<smem>>
    memref.store %swap3A_1229, %arg15[%swap3A_1230] : memref<109xi32, #tpu.memory_space<smem>>
    %sub3A_1232 = arith.constant 1 : i32
    %sub3A_1233 = arith.subi %sub3A_1232, %convert_element_type3A_1225 : i32
    %add3A_1234 = arith.addi %add3A_1223, %sub3A_1233 : i32
    %add3A_1235 = arith.addi %add3A_1224, %convert_element_type3A_1225 : i32
    %swap3A_1236 = arith.constant 42 : i32
    %swap3A_1237 = arith.index_cast %add3A_1234 : i32 to index
    %swap3A_1238 = memref.load %arg14[%swap3A_1237] : memref<109xi32, #tpu.memory_space<smem>>
    memref.store %swap3A_1236, %arg14[%swap3A_1237] : memref<109xi32, #tpu.memory_space<smem>>
    %add3A_1239 = arith.constant 1 : i32
    %add3A_1240 = arith.addi %add3A_1234, %add3A_1239 : i32
    %swap3A_1241 = arith.constant 43 : i32
    %swap3A_1242 = arith.index_cast %add3A_1240 : i32 to index
    %swap3A_1243 = memref.load %arg14[%swap3A_1242] : memref<109xi32, #tpu.memory_space<smem>>
    memref.store %swap3A_1241, %arg14[%swap3A_1242] : memref<109xi32, #tpu.memory_space<smem>>
    %add3A_1244 = arith.constant 1 : i32
    %add3A_1245 = arith.addi %add3A_1240, %add3A_1244 : i32
    %swap3A_1246 = arith.constant 44 : i32
    %swap3A_1247 = arith.index_cast %add3A_1245 : i32 to index
    %swap3A_1248 = memref.load %arg14[%swap3A_1247] : memref<109xi32, #tpu.memory_space<smem>>
    memref.store %swap3A_1246, %arg14[%swap3A_1247] : memref<109xi32, #tpu.memory_space<smem>>
    %add3A_1249 = arith.constant 1 : i32
    %add3A_1250 = arith.addi %add3A_1245, %add3A_1249 : i32
    %swap3A_1251 = arith.constant 45 : i32
    %swap3A_1252 = arith.index_cast %add3A_1250 : i32 to index
    %swap3A_1253 = memref.load %arg14[%swap3A_1252] : memref<109xi32, #tpu.memory_space<smem>>
    memref.store %swap3A_1251, %arg14[%swap3A_1252] : memref<109xi32, #tpu.memory_space<smem>>
    %add3A_1254 = arith.constant 1 : i32
    %add3A_1255 = arith.addi %add3A_1250, %add3A_1254 : i32
    %swap3A_1256 = arith.constant 46 : i32
    %swap3A_1257 = arith.index_cast %add3A_1255 : i32 to index
    %swap3A_1258 = memref.load %arg14[%swap3A_1257] : memref<109xi32, #tpu.memory_space<smem>>
    memref.store %swap3A_1256, %arg14[%swap3A_1257] : memref<109xi32, #tpu.memory_space<smem>>
    %add3A_1259 = arith.constant 1 : i32
    %add3A_1260 = arith.addi %add3A_1255, %add3A_1259 : i32
    %swap3A_1261 = arith.constant 47 : i32
    %swap3A_1262 = arith.index_cast %add3A_1260 : i32 to index
    %swap3A_1263 = memref.load %arg14[%swap3A_1262] : memref<109xi32, #tpu.memory_space<smem>>
    memref.store %swap3A_1261, %arg14[%swap3A_1262] : memref<109xi32, #tpu.memory_space<smem>>
    %add3A_1264 = arith.constant 1 : i32
    %add3A_1265 = arith.addi %add3A_1260, %add3A_1264 : i32
    %convert_element_type3A_1266 = arith.extui %or3A_834 : i1 to i32
    %swap3A_1267 = arith.constant 48 : i32
    %swap3A_1268 = arith.index_cast %add3A_1265 : i32 to index
    %swap3A_1269 = memref.load %arg14[%swap3A_1268] : memref<109xi32, #tpu.memory_space<smem>>
    memref.store %swap3A_1267, %arg14[%swap3A_1268] : memref<109xi32, #tpu.memory_space<smem>>
    %swap3A_1270 = arith.constant 48 : i32
    %swap3A_1271 = arith.index_cast %add3A_1235 : i32 to index
    %swap3A_1272 = memref.load %arg15[%swap3A_1271] : memref<109xi32, #tpu.memory_space<smem>>
    memref.store %swap3A_1270, %arg15[%swap3A_1271] : memref<109xi32, #tpu.memory_space<smem>>
    %sub3A_1273 = arith.constant 1 : i32
    %sub3A_1274 = arith.subi %sub3A_1273, %convert_element_type3A_1266 : i32
    %add3A_1275 = arith.addi %add3A_1265, %sub3A_1274 : i32
    %add3A_1276 = arith.addi %add3A_1235, %convert_element_type3A_1266 : i32
    %convert_element_type3A_1277 = arith.extui %or3A_887 : i1 to i32
    %swap3A_1278 = arith.constant 49 : i32
    %swap3A_1279 = arith.index_cast %add3A_1275 : i32 to index
    %swap3A_1280 = memref.load %arg14[%swap3A_1279] : memref<109xi32, #tpu.memory_space<smem>>
    memref.store %swap3A_1278, %arg14[%swap3A_1279] : memref<109xi32, #tpu.memory_space<smem>>
    %swap3A_1281 = arith.constant 49 : i32
    %swap3A_1282 = arith.index_cast %add3A_1276 : i32 to index
    %swap3A_1283 = memref.load %arg15[%swap3A_1282] : memref<109xi32, #tpu.memory_space<smem>>
    memref.store %swap3A_1281, %arg15[%swap3A_1282] : memref<109xi32, #tpu.memory_space<smem>>
    %sub3A_1284 = arith.constant 1 : i32
    %sub3A_1285 = arith.subi %sub3A_1284, %convert_element_type3A_1277 : i32
    %add3A_1286 = arith.addi %add3A_1275, %sub3A_1285 : i32
    %add3A_1287 = arith.addi %add3A_1276, %convert_element_type3A_1277 : i32
    %convert_element_type3A_1288 = arith.extui %or3A_940 : i1 to i32
    %swap3A_1289 = arith.constant 50 : i32
    %swap3A_1290 = arith.index_cast %add3A_1286 : i32 to index
    %swap3A_1291 = memref.load %arg14[%swap3A_1290] : memref<109xi32, #tpu.memory_space<smem>>
    memref.store %swap3A_1289, %arg14[%swap3A_1290] : memref<109xi32, #tpu.memory_space<smem>>
    %swap3A_1292 = arith.constant 50 : i32
    %swap3A_1293 = arith.index_cast %add3A_1287 : i32 to index
    %swap3A_1294 = memref.load %arg15[%swap3A_1293] : memref<109xi32, #tpu.memory_space<smem>>
    memref.store %swap3A_1292, %arg15[%swap3A_1293] : memref<109xi32, #tpu.memory_space<smem>>
    %sub3A_1295 = arith.constant 1 : i32
    %sub3A_1296 = arith.subi %sub3A_1295, %convert_element_type3A_1288 : i32
    %add3A_1297 = arith.addi %add3A_1286, %sub3A_1296 : i32
    %add3A_1298 = arith.addi %add3A_1287, %convert_element_type3A_1288 : i32
    %swap3A_1299 = arith.constant 51 : i32
    %swap3A_1300 = arith.index_cast %add3A_1297 : i32 to index
    %swap3A_1301 = memref.load %arg14[%swap3A_1300] : memref<109xi32, #tpu.memory_space<smem>>
    memref.store %swap3A_1299, %arg14[%swap3A_1300] : memref<109xi32, #tpu.memory_space<smem>>
    %add3A_1302 = arith.constant 1 : i32
    %add3A_1303 = arith.addi %add3A_1297, %add3A_1302 : i32
    %swap3A_1304 = arith.constant 52 : i32
    %swap3A_1305 = arith.index_cast %add3A_1303 : i32 to index
    %swap3A_1306 = memref.load %arg14[%swap3A_1305] : memref<109xi32, #tpu.memory_space<smem>>
    memref.store %swap3A_1304, %arg14[%swap3A_1305] : memref<109xi32, #tpu.memory_space<smem>>
    %add3A_1307 = arith.constant 1 : i32
    %add3A_1308 = arith.addi %add3A_1303, %add3A_1307 : i32
    %swap3A_1309 = arith.constant 53 : i32
    %swap3A_1310 = arith.index_cast %add3A_1308 : i32 to index
    %swap3A_1311 = memref.load %arg14[%swap3A_1310] : memref<109xi32, #tpu.memory_space<smem>>
    memref.store %swap3A_1309, %arg14[%swap3A_1310] : memref<109xi32, #tpu.memory_space<smem>>
    %add3A_1312 = arith.constant 1 : i32
    %add3A_1313 = arith.addi %add3A_1308, %add3A_1312 : i32
    %convert_element_type3A_1314 = arith.extui %or3A_92 : i1 to i32
    %swap3A_1315 = arith.constant 54 : i32
    %swap3A_1316 = arith.index_cast %add3A_1313 : i32 to index
    %swap3A_1317 = memref.load %arg14[%swap3A_1316] : memref<109xi32, #tpu.memory_space<smem>>
    memref.store %swap3A_1315, %arg14[%swap3A_1316] : memref<109xi32, #tpu.memory_space<smem>>
    %swap3A_1318 = arith.constant 54 : i32
    %swap3A_1319 = arith.index_cast %add3A_1298 : i32 to index
    %swap3A_1320 = memref.load %arg15[%swap3A_1319] : memref<109xi32, #tpu.memory_space<smem>>
    memref.store %swap3A_1318, %arg15[%swap3A_1319] : memref<109xi32, #tpu.memory_space<smem>>
    %sub3A_1321 = arith.constant 1 : i32
    %sub3A_1322 = arith.subi %sub3A_1321, %convert_element_type3A_1314 : i32
    %add3A_1323 = arith.addi %add3A_1313, %sub3A_1322 : i32
    %add3A_1324 = arith.addi %add3A_1298, %convert_element_type3A_1314 : i32
    %swap3A_1325 = arith.constant 55 : i32
    %swap3A_1326 = arith.index_cast %add3A_1323 : i32 to index
    %swap3A_1327 = memref.load %arg14[%swap3A_1326] : memref<109xi32, #tpu.memory_space<smem>>
    memref.store %swap3A_1325, %arg14[%swap3A_1326] : memref<109xi32, #tpu.memory_space<smem>>
    %add3A_1328 = arith.constant 1 : i32
    %add3A_1329 = arith.addi %add3A_1323, %add3A_1328 : i32
    %swap3A_1330 = arith.constant 56 : i32
    %swap3A_1331 = arith.index_cast %add3A_1329 : i32 to index
    %swap3A_1332 = memref.load %arg14[%swap3A_1331] : memref<109xi32, #tpu.memory_space<smem>>
    memref.store %swap3A_1330, %arg14[%swap3A_1331] : memref<109xi32, #tpu.memory_space<smem>>
    %add3A_1333 = arith.constant 1 : i32
    %add3A_1334 = arith.addi %add3A_1329, %add3A_1333 : i32
    %swap3A_1335 = arith.constant 57 : i32
    %swap3A_1336 = arith.index_cast %add3A_1334 : i32 to index
    %swap3A_1337 = memref.load %arg14[%swap3A_1336] : memref<109xi32, #tpu.memory_space<smem>>
    memref.store %swap3A_1335, %arg14[%swap3A_1336] : memref<109xi32, #tpu.memory_space<smem>>
    %add3A_1338 = arith.constant 1 : i32
    %add3A_1339 = arith.addi %add3A_1334, %add3A_1338 : i32
    %swap3A_1340 = arith.constant 58 : i32
    %swap3A_1341 = arith.index_cast %add3A_1339 : i32 to index
    %swap3A_1342 = memref.load %arg14[%swap3A_1341] : memref<109xi32, #tpu.memory_space<smem>>
    memref.store %swap3A_1340, %arg14[%swap3A_1341] : memref<109xi32, #tpu.memory_space<smem>>
    %add3A_1343 = arith.constant 1 : i32
    %add3A_1344 = arith.addi %add3A_1339, %add3A_1343 : i32
    %swap3A_1345 = arith.constant 59 : i32
    %swap3A_1346 = arith.index_cast %add3A_1344 : i32 to index
    %swap3A_1347 = memref.load %arg14[%swap3A_1346] : memref<109xi32, #tpu.memory_space<smem>>
    memref.store %swap3A_1345, %arg14[%swap3A_1346] : memref<109xi32, #tpu.memory_space<smem>>
    %add3A_1348 = arith.constant 1 : i32
    %add3A_1349 = arith.addi %add3A_1344, %add3A_1348 : i32
    %swap3A_1350 = arith.constant 60 : i32
    %swap3A_1351 = arith.index_cast %add3A_1349 : i32 to index
    %swap3A_1352 = memref.load %arg14[%swap3A_1351] : memref<109xi32, #tpu.memory_space<smem>>
    memref.store %swap3A_1350, %arg14[%swap3A_1351] : memref<109xi32, #tpu.memory_space<smem>>
    %add3A_1353 = arith.constant 1 : i32
    %add3A_1354 = arith.addi %add3A_1349, %add3A_1353 : i32
    %swap3A_1355 = arith.constant 61 : i32
    %swap3A_1356 = arith.index_cast %add3A_1354 : i32 to index
    %swap3A_1357 = memref.load %arg14[%swap3A_1356] : memref<109xi32, #tpu.memory_space<smem>>
    memref.store %swap3A_1355, %arg14[%swap3A_1356] : memref<109xi32, #tpu.memory_space<smem>>
    %add3A_1358 = arith.constant 1 : i32
    %add3A_1359 = arith.addi %add3A_1354, %add3A_1358 : i32
    %convert_element_type3A_1360 = arith.extui %or3A_145 : i1 to i32
    %swap3A_1361 = arith.constant 62 : i32
    %swap3A_1362 = arith.index_cast %add3A_1359 : i32 to index
    %swap3A_1363 = memref.load %arg14[%swap3A_1362] : memref<109xi32, #tpu.memory_space<smem>>
    memref.store %swap3A_1361, %arg14[%swap3A_1362] : memref<109xi32, #tpu.memory_space<smem>>
    %swap3A_1364 = arith.constant 62 : i32
    %swap3A_1365 = arith.index_cast %add3A_1324 : i32 to index
    %swap3A_1366 = memref.load %arg15[%swap3A_1365] : memref<109xi32, #tpu.memory_space<smem>>
    memref.store %swap3A_1364, %arg15[%swap3A_1365] : memref<109xi32, #tpu.memory_space<smem>>
    %sub3A_1367 = arith.constant 1 : i32
    %sub3A_1368 = arith.subi %sub3A_1367, %convert_element_type3A_1360 : i32
    %add3A_1369 = arith.addi %add3A_1359, %sub3A_1368 : i32
    %add3A_1370 = arith.addi %add3A_1324, %convert_element_type3A_1360 : i32
    %convert_element_type3A_1371 = arith.extui %or3A_198 : i1 to i32
    %swap3A_1372 = arith.constant 63 : i32
    %swap3A_1373 = arith.index_cast %add3A_1369 : i32 to index
    %swap3A_1374 = memref.load %arg14[%swap3A_1373] : memref<109xi32, #tpu.memory_space<smem>>
    memref.store %swap3A_1372, %arg14[%swap3A_1373] : memref<109xi32, #tpu.memory_space<smem>>
    %swap3A_1375 = arith.constant 63 : i32
    %swap3A_1376 = arith.index_cast %add3A_1370 : i32 to index
    %swap3A_1377 = memref.load %arg15[%swap3A_1376] : memref<109xi32, #tpu.memory_space<smem>>
    memref.store %swap3A_1375, %arg15[%swap3A_1376] : memref<109xi32, #tpu.memory_space<smem>>
    %sub3A_1378 = arith.constant 1 : i32
    %sub3A_1379 = arith.subi %sub3A_1378, %convert_element_type3A_1371 : i32
    %add3A_1380 = arith.addi %add3A_1369, %sub3A_1379 : i32
    %add3A_1381 = arith.addi %add3A_1370, %convert_element_type3A_1371 : i32
    %swap3A_1382 = arith.constant 64 : i32
    %swap3A_1383 = arith.index_cast %add3A_1380 : i32 to index
    %swap3A_1384 = memref.load %arg14[%swap3A_1383] : memref<109xi32, #tpu.memory_space<smem>>
    memref.store %swap3A_1382, %arg14[%swap3A_1383] : memref<109xi32, #tpu.memory_space<smem>>
    %add3A_1385 = arith.constant 1 : i32
    %add3A_1386 = arith.addi %add3A_1380, %add3A_1385 : i32
    %swap3A_1387 = arith.constant 65 : i32
    %swap3A_1388 = arith.index_cast %add3A_1386 : i32 to index
    %swap3A_1389 = memref.load %arg14[%swap3A_1388] : memref<109xi32, #tpu.memory_space<smem>>
    memref.store %swap3A_1387, %arg14[%swap3A_1388] : memref<109xi32, #tpu.memory_space<smem>>
    %add3A_1390 = arith.constant 1 : i32
    %add3A_1391 = arith.addi %add3A_1386, %add3A_1390 : i32
    %swap3A_1392 = arith.constant 66 : i32
    %swap3A_1393 = arith.index_cast %add3A_1391 : i32 to index
    %swap3A_1394 = memref.load %arg14[%swap3A_1393] : memref<109xi32, #tpu.memory_space<smem>>
    memref.store %swap3A_1392, %arg14[%swap3A_1393] : memref<109xi32, #tpu.memory_space<smem>>
    %add3A_1395 = arith.constant 1 : i32
    %add3A_1396 = arith.addi %add3A_1391, %add3A_1395 : i32
    %swap3A_1397 = arith.constant 67 : i32
    %swap3A_1398 = arith.index_cast %add3A_1396 : i32 to index
    %swap3A_1399 = memref.load %arg14[%swap3A_1398] : memref<109xi32, #tpu.memory_space<smem>>
    memref.store %swap3A_1397, %arg14[%swap3A_1398] : memref<109xi32, #tpu.memory_space<smem>>
    %add3A_1400 = arith.constant 1 : i32
    %add3A_1401 = arith.addi %add3A_1396, %add3A_1400 : i32
    %swap3A_1402 = arith.constant 68 : i32
    %swap3A_1403 = arith.index_cast %add3A_1401 : i32 to index
    %swap3A_1404 = memref.load %arg14[%swap3A_1403] : memref<109xi32, #tpu.memory_space<smem>>
    memref.store %swap3A_1402, %arg14[%swap3A_1403] : memref<109xi32, #tpu.memory_space<smem>>
    %add3A_1405 = arith.constant 1 : i32
    %add3A_1406 = arith.addi %add3A_1401, %add3A_1405 : i32
    %swap3A_1407 = arith.constant 69 : i32
    %swap3A_1408 = arith.index_cast %add3A_1406 : i32 to index
    %swap3A_1409 = memref.load %arg14[%swap3A_1408] : memref<109xi32, #tpu.memory_space<smem>>
    memref.store %swap3A_1407, %arg14[%swap3A_1408] : memref<109xi32, #tpu.memory_space<smem>>
    %add3A_1410 = arith.constant 1 : i32
    %add3A_1411 = arith.addi %add3A_1406, %add3A_1410 : i32
    %swap3A_1412 = arith.constant 70 : i32
    %swap3A_1413 = arith.index_cast %add3A_1411 : i32 to index
    %swap3A_1414 = memref.load %arg14[%swap3A_1413] : memref<109xi32, #tpu.memory_space<smem>>
    memref.store %swap3A_1412, %arg14[%swap3A_1413] : memref<109xi32, #tpu.memory_space<smem>>
    %add3A_1415 = arith.constant 1 : i32
    %add3A_1416 = arith.addi %add3A_1411, %add3A_1415 : i32
    %convert_element_type3A_1417 = arith.extui %or3A_251 : i1 to i32
    %swap3A_1418 = arith.constant 71 : i32
    %swap3A_1419 = arith.index_cast %add3A_1416 : i32 to index
    %swap3A_1420 = memref.load %arg14[%swap3A_1419] : memref<109xi32, #tpu.memory_space<smem>>
    memref.store %swap3A_1418, %arg14[%swap3A_1419] : memref<109xi32, #tpu.memory_space<smem>>
    %swap3A_1421 = arith.constant 71 : i32
    %swap3A_1422 = arith.index_cast %add3A_1381 : i32 to index
    %swap3A_1423 = memref.load %arg15[%swap3A_1422] : memref<109xi32, #tpu.memory_space<smem>>
    memref.store %swap3A_1421, %arg15[%swap3A_1422] : memref<109xi32, #tpu.memory_space<smem>>
    %sub3A_1424 = arith.constant 1 : i32
    %sub3A_1425 = arith.subi %sub3A_1424, %convert_element_type3A_1417 : i32
    %add3A_1426 = arith.addi %add3A_1416, %sub3A_1425 : i32
    %add3A_1427 = arith.addi %add3A_1381, %convert_element_type3A_1417 : i32
    %convert_element_type3A_1428 = arith.extui %or3A_304 : i1 to i32
    %swap3A_1429 = arith.constant 72 : i32
    %swap3A_1430 = arith.index_cast %add3A_1426 : i32 to index
    %swap3A_1431 = memref.load %arg14[%swap3A_1430] : memref<109xi32, #tpu.memory_space<smem>>
    memref.store %swap3A_1429, %arg14[%swap3A_1430] : memref<109xi32, #tpu.memory_space<smem>>
    %swap3A_1432 = arith.constant 72 : i32
    %swap3A_1433 = arith.index_cast %add3A_1427 : i32 to index
    %swap3A_1434 = memref.load %arg15[%swap3A_1433] : memref<109xi32, #tpu.memory_space<smem>>
    memref.store %swap3A_1432, %arg15[%swap3A_1433] : memref<109xi32, #tpu.memory_space<smem>>
    %sub3A_1435 = arith.constant 1 : i32
    %sub3A_1436 = arith.subi %sub3A_1435, %convert_element_type3A_1428 : i32
    %add3A_1437 = arith.addi %add3A_1426, %sub3A_1436 : i32
    %add3A_1438 = arith.addi %add3A_1427, %convert_element_type3A_1428 : i32
    %swap3A_1439 = arith.constant 73 : i32
    %swap3A_1440 = arith.index_cast %add3A_1437 : i32 to index
    %swap3A_1441 = memref.load %arg14[%swap3A_1440] : memref<109xi32, #tpu.memory_space<smem>>
    memref.store %swap3A_1439, %arg14[%swap3A_1440] : memref<109xi32, #tpu.memory_space<smem>>
    %add3A_1442 = arith.constant 1 : i32
    %add3A_1443 = arith.addi %add3A_1437, %add3A_1442 : i32
    %swap3A_1444 = arith.constant 74 : i32
    %swap3A_1445 = arith.index_cast %add3A_1443 : i32 to index
    %swap3A_1446 = memref.load %arg14[%swap3A_1445] : memref<109xi32, #tpu.memory_space<smem>>
    memref.store %swap3A_1444, %arg14[%swap3A_1445] : memref<109xi32, #tpu.memory_space<smem>>
    %add3A_1447 = arith.constant 1 : i32
    %add3A_1448 = arith.addi %add3A_1443, %add3A_1447 : i32
    %convert_element_type3A_1449 = arith.extui %or3A_410 : i1 to i32
    %swap3A_1450 = arith.constant 75 : i32
    %swap3A_1451 = arith.index_cast %add3A_1448 : i32 to index
    %swap3A_1452 = memref.load %arg14[%swap3A_1451] : memref<109xi32, #tpu.memory_space<smem>>
    memref.store %swap3A_1450, %arg14[%swap3A_1451] : memref<109xi32, #tpu.memory_space<smem>>
    %swap3A_1453 = arith.constant 75 : i32
    %swap3A_1454 = arith.index_cast %add3A_1438 : i32 to index
    %swap3A_1455 = memref.load %arg15[%swap3A_1454] : memref<109xi32, #tpu.memory_space<smem>>
    memref.store %swap3A_1453, %arg15[%swap3A_1454] : memref<109xi32, #tpu.memory_space<smem>>
    %sub3A_1456 = arith.constant 1 : i32
    %sub3A_1457 = arith.subi %sub3A_1456, %convert_element_type3A_1449 : i32
    %add3A_1458 = arith.addi %add3A_1448, %sub3A_1457 : i32
    %add3A_1459 = arith.addi %add3A_1438, %convert_element_type3A_1449 : i32
    %swap3A_1460 = arith.constant 76 : i32
    %swap3A_1461 = arith.index_cast %add3A_1458 : i32 to index
    %swap3A_1462 = memref.load %arg14[%swap3A_1461] : memref<109xi32, #tpu.memory_space<smem>>
    memref.store %swap3A_1460, %arg14[%swap3A_1461] : memref<109xi32, #tpu.memory_space<smem>>
    %add3A_1463 = arith.constant 1 : i32
    %add3A_1464 = arith.addi %add3A_1458, %add3A_1463 : i32
    %convert_element_type3A_1465 = arith.extui %or3A_463 : i1 to i32
    %swap3A_1466 = arith.constant 77 : i32
    %swap3A_1467 = arith.index_cast %add3A_1464 : i32 to index
    %swap3A_1468 = memref.load %arg14[%swap3A_1467] : memref<109xi32, #tpu.memory_space<smem>>
    memref.store %swap3A_1466, %arg14[%swap3A_1467] : memref<109xi32, #tpu.memory_space<smem>>
    %swap3A_1469 = arith.constant 77 : i32
    %swap3A_1470 = arith.index_cast %add3A_1459 : i32 to index
    %swap3A_1471 = memref.load %arg15[%swap3A_1470] : memref<109xi32, #tpu.memory_space<smem>>
    memref.store %swap3A_1469, %arg15[%swap3A_1470] : memref<109xi32, #tpu.memory_space<smem>>
    %sub3A_1472 = arith.constant 1 : i32
    %sub3A_1473 = arith.subi %sub3A_1472, %convert_element_type3A_1465 : i32
    %add3A_1474 = arith.addi %add3A_1464, %sub3A_1473 : i32
    %add3A_1475 = arith.addi %add3A_1459, %convert_element_type3A_1465 : i32
    %swap3A_1476 = arith.constant 78 : i32
    %swap3A_1477 = arith.index_cast %add3A_1474 : i32 to index
    %swap3A_1478 = memref.load %arg14[%swap3A_1477] : memref<109xi32, #tpu.memory_space<smem>>
    memref.store %swap3A_1476, %arg14[%swap3A_1477] : memref<109xi32, #tpu.memory_space<smem>>
    %add3A_1479 = arith.constant 1 : i32
    %add3A_1480 = arith.addi %add3A_1474, %add3A_1479 : i32
    %swap3A_1481 = arith.constant 79 : i32
    %swap3A_1482 = arith.index_cast %add3A_1480 : i32 to index
    %swap3A_1483 = memref.load %arg14[%swap3A_1482] : memref<109xi32, #tpu.memory_space<smem>>
    memref.store %swap3A_1481, %arg14[%swap3A_1482] : memref<109xi32, #tpu.memory_space<smem>>
    %add3A_1484 = arith.constant 1 : i32
    %add3A_1485 = arith.addi %add3A_1480, %add3A_1484 : i32
    %convert_element_type3A_1486 = arith.extui %or3A_357 : i1 to i32
    %swap3A_1487 = arith.constant 80 : i32
    %swap3A_1488 = arith.index_cast %add3A_1485 : i32 to index
    %swap3A_1489 = memref.load %arg14[%swap3A_1488] : memref<109xi32, #tpu.memory_space<smem>>
    memref.store %swap3A_1487, %arg14[%swap3A_1488] : memref<109xi32, #tpu.memory_space<smem>>
    %swap3A_1490 = arith.constant 80 : i32
    %swap3A_1491 = arith.index_cast %add3A_1475 : i32 to index
    %swap3A_1492 = memref.load %arg15[%swap3A_1491] : memref<109xi32, #tpu.memory_space<smem>>
    memref.store %swap3A_1490, %arg15[%swap3A_1491] : memref<109xi32, #tpu.memory_space<smem>>
    %sub3A_1493 = arith.constant 1 : i32
    %sub3A_1494 = arith.subi %sub3A_1493, %convert_element_type3A_1486 : i32
    %add3A_1495 = arith.addi %add3A_1485, %sub3A_1494 : i32
    %add3A_1496 = arith.addi %add3A_1475, %convert_element_type3A_1486 : i32
    %swap3A_1497 = arith.constant 81 : i32
    %swap3A_1498 = arith.index_cast %add3A_1495 : i32 to index
    %swap3A_1499 = memref.load %arg14[%swap3A_1498] : memref<109xi32, #tpu.memory_space<smem>>
    memref.store %swap3A_1497, %arg14[%swap3A_1498] : memref<109xi32, #tpu.memory_space<smem>>
    %add3A_1500 = arith.constant 1 : i32
    %add3A_1501 = arith.addi %add3A_1495, %add3A_1500 : i32
    %swap3A_1502 = arith.constant 82 : i32
    %swap3A_1503 = arith.index_cast %add3A_1501 : i32 to index
    %swap3A_1504 = memref.load %arg14[%swap3A_1503] : memref<109xi32, #tpu.memory_space<smem>>
    memref.store %swap3A_1502, %arg14[%swap3A_1503] : memref<109xi32, #tpu.memory_space<smem>>
    %add3A_1505 = arith.constant 1 : i32
    %add3A_1506 = arith.addi %add3A_1501, %add3A_1505 : i32
    %swap3A_1507 = arith.constant 83 : i32
    %swap3A_1508 = arith.index_cast %add3A_1506 : i32 to index
    %swap3A_1509 = memref.load %arg14[%swap3A_1508] : memref<109xi32, #tpu.memory_space<smem>>
    memref.store %swap3A_1507, %arg14[%swap3A_1508] : memref<109xi32, #tpu.memory_space<smem>>
    %add3A_1510 = arith.constant 1 : i32
    %add3A_1511 = arith.addi %add3A_1506, %add3A_1510 : i32
    %convert_element_type3A_1512 = arith.extui %or3A_516 : i1 to i32
    %swap3A_1513 = arith.constant 84 : i32
    %swap3A_1514 = arith.index_cast %add3A_1511 : i32 to index
    %swap3A_1515 = memref.load %arg14[%swap3A_1514] : memref<109xi32, #tpu.memory_space<smem>>
    memref.store %swap3A_1513, %arg14[%swap3A_1514] : memref<109xi32, #tpu.memory_space<smem>>
    %swap3A_1516 = arith.constant 84 : i32
    %swap3A_1517 = arith.index_cast %add3A_1496 : i32 to index
    %swap3A_1518 = memref.load %arg15[%swap3A_1517] : memref<109xi32, #tpu.memory_space<smem>>
    memref.store %swap3A_1516, %arg15[%swap3A_1517] : memref<109xi32, #tpu.memory_space<smem>>
    %sub3A_1519 = arith.constant 1 : i32
    %sub3A_1520 = arith.subi %sub3A_1519, %convert_element_type3A_1512 : i32
    %add3A_1521 = arith.addi %add3A_1511, %sub3A_1520 : i32
    %add3A_1522 = arith.addi %add3A_1496, %convert_element_type3A_1512 : i32
    %convert_element_type3A_1523 = arith.extui %or3A_569 : i1 to i32
    %swap3A_1524 = arith.constant 85 : i32
    %swap3A_1525 = arith.index_cast %add3A_1521 : i32 to index
    %swap3A_1526 = memref.load %arg14[%swap3A_1525] : memref<109xi32, #tpu.memory_space<smem>>
    memref.store %swap3A_1524, %arg14[%swap3A_1525] : memref<109xi32, #tpu.memory_space<smem>>
    %swap3A_1527 = arith.constant 85 : i32
    %swap3A_1528 = arith.index_cast %add3A_1522 : i32 to index
    %swap3A_1529 = memref.load %arg15[%swap3A_1528] : memref<109xi32, #tpu.memory_space<smem>>
    memref.store %swap3A_1527, %arg15[%swap3A_1528] : memref<109xi32, #tpu.memory_space<smem>>
    %sub3A_1530 = arith.constant 1 : i32
    %sub3A_1531 = arith.subi %sub3A_1530, %convert_element_type3A_1523 : i32
    %add3A_1532 = arith.addi %add3A_1521, %sub3A_1531 : i32
    %add3A_1533 = arith.addi %add3A_1522, %convert_element_type3A_1523 : i32
    %convert_element_type3A_1534 = arith.extui %or3A_622 : i1 to i32
    %swap3A_1535 = arith.constant 86 : i32
    %swap3A_1536 = arith.index_cast %add3A_1532 : i32 to index
    %swap3A_1537 = memref.load %arg14[%swap3A_1536] : memref<109xi32, #tpu.memory_space<smem>>
    memref.store %swap3A_1535, %arg14[%swap3A_1536] : memref<109xi32, #tpu.memory_space<smem>>
    %swap3A_1538 = arith.constant 86 : i32
    %swap3A_1539 = arith.index_cast %add3A_1533 : i32 to index
    %swap3A_1540 = memref.load %arg15[%swap3A_1539] : memref<109xi32, #tpu.memory_space<smem>>
    memref.store %swap3A_1538, %arg15[%swap3A_1539] : memref<109xi32, #tpu.memory_space<smem>>
    %sub3A_1541 = arith.constant 1 : i32
    %sub3A_1542 = arith.subi %sub3A_1541, %convert_element_type3A_1534 : i32
    %add3A_1543 = arith.addi %add3A_1532, %sub3A_1542 : i32
    %add3A_1544 = arith.addi %add3A_1533, %convert_element_type3A_1534 : i32
    %swap3A_1545 = arith.constant 87 : i32
    %swap3A_1546 = arith.index_cast %add3A_1543 : i32 to index
    %swap3A_1547 = memref.load %arg14[%swap3A_1546] : memref<109xi32, #tpu.memory_space<smem>>
    memref.store %swap3A_1545, %arg14[%swap3A_1546] : memref<109xi32, #tpu.memory_space<smem>>
    %add3A_1548 = arith.constant 1 : i32
    %add3A_1549 = arith.addi %add3A_1543, %add3A_1548 : i32
    %swap3A_1550 = arith.constant 88 : i32
    %swap3A_1551 = arith.index_cast %add3A_1549 : i32 to index
    %swap3A_1552 = memref.load %arg14[%swap3A_1551] : memref<109xi32, #tpu.memory_space<smem>>
    memref.store %swap3A_1550, %arg14[%swap3A_1551] : memref<109xi32, #tpu.memory_space<smem>>
    %add3A_1553 = arith.constant 1 : i32
    %add3A_1554 = arith.addi %add3A_1549, %add3A_1553 : i32
    %swap3A_1555 = arith.constant 89 : i32
    %swap3A_1556 = arith.index_cast %add3A_1554 : i32 to index
    %swap3A_1557 = memref.load %arg14[%swap3A_1556] : memref<109xi32, #tpu.memory_space<smem>>
    memref.store %swap3A_1555, %arg14[%swap3A_1556] : memref<109xi32, #tpu.memory_space<smem>>
    %add3A_1558 = arith.constant 1 : i32
    %add3A_1559 = arith.addi %add3A_1554, %add3A_1558 : i32
    %swap3A_1560 = arith.constant 90 : i32
    %swap3A_1561 = arith.index_cast %add3A_1559 : i32 to index
    %swap3A_1562 = memref.load %arg14[%swap3A_1561] : memref<109xi32, #tpu.memory_space<smem>>
    memref.store %swap3A_1560, %arg14[%swap3A_1561] : memref<109xi32, #tpu.memory_space<smem>>
    %add3A_1563 = arith.constant 1 : i32
    %add3A_1564 = arith.addi %add3A_1559, %add3A_1563 : i32
    %swap3A_1565 = arith.constant 91 : i32
    %swap3A_1566 = arith.index_cast %add3A_1564 : i32 to index
    %swap3A_1567 = memref.load %arg14[%swap3A_1566] : memref<109xi32, #tpu.memory_space<smem>>
    memref.store %swap3A_1565, %arg14[%swap3A_1566] : memref<109xi32, #tpu.memory_space<smem>>
    %add3A_1568 = arith.constant 1 : i32
    %add3A_1569 = arith.addi %add3A_1564, %add3A_1568 : i32
    %swap3A_1570 = arith.constant 92 : i32
    %swap3A_1571 = arith.index_cast %add3A_1569 : i32 to index
    %swap3A_1572 = memref.load %arg14[%swap3A_1571] : memref<109xi32, #tpu.memory_space<smem>>
    memref.store %swap3A_1570, %arg14[%swap3A_1571] : memref<109xi32, #tpu.memory_space<smem>>
    %add3A_1573 = arith.constant 1 : i32
    %add3A_1574 = arith.addi %add3A_1569, %add3A_1573 : i32
    %convert_element_type3A_1575 = arith.extui %or3A_675 : i1 to i32
    %swap3A_1576 = arith.constant 93 : i32
    %swap3A_1577 = arith.index_cast %add3A_1574 : i32 to index
    %swap3A_1578 = memref.load %arg14[%swap3A_1577] : memref<109xi32, #tpu.memory_space<smem>>
    memref.store %swap3A_1576, %arg14[%swap3A_1577] : memref<109xi32, #tpu.memory_space<smem>>
    %swap3A_1579 = arith.constant 93 : i32
    %swap3A_1580 = arith.index_cast %add3A_1544 : i32 to index
    %swap3A_1581 = memref.load %arg15[%swap3A_1580] : memref<109xi32, #tpu.memory_space<smem>>
    memref.store %swap3A_1579, %arg15[%swap3A_1580] : memref<109xi32, #tpu.memory_space<smem>>
    %sub3A_1582 = arith.constant 1 : i32
    %sub3A_1583 = arith.subi %sub3A_1582, %convert_element_type3A_1575 : i32
    %add3A_1584 = arith.addi %add3A_1574, %sub3A_1583 : i32
    %add3A_1585 = arith.addi %add3A_1544, %convert_element_type3A_1575 : i32
    %convert_element_type3A_1586 = arith.extui %or3A_728 : i1 to i32
    %swap3A_1587 = arith.constant 94 : i32
    %swap3A_1588 = arith.index_cast %add3A_1584 : i32 to index
    %swap3A_1589 = memref.load %arg14[%swap3A_1588] : memref<109xi32, #tpu.memory_space<smem>>
    memref.store %swap3A_1587, %arg14[%swap3A_1588] : memref<109xi32, #tpu.memory_space<smem>>
    %swap3A_1590 = arith.constant 94 : i32
    %swap3A_1591 = arith.index_cast %add3A_1585 : i32 to index
    %swap3A_1592 = memref.load %arg15[%swap3A_1591] : memref<109xi32, #tpu.memory_space<smem>>
    memref.store %swap3A_1590, %arg15[%swap3A_1591] : memref<109xi32, #tpu.memory_space<smem>>
    %sub3A_1593 = arith.constant 1 : i32
    %sub3A_1594 = arith.subi %sub3A_1593, %convert_element_type3A_1586 : i32
    %add3A_1595 = arith.addi %add3A_1584, %sub3A_1594 : i32
    %add3A_1596 = arith.addi %add3A_1585, %convert_element_type3A_1586 : i32
    %convert_element_type3A_1597 = arith.extui %or3A_781 : i1 to i32
    %swap3A_1598 = arith.constant 95 : i32
    %swap3A_1599 = arith.index_cast %add3A_1595 : i32 to index
    %swap3A_1600 = memref.load %arg14[%swap3A_1599] : memref<109xi32, #tpu.memory_space<smem>>
    memref.store %swap3A_1598, %arg14[%swap3A_1599] : memref<109xi32, #tpu.memory_space<smem>>
    %swap3A_1601 = arith.constant 95 : i32
    %swap3A_1602 = arith.index_cast %add3A_1596 : i32 to index
    %swap3A_1603 = memref.load %arg15[%swap3A_1602] : memref<109xi32, #tpu.memory_space<smem>>
    memref.store %swap3A_1601, %arg15[%swap3A_1602] : memref<109xi32, #tpu.memory_space<smem>>
    %sub3A_1604 = arith.constant 1 : i32
    %sub3A_1605 = arith.subi %sub3A_1604, %convert_element_type3A_1597 : i32
    %add3A_1606 = arith.addi %add3A_1595, %sub3A_1605 : i32
    %add3A_1607 = arith.addi %add3A_1596, %convert_element_type3A_1597 : i32
    %swap3A_1608 = arith.constant 96 : i32
    %swap3A_1609 = arith.index_cast %add3A_1606 : i32 to index
    %swap3A_1610 = memref.load %arg14[%swap3A_1609] : memref<109xi32, #tpu.memory_space<smem>>
    memref.store %swap3A_1608, %arg14[%swap3A_1609] : memref<109xi32, #tpu.memory_space<smem>>
    %add3A_1611 = arith.constant 1 : i32
    %add3A_1612 = arith.addi %add3A_1606, %add3A_1611 : i32
    %swap3A_1613 = arith.constant 97 : i32
    %swap3A_1614 = arith.index_cast %add3A_1612 : i32 to index
    %swap3A_1615 = memref.load %arg14[%swap3A_1614] : memref<109xi32, #tpu.memory_space<smem>>
    memref.store %swap3A_1613, %arg14[%swap3A_1614] : memref<109xi32, #tpu.memory_space<smem>>
    %add3A_1616 = arith.constant 1 : i32
    %add3A_1617 = arith.addi %add3A_1612, %add3A_1616 : i32
    %swap3A_1618 = arith.constant 98 : i32
    %swap3A_1619 = arith.index_cast %add3A_1617 : i32 to index
    %swap3A_1620 = memref.load %arg14[%swap3A_1619] : memref<109xi32, #tpu.memory_space<smem>>
    memref.store %swap3A_1618, %arg14[%swap3A_1619] : memref<109xi32, #tpu.memory_space<smem>>
    %add3A_1621 = arith.constant 1 : i32
    %add3A_1622 = arith.addi %add3A_1617, %add3A_1621 : i32
    %swap3A_1623 = arith.constant 99 : i32
    %swap3A_1624 = arith.index_cast %add3A_1622 : i32 to index
    %swap3A_1625 = memref.load %arg14[%swap3A_1624] : memref<109xi32, #tpu.memory_space<smem>>
    memref.store %swap3A_1623, %arg14[%swap3A_1624] : memref<109xi32, #tpu.memory_space<smem>>
    %add3A_1626 = arith.constant 1 : i32
    %add3A_1627 = arith.addi %add3A_1622, %add3A_1626 : i32
    %swap3A_1628 = arith.constant 100 : i32
    %swap3A_1629 = arith.index_cast %add3A_1627 : i32 to index
    %swap3A_1630 = memref.load %arg14[%swap3A_1629] : memref<109xi32, #tpu.memory_space<smem>>
    memref.store %swap3A_1628, %arg14[%swap3A_1629] : memref<109xi32, #tpu.memory_space<smem>>
    %add3A_1631 = arith.constant 1 : i32
    %add3A_1632 = arith.addi %add3A_1627, %add3A_1631 : i32
    %swap3A_1633 = arith.constant 101 : i32
    %swap3A_1634 = arith.index_cast %add3A_1632 : i32 to index
    %swap3A_1635 = memref.load %arg14[%swap3A_1634] : memref<109xi32, #tpu.memory_space<smem>>
    memref.store %swap3A_1633, %arg14[%swap3A_1634] : memref<109xi32, #tpu.memory_space<smem>>
    %add3A_1636 = arith.constant 1 : i32
    %add3A_1637 = arith.addi %add3A_1632, %add3A_1636 : i32
    %convert_element_type3A_1638 = arith.extui %or3A_834 : i1 to i32
    %swap3A_1639 = arith.constant 102 : i32
    %swap3A_1640 = arith.index_cast %add3A_1637 : i32 to index
    %swap3A_1641 = memref.load %arg14[%swap3A_1640] : memref<109xi32, #tpu.memory_space<smem>>
    memref.store %swap3A_1639, %arg14[%swap3A_1640] : memref<109xi32, #tpu.memory_space<smem>>
    %swap3A_1642 = arith.constant 102 : i32
    %swap3A_1643 = arith.index_cast %add3A_1607 : i32 to index
    %swap3A_1644 = memref.load %arg15[%swap3A_1643] : memref<109xi32, #tpu.memory_space<smem>>
    memref.store %swap3A_1642, %arg15[%swap3A_1643] : memref<109xi32, #tpu.memory_space<smem>>
    %sub3A_1645 = arith.constant 1 : i32
    %sub3A_1646 = arith.subi %sub3A_1645, %convert_element_type3A_1638 : i32
    %add3A_1647 = arith.addi %add3A_1637, %sub3A_1646 : i32
    %add3A_1648 = arith.addi %add3A_1607, %convert_element_type3A_1638 : i32
    %convert_element_type3A_1649 = arith.extui %or3A_887 : i1 to i32
    %swap3A_1650 = arith.constant 103 : i32
    %swap3A_1651 = arith.index_cast %add3A_1647 : i32 to index
    %swap3A_1652 = memref.load %arg14[%swap3A_1651] : memref<109xi32, #tpu.memory_space<smem>>
    memref.store %swap3A_1650, %arg14[%swap3A_1651] : memref<109xi32, #tpu.memory_space<smem>>
    %swap3A_1653 = arith.constant 103 : i32
    %swap3A_1654 = arith.index_cast %add3A_1648 : i32 to index
    %swap3A_1655 = memref.load %arg15[%swap3A_1654] : memref<109xi32, #tpu.memory_space<smem>>
    memref.store %swap3A_1653, %arg15[%swap3A_1654] : memref<109xi32, #tpu.memory_space<smem>>
    %sub3A_1656 = arith.constant 1 : i32
    %sub3A_1657 = arith.subi %sub3A_1656, %convert_element_type3A_1649 : i32
    %add3A_1658 = arith.addi %add3A_1647, %sub3A_1657 : i32
    %add3A_1659 = arith.addi %add3A_1648, %convert_element_type3A_1649 : i32
    %convert_element_type3A_1660 = arith.extui %or3A_940 : i1 to i32
    %swap3A_1661 = arith.constant 104 : i32
    %swap3A_1662 = arith.index_cast %add3A_1658 : i32 to index
    %swap3A_1663 = memref.load %arg14[%swap3A_1662] : memref<109xi32, #tpu.memory_space<smem>>
    memref.store %swap3A_1661, %arg14[%swap3A_1662] : memref<109xi32, #tpu.memory_space<smem>>
    %swap3A_1664 = arith.constant 104 : i32
    %swap3A_1665 = arith.index_cast %add3A_1659 : i32 to index
    %swap3A_1666 = memref.load %arg15[%swap3A_1665] : memref<109xi32, #tpu.memory_space<smem>>
    memref.store %swap3A_1664, %arg15[%swap3A_1665] : memref<109xi32, #tpu.memory_space<smem>>
    %sub3A_1667 = arith.constant 1 : i32
    %sub3A_1668 = arith.subi %sub3A_1667, %convert_element_type3A_1660 : i32
    %add3A_1669 = arith.addi %add3A_1658, %sub3A_1668 : i32
    %add3A_1670 = arith.addi %add3A_1659, %convert_element_type3A_1660 : i32
    %swap3A_1671 = arith.constant 105 : i32
    %swap3A_1672 = arith.index_cast %add3A_1669 : i32 to index
    %swap3A_1673 = memref.load %arg14[%swap3A_1672] : memref<109xi32, #tpu.memory_space<smem>>
    memref.store %swap3A_1671, %arg14[%swap3A_1672] : memref<109xi32, #tpu.memory_space<smem>>
    %add3A_1674 = arith.constant 1 : i32
    %add3A_1675 = arith.addi %add3A_1669, %add3A_1674 : i32
    %swap3A_1676 = arith.constant 106 : i32
    %swap3A_1677 = arith.index_cast %add3A_1675 : i32 to index
    %swap3A_1678 = memref.load %arg14[%swap3A_1677] : memref<109xi32, #tpu.memory_space<smem>>
    memref.store %swap3A_1676, %arg14[%swap3A_1677] : memref<109xi32, #tpu.memory_space<smem>>
    %add3A_1679 = arith.constant 1 : i32
    %add3A_1680 = arith.addi %add3A_1675, %add3A_1679 : i32
    %swap3A_1681 = arith.constant 107 : i32
    %swap3A_1682 = arith.index_cast %add3A_1680 : i32 to index
    %swap3A_1683 = memref.load %arg14[%swap3A_1682] : memref<109xi32, #tpu.memory_space<smem>>
    memref.store %swap3A_1681, %arg14[%swap3A_1682] : memref<109xi32, #tpu.memory_space<smem>>
    %add3A_1684 = arith.constant 1 : i32
    %add3A_1685 = arith.addi %add3A_1680, %add3A_1684 : i32
    %while3A = arith.constant 0 : i32
    %while3A_1686 = arith.constant 0 : i32
    %while3A_1687 = arith.subi %add3A_1670, %while3A_1686 : i32
    %while3A_1688 = arith.addi %while3A_1686, %while3A_1687 : i32
    %while3A_1689 = arith.constant 1 : i32
    %while3A_1690 = arith.divsi %while3A_1687, %while3A_1689 : i32
    %while3A_1691 = arith.muli %while3A_1690, %while3A_1689 : i32
    %while3A_1692 = arith.addi %while3A_1686, %while3A_1691 : i32
    %while3A_1693 = arith.constant 1 : i32
    scf.for %while3A_1758 = %while3A_1686 to %while3A_1692 step %while3A_1693  : i32 {
      %get3A_1759 = arith.index_cast %while3A_1758 : i32 to index
      %get3A_1760 = memref.load %arg15[%get3A_1759] : memref<109xi32, #tpu.memory_space<smem>>
      %add3A_1761 = arith.addi %mul3A_2, %get3A_1760 : i32
      %dma_start3A = arith.constant 0 : i32
      %dma_start3A_1762 = arith.constant 0 : i32
      %dma_start3A_1763 = tpu.memref_slice %arg5[%add3A_1761, %dma_start3A, %dma_start3A_1762] : memref<3456x32x512xf32, #tpu.memory_space<hbm>> -> memref<1x32x512xf32, #tpu.memory_space<hbm>>
      %dma_start3A_1764 = tpu.memref_squeeze %dma_start3A_1763 : memref<1x32x512xf32, #tpu.memory_space<hbm>> -> memref<32x512xf32, #tpu.memory_space<hbm>>
      %dma_start3A_1765 = arith.constant 0 : i32
      %dma_start3A_1766 = arith.constant 0 : i32
      %dma_start3A_1767 = tpu.memref_slice %arg5[%add3A_1761, %dma_start3A_1765, %dma_start3A_1766] : memref<3456x32x512xf32, #tpu.memory_space<hbm>> -> memref<1x32x512xf32, #tpu.memory_space<hbm>>
      %dma_start3A_1768 = tpu.memref_squeeze %dma_start3A_1767 : memref<1x32x512xf32, #tpu.memory_space<hbm>> -> memref<32x512xf32, #tpu.memory_space<hbm>>
      tpu.enqueue_dma source(%arg7 : memref<32x512xf32, #tpu.memory_space<vmem>>) target(%dma_start3A_1768 : memref<32x512xf32, #tpu.memory_space<hbm>>) target_semaphore(%arg28 : memref<!tpu.dma_semaphore, #tpu.memory_space<semaphore_mem>>)
    }
    %while3A_1694 = arith.constant 1 : i32
    scf.for %while3A_1758 = %while3A_1692 to %while3A_1688 step %while3A_1694  : i32 {
      %get3A_1759 = arith.index_cast %while3A_1758 : i32 to index
      %get3A_1760 = memref.load %arg15[%get3A_1759] : memref<109xi32, #tpu.memory_space<smem>>
      %add3A_1761 = arith.addi %mul3A_2, %get3A_1760 : i32
      %dma_start3A = arith.constant 0 : i32
      %dma_start3A_1762 = arith.constant 0 : i32
      %dma_start3A_1763 = tpu.memref_slice %arg5[%add3A_1761, %dma_start3A, %dma_start3A_1762] : memref<3456x32x512xf32, #tpu.memory_space<hbm>> -> memref<1x32x512xf32, #tpu.memory_space<hbm>>
      %dma_start3A_1764 = tpu.memref_squeeze %dma_start3A_1763 : memref<1x32x512xf32, #tpu.memory_space<hbm>> -> memref<32x512xf32, #tpu.memory_space<hbm>>
      %dma_start3A_1765 = arith.constant 0 : i32
      %dma_start3A_1766 = arith.constant 0 : i32
      %dma_start3A_1767 = tpu.memref_slice %arg5[%add3A_1761, %dma_start3A_1765, %dma_start3A_1766] : memref<3456x32x512xf32, #tpu.memory_space<hbm>> -> memref<1x32x512xf32, #tpu.memory_space<hbm>>
      %dma_start3A_1768 = tpu.memref_squeeze %dma_start3A_1767 : memref<1x32x512xf32, #tpu.memory_space<hbm>> -> memref<32x512xf32, #tpu.memory_space<hbm>>
      tpu.enqueue_dma source(%arg7 : memref<32x512xf32, #tpu.memory_space<vmem>>) target(%dma_start3A_1768 : memref<32x512xf32, #tpu.memory_space<hbm>>) target_semaphore(%arg28 : memref<!tpu.dma_semaphore, #tpu.memory_space<semaphore_mem>>)
    }
    %gt3A = arith.constant 0 : i32
    %gt3A_1695 = arith.cmpi sgt, %add3A_1685, %gt3A : i32
    %convert_element_type3A_1696 = arith.extui %gt3A_1695 : i1 to i32
    %cond3A = arith.constant 0 : i32
    %cond3A_1697 = arith.cmpi ne, %convert_element_type3A_1696, %cond3A : i32
    scf.if %cond3A_1697 {
      %get3A_1758 = arith.constant 0 : i32
      %get3A_1759 = arith.index_cast %get3A_1758 : i32 to index
      %get3A_1760 = memref.load %arg14[%get3A_1759] : memref<109xi32, #tpu.memory_space<smem>>
      %add3A_1761 = arith.addi %mul3A_2, %get3A_1760 : i32
      %dma_start3A = arith.constant 0 : i32
      %dma_start3A_1762 = arith.constant 0 : i32
      %dma_start3A_1763 = tpu.memref_slice %arg2[%add3A_1761, %dma_start3A, %dma_start3A_1762] : memref<3456x32x512xf32, #tpu.memory_space<hbm>> -> memref<1x32x512xf32, #tpu.memory_space<hbm>>
      %dma_start3A_1764 = tpu.memref_squeeze %dma_start3A_1763 : memref<1x32x512xf32, #tpu.memory_space<hbm>> -> memref<32x512xf32, #tpu.memory_space<hbm>>
      %dma_start3A_1765 = arith.constant 0 : i32
      %dma_start3A_1766 = arith.constant 0 : i32
      %dma_start3A_1767 = tpu.memref_slice %arg2[%add3A_1761, %dma_start3A_1765, %dma_start3A_1766] : memref<3456x32x512xf32, #tpu.memory_space<hbm>> -> memref<1x32x512xf32, #tpu.memory_space<hbm>>
      %dma_start3A_1768 = tpu.memref_squeeze %dma_start3A_1767 : memref<1x32x512xf32, #tpu.memory_space<hbm>> -> memref<32x512xf32, #tpu.memory_space<hbm>>
      tpu.enqueue_dma source(%dma_start3A_1768 : memref<32x512xf32, #tpu.memory_space<hbm>>) target(%arg8 : memref<32x512xf32, #tpu.memory_space<vmem>>) target_semaphore(%arg16 : memref<!tpu.dma_semaphore, #tpu.memory_space<semaphore_mem>>)
    } else {
    }
    %gt3A_1698 = arith.constant 1 : i32
    %gt3A_1699 = arith.cmpi sgt, %add3A_1685, %gt3A_1698 : i32
    %convert_element_type3A_1700 = arith.extui %gt3A_1699 : i1 to i32
    %cond3A_1701 = arith.constant 0 : i32
    %cond3A_1702 = arith.cmpi ne, %convert_element_type3A_1700, %cond3A_1701 : i32
    scf.if %cond3A_1702 {
      %get3A_1758 = arith.constant 1 : i32
      %get3A_1759 = arith.index_cast %get3A_1758 : i32 to index
      %get3A_1760 = memref.load %arg14[%get3A_1759] : memref<109xi32, #tpu.memory_space<smem>>
      %add3A_1761 = arith.addi %mul3A_2, %get3A_1760 : i32
      %dma_start3A = arith.constant 0 : i32
      %dma_start3A_1762 = arith.constant 0 : i32
      %dma_start3A_1763 = tpu.memref_slice %arg2[%add3A_1761, %dma_start3A, %dma_start3A_1762] : memref<3456x32x512xf32, #tpu.memory_space<hbm>> -> memref<1x32x512xf32, #tpu.memory_space<hbm>>
      %dma_start3A_1764 = tpu.memref_squeeze %dma_start3A_1763 : memref<1x32x512xf32, #tpu.memory_space<hbm>> -> memref<32x512xf32, #tpu.memory_space<hbm>>
      %dma_start3A_1765 = arith.constant 0 : i32
      %dma_start3A_1766 = arith.constant 0 : i32
      %dma_start3A_1767 = tpu.memref_slice %arg2[%add3A_1761, %dma_start3A_1765, %dma_start3A_1766] : memref<3456x32x512xf32, #tpu.memory_space<hbm>> -> memref<1x32x512xf32, #tpu.memory_space<hbm>>
      %dma_start3A_1768 = tpu.memref_squeeze %dma_start3A_1767 : memref<1x32x512xf32, #tpu.memory_space<hbm>> -> memref<32x512xf32, #tpu.memory_space<hbm>>
      tpu.enqueue_dma source(%dma_start3A_1768 : memref<32x512xf32, #tpu.memory_space<hbm>>) target(%arg9 : memref<32x512xf32, #tpu.memory_space<vmem>>) target_semaphore(%arg17 : memref<!tpu.dma_semaphore, #tpu.memory_space<semaphore_mem>>)
    } else {
    }
    %gt3A_1703 = arith.constant 2 : i32
    %gt3A_1704 = arith.cmpi sgt, %add3A_1685, %gt3A_1703 : i32
    %convert_element_type3A_1705 = arith.extui %gt3A_1704 : i1 to i32
    %cond3A_1706 = arith.constant 0 : i32
    %cond3A_1707 = arith.cmpi ne, %convert_element_type3A_1705, %cond3A_1706 : i32
    scf.if %cond3A_1707 {
      %get3A_1758 = arith.constant 2 : i32
      %get3A_1759 = arith.index_cast %get3A_1758 : i32 to index
      %get3A_1760 = memref.load %arg14[%get3A_1759] : memref<109xi32, #tpu.memory_space<smem>>
      %add3A_1761 = arith.addi %mul3A_2, %get3A_1760 : i32
      %dma_start3A = arith.constant 0 : i32
      %dma_start3A_1762 = arith.constant 0 : i32
      %dma_start3A_1763 = tpu.memref_slice %arg2[%add3A_1761, %dma_start3A, %dma_start3A_1762] : memref<3456x32x512xf32, #tpu.memory_space<hbm>> -> memref<1x32x512xf32, #tpu.memory_space<hbm>>
      %dma_start3A_1764 = tpu.memref_squeeze %dma_start3A_1763 : memref<1x32x512xf32, #tpu.memory_space<hbm>> -> memref<32x512xf32, #tpu.memory_space<hbm>>
      %dma_start3A_1765 = arith.constant 0 : i32
      %dma_start3A_1766 = arith.constant 0 : i32
      %dma_start3A_1767 = tpu.memref_slice %arg2[%add3A_1761, %dma_start3A_1765, %dma_start3A_1766] : memref<3456x32x512xf32, #tpu.memory_space<hbm>> -> memref<1x32x512xf32, #tpu.memory_space<hbm>>
      %dma_start3A_1768 = tpu.memref_squeeze %dma_start3A_1767 : memref<1x32x512xf32, #tpu.memory_space<hbm>> -> memref<32x512xf32, #tpu.memory_space<hbm>>
      tpu.enqueue_dma source(%dma_start3A_1768 : memref<32x512xf32, #tpu.memory_space<hbm>>) target(%arg10 : memref<32x512xf32, #tpu.memory_space<vmem>>) target_semaphore(%arg18 : memref<!tpu.dma_semaphore, #tpu.memory_space<semaphore_mem>>)
    } else {
    }
    %while3A_1708 = arith.constant 0 : i32
    %while3A_1709 = arith.constant 0 : i32
    %while3A_1710 = arith.subi %add3A_1685, %while3A_1709 : i32
    %while3A_1711 = arith.addi %while3A_1709, %while3A_1710 : i32
    %while3A_1712 = arith.constant 1 : i32
    %while3A_1713 = arith.divsi %while3A_1710, %while3A_1712 : i32
    %while3A_1714 = arith.muli %while3A_1713, %while3A_1712 : i32
    %while3A_1715 = arith.addi %while3A_1709, %while3A_1714 : i32
    %while3A_1716 = arith.constant 1 : i32
    scf.for %while3A_1758 = %while3A_1709 to %while3A_1715 step %while3A_1716  : i32 {
      %rem3A = arith.constant 6 : i32
      %rem3A_1759 = arith.remsi %while3A_1758, %rem3A : i32
      %eq3A_1760 = arith.constant 0 : i32
      %eq3A_1761 = arith.cmpi eq, %rem3A_1759, %eq3A_1760 : i32
      %convert_element_type3A_1762 = arith.extui %eq3A_1761 : i1 to i32
      %cond3A_1763 = arith.constant 0 : i32
      %cond3A_1764 = arith.cmpi ne, %convert_element_type3A_1762, %cond3A_1763 : i32
      scf.if %cond3A_1764 {
        %dma_wait3A = arith.constant 0 : i32
        %dma_wait3A_1800 = arith.constant 0 : i32
        %dma_wait3A_1801 = tpu.memref_slice %arg2[%mul3A_2, %dma_wait3A, %dma_wait3A_1800] : memref<3456x32x512xf32, #tpu.memory_space<hbm>> -> memref<1x32x512xf32, #tpu.memory_space<hbm>>
        %dma_wait3A_1802 = tpu.memref_squeeze %dma_wait3A_1801 : memref<1x32x512xf32, #tpu.memory_space<hbm>> -> memref<32x512xf32, #tpu.memory_space<hbm>>
        %dma_wait3A_1803 = arith.constant 0 : i32
        %dma_wait3A_1804 = arith.constant 0 : i32
        %dma_wait3A_1805 = tpu.memref_slice %arg2[%mul3A_2, %dma_wait3A_1803, %dma_wait3A_1804] : memref<3456x32x512xf32, #tpu.memory_space<hbm>> -> memref<1x32x512xf32, #tpu.memory_space<hbm>>
        %dma_wait3A_1806 = tpu.memref_squeeze %dma_wait3A_1805 : memref<1x32x512xf32, #tpu.memory_space<hbm>> -> memref<32x512xf32, #tpu.memory_space<hbm>>
        tpu.wait_dma2 semaphore(%arg16 : memref<!tpu.dma_semaphore, #tpu.memory_space<semaphore_mem>>) src(%dma_wait3A_1806 : memref<32x512xf32, #tpu.memory_space<hbm>>) dst(%arg8 : memref<32x512xf32, #tpu.memory_space<vmem>>)
        %get3A_1807 = arith.index_cast %while3A_1758 : i32 to index
        %get3A_1808 = memref.load %arg14[%get3A_1807] : memref<109xi32, #tpu.memory_space<smem>>
        %add3A_1809 = arith.addi %mul3A_2, %get3A_1808 : i32
        %dma_start3A = arith.constant 0 : i32
        %dma_start3A_1810 = arith.constant 0 : i32
        %dma_start3A_1811 = tpu.memref_slice %arg5[%add3A_1809, %dma_start3A, %dma_start3A_1810] : memref<3456x32x512xf32, #tpu.memory_space<hbm>> -> memref<1x32x512xf32, #tpu.memory_space<hbm>>
        %dma_start3A_1812 = tpu.memref_squeeze %dma_start3A_1811 : memref<1x32x512xf32, #tpu.memory_space<hbm>> -> memref<32x512xf32, #tpu.memory_space<hbm>>
        %dma_start3A_1813 = arith.constant 0 : i32
        %dma_start3A_1814 = arith.constant 0 : i32
        %dma_start3A_1815 = tpu.memref_slice %arg5[%add3A_1809, %dma_start3A_1813, %dma_start3A_1814] : memref<3456x32x512xf32, #tpu.memory_space<hbm>> -> memref<1x32x512xf32, #tpu.memory_space<hbm>>
        %dma_start3A_1816 = tpu.memref_squeeze %dma_start3A_1815 : memref<1x32x512xf32, #tpu.memory_space<hbm>> -> memref<32x512xf32, #tpu.memory_space<hbm>>
        tpu.enqueue_dma source(%arg8 : memref<32x512xf32, #tpu.memory_space<vmem>>) target(%dma_start3A_1816 : memref<32x512xf32, #tpu.memory_space<hbm>>) target_semaphore(%arg22 : memref<!tpu.dma_semaphore, #tpu.memory_space<semaphore_mem>>)
        %add3A_1817 = arith.constant 3 : i32
        %add3A_1818 = arith.addi %while3A_1758, %add3A_1817 : i32
        %lt3A = arith.cmpi slt, %add3A_1818, %add3A_1685 : i32
        %convert_element_type3A_1819 = arith.extui %lt3A : i1 to i32
        %cond3A_1820 = arith.constant 0 : i32
        %cond3A_1821 = arith.cmpi ne, %convert_element_type3A_1819, %cond3A_1820 : i32
        scf.if %cond3A_1821 {
          %add3A_1822 = arith.constant 3 : i32
          %add3A_1823 = arith.addi %while3A_1758, %add3A_1822 : i32
          %ge3A = arith.constant 6 : i32
          %ge3A_1824 = arith.cmpi sge, %add3A_1823, %ge3A : i32
          %convert_element_type3A_1825 = arith.extui %ge3A_1824 : i1 to i32
          %cond3A_1826 = arith.constant 0 : i32
          %cond3A_1827 = arith.cmpi ne, %convert_element_type3A_1825, %cond3A_1826 : i32
          scf.if %cond3A_1827 {
            %dma_wait3A_1841 = arith.constant 0 : i32
            %dma_wait3A_1842 = arith.constant 0 : i32
            %dma_wait3A_1843 = tpu.memref_slice %arg5[%mul3A_2, %dma_wait3A_1841, %dma_wait3A_1842] : memref<3456x32x512xf32, #tpu.memory_space<hbm>> -> memref<1x32x512xf32, #tpu.memory_space<hbm>>
            %dma_wait3A_1844 = tpu.memref_squeeze %dma_wait3A_1843 : memref<1x32x512xf32, #tpu.memory_space<hbm>> -> memref<32x512xf32, #tpu.memory_space<hbm>>
            %dma_wait3A_1845 = arith.constant 0 : i32
            %dma_wait3A_1846 = arith.constant 0 : i32
            %dma_wait3A_1847 = tpu.memref_slice %arg5[%mul3A_2, %dma_wait3A_1845, %dma_wait3A_1846] : memref<3456x32x512xf32, #tpu.memory_space<hbm>> -> memref<1x32x512xf32, #tpu.memory_space<hbm>>
            %dma_wait3A_1848 = tpu.memref_squeeze %dma_wait3A_1847 : memref<1x32x512xf32, #tpu.memory_space<hbm>> -> memref<32x512xf32, #tpu.memory_space<hbm>>
            tpu.wait_dma2 semaphore(%arg25 : memref<!tpu.dma_semaphore, #tpu.memory_space<semaphore_mem>>) src(%arg11 : memref<32x512xf32, #tpu.memory_space<vmem>>) dst(%dma_wait3A_1848 : memref<32x512xf32, #tpu.memory_space<hbm>>)
          } else {
          }
          %add3A_1828 = arith.constant 3 : i32
          %add3A_1829 = arith.addi %while3A_1758, %add3A_1828 : i32
          %get3A_1830 = arith.index_cast %add3A_1829 : i32 to index
          %get3A_1831 = memref.load %arg14[%get3A_1830] : memref<109xi32, #tpu.memory_space<smem>>
          %add3A_1832 = arith.addi %mul3A_2, %get3A_1831 : i32
          %dma_start3A_1833 = arith.constant 0 : i32
          %dma_start3A_1834 = arith.constant 0 : i32
          %dma_start3A_1835 = tpu.memref_slice %arg2[%add3A_1832, %dma_start3A_1833, %dma_start3A_1834] : memref<3456x32x512xf32, #tpu.memory_space<hbm>> -> memref<1x32x512xf32, #tpu.memory_space<hbm>>
          %dma_start3A_1836 = tpu.memref_squeeze %dma_start3A_1835 : memref<1x32x512xf32, #tpu.memory_space<hbm>> -> memref<32x512xf32, #tpu.memory_space<hbm>>
          %dma_start3A_1837 = arith.constant 0 : i32
          %dma_start3A_1838 = arith.constant 0 : i32
          %dma_start3A_1839 = tpu.memref_slice %arg2[%add3A_1832, %dma_start3A_1837, %dma_start3A_1838] : memref<3456x32x512xf32, #tpu.memory_space<hbm>> -> memref<1x32x512xf32, #tpu.memory_space<hbm>>
          %dma_start3A_1840 = tpu.memref_squeeze %dma_start3A_1839 : memref<1x32x512xf32, #tpu.memory_space<hbm>> -> memref<32x512xf32, #tpu.memory_space<hbm>>
          tpu.enqueue_dma source(%dma_start3A_1840 : memref<32x512xf32, #tpu.memory_space<hbm>>) target(%arg11 : memref<32x512xf32, #tpu.memory_space<vmem>>) target_semaphore(%arg19 : memref<!tpu.dma_semaphore, #tpu.memory_space<semaphore_mem>>)
        } else {
        }
      } else {
      }
      %rem3A_1765 = arith.constant 6 : i32
      %rem3A_1766 = arith.remsi %while3A_1758, %rem3A_1765 : i32
      %eq3A_1767 = arith.constant 1 : i32
      %eq3A_1768 = arith.cmpi eq, %rem3A_1766, %eq3A_1767 : i32
      %convert_element_type3A_1769 = arith.extui %eq3A_1768 : i1 to i32
      %cond3A_1770 = arith.constant 0 : i32
      %cond3A_1771 = arith.cmpi ne, %convert_element_type3A_1769, %cond3A_1770 : i32
      scf.if %cond3A_1771 {
        %dma_wait3A = arith.constant 0 : i32
        %dma_wait3A_1800 = arith.constant 0 : i32
        %dma_wait3A_1801 = tpu.memref_slice %arg2[%mul3A_2, %dma_wait3A, %dma_wait3A_1800] : memref<3456x32x512xf32, #tpu.memory_space<hbm>> -> memref<1x32x512xf32, #tpu.memory_space<hbm>>
        %dma_wait3A_1802 = tpu.memref_squeeze %dma_wait3A_1801 : memref<1x32x512xf32, #tpu.memory_space<hbm>> -> memref<32x512xf32, #tpu.memory_space<hbm>>
        %dma_wait3A_1803 = arith.constant 0 : i32
        %dma_wait3A_1804 = arith.constant 0 : i32
        %dma_wait3A_1805 = tpu.memref_slice %arg2[%mul3A_2, %dma_wait3A_1803, %dma_wait3A_1804] : memref<3456x32x512xf32, #tpu.memory_space<hbm>> -> memref<1x32x512xf32, #tpu.memory_space<hbm>>
        %dma_wait3A_1806 = tpu.memref_squeeze %dma_wait3A_1805 : memref<1x32x512xf32, #tpu.memory_space<hbm>> -> memref<32x512xf32, #tpu.memory_space<hbm>>
        tpu.wait_dma2 semaphore(%arg17 : memref<!tpu.dma_semaphore, #tpu.memory_space<semaphore_mem>>) src(%dma_wait3A_1806 : memref<32x512xf32, #tpu.memory_space<hbm>>) dst(%arg9 : memref<32x512xf32, #tpu.memory_space<vmem>>)
        %get3A_1807 = arith.index_cast %while3A_1758 : i32 to index
        %get3A_1808 = memref.load %arg14[%get3A_1807] : memref<109xi32, #tpu.memory_space<smem>>
        %add3A_1809 = arith.addi %mul3A_2, %get3A_1808 : i32
        %dma_start3A = arith.constant 0 : i32
        %dma_start3A_1810 = arith.constant 0 : i32
        %dma_start3A_1811 = tpu.memref_slice %arg5[%add3A_1809, %dma_start3A, %dma_start3A_1810] : memref<3456x32x512xf32, #tpu.memory_space<hbm>> -> memref<1x32x512xf32, #tpu.memory_space<hbm>>
        %dma_start3A_1812 = tpu.memref_squeeze %dma_start3A_1811 : memref<1x32x512xf32, #tpu.memory_space<hbm>> -> memref<32x512xf32, #tpu.memory_space<hbm>>
        %dma_start3A_1813 = arith.constant 0 : i32
        %dma_start3A_1814 = arith.constant 0 : i32
        %dma_start3A_1815 = tpu.memref_slice %arg5[%add3A_1809, %dma_start3A_1813, %dma_start3A_1814] : memref<3456x32x512xf32, #tpu.memory_space<hbm>> -> memref<1x32x512xf32, #tpu.memory_space<hbm>>
        %dma_start3A_1816 = tpu.memref_squeeze %dma_start3A_1815 : memref<1x32x512xf32, #tpu.memory_space<hbm>> -> memref<32x512xf32, #tpu.memory_space<hbm>>
        tpu.enqueue_dma source(%arg9 : memref<32x512xf32, #tpu.memory_space<vmem>>) target(%dma_start3A_1816 : memref<32x512xf32, #tpu.memory_space<hbm>>) target_semaphore(%arg23 : memref<!tpu.dma_semaphore, #tpu.memory_space<semaphore_mem>>)
        %add3A_1817 = arith.constant 3 : i32
        %add3A_1818 = arith.addi %while3A_1758, %add3A_1817 : i32
        %lt3A = arith.cmpi slt, %add3A_1818, %add3A_1685 : i32
        %convert_element_type3A_1819 = arith.extui %lt3A : i1 to i32
        %cond3A_1820 = arith.constant 0 : i32
        %cond3A_1821 = arith.cmpi ne, %convert_element_type3A_1819, %cond3A_1820 : i32
        scf.if %cond3A_1821 {
          %add3A_1822 = arith.constant 3 : i32
          %add3A_1823 = arith.addi %while3A_1758, %add3A_1822 : i32
          %ge3A = arith.constant 6 : i32
          %ge3A_1824 = arith.cmpi sge, %add3A_1823, %ge3A : i32
          %convert_element_type3A_1825 = arith.extui %ge3A_1824 : i1 to i32
          %cond3A_1826 = arith.constant 0 : i32
          %cond3A_1827 = arith.cmpi ne, %convert_element_type3A_1825, %cond3A_1826 : i32
          scf.if %cond3A_1827 {
            %dma_wait3A_1841 = arith.constant 0 : i32
            %dma_wait3A_1842 = arith.constant 0 : i32
            %dma_wait3A_1843 = tpu.memref_slice %arg5[%mul3A_2, %dma_wait3A_1841, %dma_wait3A_1842] : memref<3456x32x512xf32, #tpu.memory_space<hbm>> -> memref<1x32x512xf32, #tpu.memory_space<hbm>>
            %dma_wait3A_1844 = tpu.memref_squeeze %dma_wait3A_1843 : memref<1x32x512xf32, #tpu.memory_space<hbm>> -> memref<32x512xf32, #tpu.memory_space<hbm>>
            %dma_wait3A_1845 = arith.constant 0 : i32
            %dma_wait3A_1846 = arith.constant 0 : i32
            %dma_wait3A_1847 = tpu.memref_slice %arg5[%mul3A_2, %dma_wait3A_1845, %dma_wait3A_1846] : memref<3456x32x512xf32, #tpu.memory_space<hbm>> -> memref<1x32x512xf32, #tpu.memory_space<hbm>>
            %dma_wait3A_1848 = tpu.memref_squeeze %dma_wait3A_1847 : memref<1x32x512xf32, #tpu.memory_space<hbm>> -> memref<32x512xf32, #tpu.memory_space<hbm>>
            tpu.wait_dma2 semaphore(%arg26 : memref<!tpu.dma_semaphore, #tpu.memory_space<semaphore_mem>>) src(%arg12 : memref<32x512xf32, #tpu.memory_space<vmem>>) dst(%dma_wait3A_1848 : memref<32x512xf32, #tpu.memory_space<hbm>>)
          } else {
          }
          %add3A_1828 = arith.constant 3 : i32
          %add3A_1829 = arith.addi %while3A_1758, %add3A_1828 : i32
          %get3A_1830 = arith.index_cast %add3A_1829 : i32 to index
          %get3A_1831 = memref.load %arg14[%get3A_1830] : memref<109xi32, #tpu.memory_space<smem>>
          %add3A_1832 = arith.addi %mul3A_2, %get3A_1831 : i32
          %dma_start3A_1833 = arith.constant 0 : i32
          %dma_start3A_1834 = arith.constant 0 : i32
          %dma_start3A_1835 = tpu.memref_slice %arg2[%add3A_1832, %dma_start3A_1833, %dma_start3A_1834] : memref<3456x32x512xf32, #tpu.memory_space<hbm>> -> memref<1x32x512xf32, #tpu.memory_space<hbm>>
          %dma_start3A_1836 = tpu.memref_squeeze %dma_start3A_1835 : memref<1x32x512xf32, #tpu.memory_space<hbm>> -> memref<32x512xf32, #tpu.memory_space<hbm>>
          %dma_start3A_1837 = arith.constant 0 : i32
          %dma_start3A_1838 = arith.constant 0 : i32
          %dma_start3A_1839 = tpu.memref_slice %arg2[%add3A_1832, %dma_start3A_1837, %dma_start3A_1838] : memref<3456x32x512xf32, #tpu.memory_space<hbm>> -> memref<1x32x512xf32, #tpu.memory_space<hbm>>
          %dma_start3A_1840 = tpu.memref_squeeze %dma_start3A_1839 : memref<1x32x512xf32, #tpu.memory_space<hbm>> -> memref<32x512xf32, #tpu.memory_space<hbm>>
          tpu.enqueue_dma source(%dma_start3A_1840 : memref<32x512xf32, #tpu.memory_space<hbm>>) target(%arg12 : memref<32x512xf32, #tpu.memory_space<vmem>>) target_semaphore(%arg20 : memref<!tpu.dma_semaphore, #tpu.memory_space<semaphore_mem>>)
        } else {
        }
      } else {
      }
      %rem3A_1772 = arith.constant 6 : i32
      %rem3A_1773 = arith.remsi %while3A_1758, %rem3A_1772 : i32
      %eq3A_1774 = arith.constant 2 : i32
      %eq3A_1775 = arith.cmpi eq, %rem3A_1773, %eq3A_1774 : i32
      %convert_element_type3A_1776 = arith.extui %eq3A_1775 : i1 to i32
      %cond3A_1777 = arith.constant 0 : i32
      %cond3A_1778 = arith.cmpi ne, %convert_element_type3A_1776, %cond3A_1777 : i32
      scf.if %cond3A_1778 {
        %dma_wait3A = arith.constant 0 : i32
        %dma_wait3A_1800 = arith.constant 0 : i32
        %dma_wait3A_1801 = tpu.memref_slice %arg2[%mul3A_2, %dma_wait3A, %dma_wait3A_1800] : memref<3456x32x512xf32, #tpu.memory_space<hbm>> -> memref<1x32x512xf32, #tpu.memory_space<hbm>>
        %dma_wait3A_1802 = tpu.memref_squeeze %dma_wait3A_1801 : memref<1x32x512xf32, #tpu.memory_space<hbm>> -> memref<32x512xf32, #tpu.memory_space<hbm>>
        %dma_wait3A_1803 = arith.constant 0 : i32
        %dma_wait3A_1804 = arith.constant 0 : i32
        %dma_wait3A_1805 = tpu.memref_slice %arg2[%mul3A_2, %dma_wait3A_1803, %dma_wait3A_1804] : memref<3456x32x512xf32, #tpu.memory_space<hbm>> -> memref<1x32x512xf32, #tpu.memory_space<hbm>>
        %dma_wait3A_1806 = tpu.memref_squeeze %dma_wait3A_1805 : memref<1x32x512xf32, #tpu.memory_space<hbm>> -> memref<32x512xf32, #tpu.memory_space<hbm>>
        tpu.wait_dma2 semaphore(%arg18 : memref<!tpu.dma_semaphore, #tpu.memory_space<semaphore_mem>>) src(%dma_wait3A_1806 : memref<32x512xf32, #tpu.memory_space<hbm>>) dst(%arg10 : memref<32x512xf32, #tpu.memory_space<vmem>>)
        %get3A_1807 = arith.index_cast %while3A_1758 : i32 to index
        %get3A_1808 = memref.load %arg14[%get3A_1807] : memref<109xi32, #tpu.memory_space<smem>>
        %add3A_1809 = arith.addi %mul3A_2, %get3A_1808 : i32
        %dma_start3A = arith.constant 0 : i32
        %dma_start3A_1810 = arith.constant 0 : i32
        %dma_start3A_1811 = tpu.memref_slice %arg5[%add3A_1809, %dma_start3A, %dma_start3A_1810] : memref<3456x32x512xf32, #tpu.memory_space<hbm>> -> memref<1x32x512xf32, #tpu.memory_space<hbm>>
        %dma_start3A_1812 = tpu.memref_squeeze %dma_start3A_1811 : memref<1x32x512xf32, #tpu.memory_space<hbm>> -> memref<32x512xf32, #tpu.memory_space<hbm>>
        %dma_start3A_1813 = arith.constant 0 : i32
        %dma_start3A_1814 = arith.constant 0 : i32
        %dma_start3A_1815 = tpu.memref_slice %arg5[%add3A_1809, %dma_start3A_1813, %dma_start3A_1814] : memref<3456x32x512xf32, #tpu.memory_space<hbm>> -> memref<1x32x512xf32, #tpu.memory_space<hbm>>
        %dma_start3A_1816 = tpu.memref_squeeze %dma_start3A_1815 : memref<1x32x512xf32, #tpu.memory_space<hbm>> -> memref<32x512xf32, #tpu.memory_space<hbm>>
        tpu.enqueue_dma source(%arg10 : memref<32x512xf32, #tpu.memory_space<vmem>>) target(%dma_start3A_1816 : memref<32x512xf32, #tpu.memory_space<hbm>>) target_semaphore(%arg24 : memref<!tpu.dma_semaphore, #tpu.memory_space<semaphore_mem>>)
        %add3A_1817 = arith.constant 3 : i32
        %add3A_1818 = arith.addi %while3A_1758, %add3A_1817 : i32
        %lt3A = arith.cmpi slt, %add3A_1818, %add3A_1685 : i32
        %convert_element_type3A_1819 = arith.extui %lt3A : i1 to i32
        %cond3A_1820 = arith.constant 0 : i32
        %cond3A_1821 = arith.cmpi ne, %convert_element_type3A_1819, %cond3A_1820 : i32
        scf.if %cond3A_1821 {
          %add3A_1822 = arith.constant 3 : i32
          %add3A_1823 = arith.addi %while3A_1758, %add3A_1822 : i32
          %ge3A = arith.constant 6 : i32
          %ge3A_1824 = arith.cmpi sge, %add3A_1823, %ge3A : i32
          %convert_element_type3A_1825 = arith.extui %ge3A_1824 : i1 to i32
          %cond3A_1826 = arith.constant 0 : i32
          %cond3A_1827 = arith.cmpi ne, %convert_element_type3A_1825, %cond3A_1826 : i32
          scf.if %cond3A_1827 {
            %dma_wait3A_1841 = arith.constant 0 : i32
            %dma_wait3A_1842 = arith.constant 0 : i32
            %dma_wait3A_1843 = tpu.memref_slice %arg5[%mul3A_2, %dma_wait3A_1841, %dma_wait3A_1842] : memref<3456x32x512xf32, #tpu.memory_space<hbm>> -> memref<1x32x512xf32, #tpu.memory_space<hbm>>
            %dma_wait3A_1844 = tpu.memref_squeeze %dma_wait3A_1843 : memref<1x32x512xf32, #tpu.memory_space<hbm>> -> memref<32x512xf32, #tpu.memory_space<hbm>>
            %dma_wait3A_1845 = arith.constant 0 : i32
            %dma_wait3A_1846 = arith.constant 0 : i32
            %dma_wait3A_1847 = tpu.memref_slice %arg5[%mul3A_2, %dma_wait3A_1845, %dma_wait3A_1846] : memref<3456x32x512xf32, #tpu.memory_space<hbm>> -> memref<1x32x512xf32, #tpu.memory_space<hbm>>
            %dma_wait3A_1848 = tpu.memref_squeeze %dma_wait3A_1847 : memref<1x32x512xf32, #tpu.memory_space<hbm>> -> memref<32x512xf32, #tpu.memory_space<hbm>>
            tpu.wait_dma2 semaphore(%arg27 : memref<!tpu.dma_semaphore, #tpu.memory_space<semaphore_mem>>) src(%arg13 : memref<32x512xf32, #tpu.memory_space<vmem>>) dst(%dma_wait3A_1848 : memref<32x512xf32, #tpu.memory_space<hbm>>)
          } else {
          }
          %add3A_1828 = arith.constant 3 : i32
          %add3A_1829 = arith.addi %while3A_1758, %add3A_1828 : i32
          %get3A_1830 = arith.index_cast %add3A_1829 : i32 to index
          %get3A_1831 = memref.load %arg14[%get3A_1830] : memref<109xi32, #tpu.memory_space<smem>>
          %add3A_1832 = arith.addi %mul3A_2, %get3A_1831 : i32
          %dma_start3A_1833 = arith.constant 0 : i32
          %dma_start3A_1834 = arith.constant 0 : i32
          %dma_start3A_1835 = tpu.memref_slice %arg2[%add3A_1832, %dma_start3A_1833, %dma_start3A_1834] : memref<3456x32x512xf32, #tpu.memory_space<hbm>> -> memref<1x32x512xf32, #tpu.memory_space<hbm>>
          %dma_start3A_1836 = tpu.memref_squeeze %dma_start3A_1835 : memref<1x32x512xf32, #tpu.memory_space<hbm>> -> memref<32x512xf32, #tpu.memory_space<hbm>>
          %dma_start3A_1837 = arith.constant 0 : i32
          %dma_start3A_1838 = arith.constant 0 : i32
          %dma_start3A_1839 = tpu.memref_slice %arg2[%add3A_1832, %dma_start3A_1837, %dma_start3A_1838] : memref<3456x32x512xf32, #tpu.memory_space<hbm>> -> memref<1x32x512xf32, #tpu.memory_space<hbm>>
          %dma_start3A_1840 = tpu.memref_squeeze %dma_start3A_1839 : memref<1x32x512xf32, #tpu.memory_space<hbm>> -> memref<32x512xf32, #tpu.memory_space<hbm>>
          tpu.enqueue_dma source(%dma_start3A_1840 : memref<32x512xf32, #tpu.memory_space<hbm>>) target(%arg13 : memref<32x512xf32, #tpu.memory_space<vmem>>) target_semaphore(%arg21 : memref<!tpu.dma_semaphore, #tpu.memory_space<semaphore_mem>>)
        } else {
        }
      } else {
      }
      %rem3A_1779 = arith.constant 6 : i32
      %rem3A_1780 = arith.remsi %while3A_1758, %rem3A_1779 : i32
      %eq3A_1781 = arith.constant 3 : i32
      %eq3A_1782 = arith.cmpi eq, %rem3A_1780, %eq3A_1781 : i32
      %convert_element_type3A_1783 = arith.extui %eq3A_1782 : i1 to i32
      %cond3A_1784 = arith.constant 0 : i32
      %cond3A_1785 = arith.cmpi ne, %convert_element_type3A_1783, %cond3A_1784 : i32
      scf.if %cond3A_1785 {
        %dma_wait3A = arith.constant 0 : i32
        %dma_wait3A_1800 = arith.constant 0 : i32
        %dma_wait3A_1801 = tpu.memref_slice %arg2[%mul3A_2, %dma_wait3A, %dma_wait3A_1800] : memref<3456x32x512xf32, #tpu.memory_space<hbm>> -> memref<1x32x512xf32, #tpu.memory_space<hbm>>
        %dma_wait3A_1802 = tpu.memref_squeeze %dma_wait3A_1801 : memref<1x32x512xf32, #tpu.memory_space<hbm>> -> memref<32x512xf32, #tpu.memory_space<hbm>>
        %dma_wait3A_1803 = arith.constant 0 : i32
        %dma_wait3A_1804 = arith.constant 0 : i32
        %dma_wait3A_1805 = tpu.memref_slice %arg2[%mul3A_2, %dma_wait3A_1803, %dma_wait3A_1804] : memref<3456x32x512xf32, #tpu.memory_space<hbm>> -> memref<1x32x512xf32, #tpu.memory_space<hbm>>
        %dma_wait3A_1806 = tpu.memref_squeeze %dma_wait3A_1805 : memref<1x32x512xf32, #tpu.memory_space<hbm>> -> memref<32x512xf32, #tpu.memory_space<hbm>>
        tpu.wait_dma2 semaphore(%arg19 : memref<!tpu.dma_semaphore, #tpu.memory_space<semaphore_mem>>) src(%dma_wait3A_1806 : memref<32x512xf32, #tpu.memory_space<hbm>>) dst(%arg11 : memref<32x512xf32, #tpu.memory_space<vmem>>)
        %get3A_1807 = arith.index_cast %while3A_1758 : i32 to index
        %get3A_1808 = memref.load %arg14[%get3A_1807] : memref<109xi32, #tpu.memory_space<smem>>
        %add3A_1809 = arith.addi %mul3A_2, %get3A_1808 : i32
        %dma_start3A = arith.constant 0 : i32
        %dma_start3A_1810 = arith.constant 0 : i32
        %dma_start3A_1811 = tpu.memref_slice %arg5[%add3A_1809, %dma_start3A, %dma_start3A_1810] : memref<3456x32x512xf32, #tpu.memory_space<hbm>> -> memref<1x32x512xf32, #tpu.memory_space<hbm>>
        %dma_start3A_1812 = tpu.memref_squeeze %dma_start3A_1811 : memref<1x32x512xf32, #tpu.memory_space<hbm>> -> memref<32x512xf32, #tpu.memory_space<hbm>>
        %dma_start3A_1813 = arith.constant 0 : i32
        %dma_start3A_1814 = arith.constant 0 : i32
        %dma_start3A_1815 = tpu.memref_slice %arg5[%add3A_1809, %dma_start3A_1813, %dma_start3A_1814] : memref<3456x32x512xf32, #tpu.memory_space<hbm>> -> memref<1x32x512xf32, #tpu.memory_space<hbm>>
        %dma_start3A_1816 = tpu.memref_squeeze %dma_start3A_1815 : memref<1x32x512xf32, #tpu.memory_space<hbm>> -> memref<32x512xf32, #tpu.memory_space<hbm>>
        tpu.enqueue_dma source(%arg11 : memref<32x512xf32, #tpu.memory_space<vmem>>) target(%dma_start3A_1816 : memref<32x512xf32, #tpu.memory_space<hbm>>) target_semaphore(%arg25 : memref<!tpu.dma_semaphore, #tpu.memory_space<semaphore_mem>>)
        %add3A_1817 = arith.constant 3 : i32
        %add3A_1818 = arith.addi %while3A_1758, %add3A_1817 : i32
        %lt3A = arith.cmpi slt, %add3A_1818, %add3A_1685 : i32
        %convert_element_type3A_1819 = arith.extui %lt3A : i1 to i32
        %cond3A_1820 = arith.constant 0 : i32
        %cond3A_1821 = arith.cmpi ne, %convert_element_type3A_1819, %cond3A_1820 : i32
        scf.if %cond3A_1821 {
          %add3A_1822 = arith.constant 3 : i32
          %add3A_1823 = arith.addi %while3A_1758, %add3A_1822 : i32
          %ge3A = arith.constant 6 : i32
          %ge3A_1824 = arith.cmpi sge, %add3A_1823, %ge3A : i32
          %convert_element_type3A_1825 = arith.extui %ge3A_1824 : i1 to i32
          %cond3A_1826 = arith.constant 0 : i32
          %cond3A_1827 = arith.cmpi ne, %convert_element_type3A_1825, %cond3A_1826 : i32
          scf.if %cond3A_1827 {
            %dma_wait3A_1841 = arith.constant 0 : i32
            %dma_wait3A_1842 = arith.constant 0 : i32
            %dma_wait3A_1843 = tpu.memref_slice %arg5[%mul3A_2, %dma_wait3A_1841, %dma_wait3A_1842] : memref<3456x32x512xf32, #tpu.memory_space<hbm>> -> memref<1x32x512xf32, #tpu.memory_space<hbm>>
            %dma_wait3A_1844 = tpu.memref_squeeze %dma_wait3A_1843 : memref<1x32x512xf32, #tpu.memory_space<hbm>> -> memref<32x512xf32, #tpu.memory_space<hbm>>
            %dma_wait3A_1845 = arith.constant 0 : i32
            %dma_wait3A_1846 = arith.constant 0 : i32
            %dma_wait3A_1847 = tpu.memref_slice %arg5[%mul3A_2, %dma_wait3A_1845, %dma_wait3A_1846] : memref<3456x32x512xf32, #tpu.memory_space<hbm>> -> memref<1x32x512xf32, #tpu.memory_space<hbm>>
            %dma_wait3A_1848 = tpu.memref_squeeze %dma_wait3A_1847 : memref<1x32x512xf32, #tpu.memory_space<hbm>> -> memref<32x512xf32, #tpu.memory_space<hbm>>
            tpu.wait_dma2 semaphore(%arg22 : memref<!tpu.dma_semaphore, #tpu.memory_space<semaphore_mem>>) src(%arg8 : memref<32x512xf32, #tpu.memory_space<vmem>>) dst(%dma_wait3A_1848 : memref<32x512xf32, #tpu.memory_space<hbm>>)
          } else {
          }
          %add3A_1828 = arith.constant 3 : i32
          %add3A_1829 = arith.addi %while3A_1758, %add3A_1828 : i32
          %get3A_1830 = arith.index_cast %add3A_1829 : i32 to index
          %get3A_1831 = memref.load %arg14[%get3A_1830] : memref<109xi32, #tpu.memory_space<smem>>
          %add3A_1832 = arith.addi %mul3A_2, %get3A_1831 : i32
          %dma_start3A_1833 = arith.constant 0 : i32
          %dma_start3A_1834 = arith.constant 0 : i32
          %dma_start3A_1835 = tpu.memref_slice %arg2[%add3A_1832, %dma_start3A_1833, %dma_start3A_1834] : memref<3456x32x512xf32, #tpu.memory_space<hbm>> -> memref<1x32x512xf32, #tpu.memory_space<hbm>>
          %dma_start3A_1836 = tpu.memref_squeeze %dma_start3A_1835 : memref<1x32x512xf32, #tpu.memory_space<hbm>> -> memref<32x512xf32, #tpu.memory_space<hbm>>
          %dma_start3A_1837 = arith.constant 0 : i32
          %dma_start3A_1838 = arith.constant 0 : i32
          %dma_start3A_1839 = tpu.memref_slice %arg2[%add3A_1832, %dma_start3A_1837, %dma_start3A_1838] : memref<3456x32x512xf32, #tpu.memory_space<hbm>> -> memref<1x32x512xf32, #tpu.memory_space<hbm>>
          %dma_start3A_1840 = tpu.memref_squeeze %dma_start3A_1839 : memref<1x32x512xf32, #tpu.memory_space<hbm>> -> memref<32x512xf32, #tpu.memory_space<hbm>>
          tpu.enqueue_dma source(%dma_start3A_1840 : memref<32x512xf32, #tpu.memory_space<hbm>>) target(%arg8 : memref<32x512xf32, #tpu.memory_space<vmem>>) target_semaphore(%arg16 : memref<!tpu.dma_semaphore, #tpu.memory_space<semaphore_mem>>)
        } else {
        }
      } else {
      }
      %rem3A_1786 = arith.constant 6 : i32
      %rem3A_1787 = arith.remsi %while3A_1758, %rem3A_1786 : i32
      %eq3A_1788 = arith.constant 4 : i32
      %eq3A_1789 = arith.cmpi eq, %rem3A_1787, %eq3A_1788 : i32
      %convert_element_type3A_1790 = arith.extui %eq3A_1789 : i1 to i32
      %cond3A_1791 = arith.constant 0 : i32
      %cond3A_1792 = arith.cmpi ne, %convert_element_type3A_1790, %cond3A_1791 : i32
      scf.if %cond3A_1792 {
        %dma_wait3A = arith.constant 0 : i32
        %dma_wait3A_1800 = arith.constant 0 : i32
        %dma_wait3A_1801 = tpu.memref_slice %arg2[%mul3A_2, %dma_wait3A, %dma_wait3A_1800] : memref<3456x32x512xf32, #tpu.memory_space<hbm>> -> memref<1x32x512xf32, #tpu.memory_space<hbm>>
        %dma_wait3A_1802 = tpu.memref_squeeze %dma_wait3A_1801 : memref<1x32x512xf32, #tpu.memory_space<hbm>> -> memref<32x512xf32, #tpu.memory_space<hbm>>
        %dma_wait3A_1803 = arith.constant 0 : i32
        %dma_wait3A_1804 = arith.constant 0 : i32
        %dma_wait3A_1805 = tpu.memref_slice %arg2[%mul3A_2, %dma_wait3A_1803, %dma_wait3A_1804] : memref<3456x32x512xf32, #tpu.memory_space<hbm>> -> memref<1x32x512xf32, #tpu.memory_space<hbm>>
        %dma_wait3A_1806 = tpu.memref_squeeze %dma_wait3A_1805 : memref<1x32x512xf32, #tpu.memory_space<hbm>> -> memref<32x512xf32, #tpu.memory_space<hbm>>
        tpu.wait_dma2 semaphore(%arg20 : memref<!tpu.dma_semaphore, #tpu.memory_space<semaphore_mem>>) src(%dma_wait3A_1806 : memref<32x512xf32, #tpu.memory_space<hbm>>) dst(%arg12 : memref<32x512xf32, #tpu.memory_space<vmem>>)
        %get3A_1807 = arith.index_cast %while3A_1758 : i32 to index
        %get3A_1808 = memref.load %arg14[%get3A_1807] : memref<109xi32, #tpu.memory_space<smem>>
        %add3A_1809 = arith.addi %mul3A_2, %get3A_1808 : i32
        %dma_start3A = arith.constant 0 : i32
        %dma_start3A_1810 = arith.constant 0 : i32
        %dma_start3A_1811 = tpu.memref_slice %arg5[%add3A_1809, %dma_start3A, %dma_start3A_1810] : memref<3456x32x512xf32, #tpu.memory_space<hbm>> -> memref<1x32x512xf32, #tpu.memory_space<hbm>>
        %dma_start3A_1812 = tpu.memref_squeeze %dma_start3A_1811 : memref<1x32x512xf32, #tpu.memory_space<hbm>> -> memref<32x512xf32, #tpu.memory_space<hbm>>
        %dma_start3A_1813 = arith.constant 0 : i32
        %dma_start3A_1814 = arith.constant 0 : i32
        %dma_start3A_1815 = tpu.memref_slice %arg5[%add3A_1809, %dma_start3A_1813, %dma_start3A_1814] : memref<3456x32x512xf32, #tpu.memory_space<hbm>> -> memref<1x32x512xf32, #tpu.memory_space<hbm>>
        %dma_start3A_1816 = tpu.memref_squeeze %dma_start3A_1815 : memref<1x32x512xf32, #tpu.memory_space<hbm>> -> memref<32x512xf32, #tpu.memory_space<hbm>>
        tpu.enqueue_dma source(%arg12 : memref<32x512xf32, #tpu.memory_space<vmem>>) target(%dma_start3A_1816 : memref<32x512xf32, #tpu.memory_space<hbm>>) target_semaphore(%arg26 : memref<!tpu.dma_semaphore, #tpu.memory_space<semaphore_mem>>)
        %add3A_1817 = arith.constant 3 : i32
        %add3A_1818 = arith.addi %while3A_1758, %add3A_1817 : i32
        %lt3A = arith.cmpi slt, %add3A_1818, %add3A_1685 : i32
        %convert_element_type3A_1819 = arith.extui %lt3A : i1 to i32
        %cond3A_1820 = arith.constant 0 : i32
        %cond3A_1821 = arith.cmpi ne, %convert_element_type3A_1819, %cond3A_1820 : i32
        scf.if %cond3A_1821 {
          %add3A_1822 = arith.constant 3 : i32
          %add3A_1823 = arith.addi %while3A_1758, %add3A_1822 : i32
          %ge3A = arith.constant 6 : i32
          %ge3A_1824 = arith.cmpi sge, %add3A_1823, %ge3A : i32
          %convert_element_type3A_1825 = arith.extui %ge3A_1824 : i1 to i32
          %cond3A_1826 = arith.constant 0 : i32
          %cond3A_1827 = arith.cmpi ne, %convert_element_type3A_1825, %cond3A_1826 : i32
          scf.if %cond3A_1827 {
            %dma_wait3A_1841 = arith.constant 0 : i32
            %dma_wait3A_1842 = arith.constant 0 : i32
            %dma_wait3A_1843 = tpu.memref_slice %arg5[%mul3A_2, %dma_wait3A_1841, %dma_wait3A_1842] : memref<3456x32x512xf32, #tpu.memory_space<hbm>> -> memref<1x32x512xf32, #tpu.memory_space<hbm>>
            %dma_wait3A_1844 = tpu.memref_squeeze %dma_wait3A_1843 : memref<1x32x512xf32, #tpu.memory_space<hbm>> -> memref<32x512xf32, #tpu.memory_space<hbm>>
            %dma_wait3A_1845 = arith.constant 0 : i32
            %dma_wait3A_1846 = arith.constant 0 : i32
            %dma_wait3A_1847 = tpu.memref_slice %arg5[%mul3A_2, %dma_wait3A_1845, %dma_wait3A_1846] : memref<3456x32x512xf32, #tpu.memory_space<hbm>> -> memref<1x32x512xf32, #tpu.memory_space<hbm>>
            %dma_wait3A_1848 = tpu.memref_squeeze %dma_wait3A_1847 : memref<1x32x512xf32, #tpu.memory_space<hbm>> -> memref<32x512xf32, #tpu.memory_space<hbm>>
            tpu.wait_dma2 semaphore(%arg23 : memref<!tpu.dma_semaphore, #tpu.memory_space<semaphore_mem>>) src(%arg9 : memref<32x512xf32, #tpu.memory_space<vmem>>) dst(%dma_wait3A_1848 : memref<32x512xf32, #tpu.memory_space<hbm>>)
          } else {
          }
          %add3A_1828 = arith.constant 3 : i32
          %add3A_1829 = arith.addi %while3A_1758, %add3A_1828 : i32
          %get3A_1830 = arith.index_cast %add3A_1829 : i32 to index
          %get3A_1831 = memref.load %arg14[%get3A_1830] : memref<109xi32, #tpu.memory_space<smem>>
          %add3A_1832 = arith.addi %mul3A_2, %get3A_1831 : i32
          %dma_start3A_1833 = arith.constant 0 : i32
          %dma_start3A_1834 = arith.constant 0 : i32
          %dma_start3A_1835 = tpu.memref_slice %arg2[%add3A_1832, %dma_start3A_1833, %dma_start3A_1834] : memref<3456x32x512xf32, #tpu.memory_space<hbm>> -> memref<1x32x512xf32, #tpu.memory_space<hbm>>
          %dma_start3A_1836 = tpu.memref_squeeze %dma_start3A_1835 : memref<1x32x512xf32, #tpu.memory_space<hbm>> -> memref<32x512xf32, #tpu.memory_space<hbm>>
          %dma_start3A_1837 = arith.constant 0 : i32
          %dma_start3A_1838 = arith.constant 0 : i32
          %dma_start3A_1839 = tpu.memref_slice %arg2[%add3A_1832, %dma_start3A_1837, %dma_start3A_1838] : memref<3456x32x512xf32, #tpu.memory_space<hbm>> -> memref<1x32x512xf32, #tpu.memory_space<hbm>>
          %dma_start3A_1840 = tpu.memref_squeeze %dma_start3A_1839 : memref<1x32x512xf32, #tpu.memory_space<hbm>> -> memref<32x512xf32, #tpu.memory_space<hbm>>
          tpu.enqueue_dma source(%dma_start3A_1840 : memref<32x512xf32, #tpu.memory_space<hbm>>) target(%arg9 : memref<32x512xf32, #tpu.memory_space<vmem>>) target_semaphore(%arg17 : memref<!tpu.dma_semaphore, #tpu.memory_space<semaphore_mem>>)
        } else {
        }
      } else {
      }
      %rem3A_1793 = arith.constant 6 : i32
      %rem3A_1794 = arith.remsi %while3A_1758, %rem3A_1793 : i32
      %eq3A_1795 = arith.constant 5 : i32
      %eq3A_1796 = arith.cmpi eq, %rem3A_1794, %eq3A_1795 : i32
      %convert_element_type3A_1797 = arith.extui %eq3A_1796 : i1 to i32
      %cond3A_1798 = arith.constant 0 : i32
      %cond3A_1799 = arith.cmpi ne, %convert_element_type3A_1797, %cond3A_1798 : i32
      scf.if %cond3A_1799 {
        %dma_wait3A = arith.constant 0 : i32
        %dma_wait3A_1800 = arith.constant 0 : i32
        %dma_wait3A_1801 = tpu.memref_slice %arg2[%mul3A_2, %dma_wait3A, %dma_wait3A_1800] : memref<3456x32x512xf32, #tpu.memory_space<hbm>> -> memref<1x32x512xf32, #tpu.memory_space<hbm>>
        %dma_wait3A_1802 = tpu.memref_squeeze %dma_wait3A_1801 : memref<1x32x512xf32, #tpu.memory_space<hbm>> -> memref<32x512xf32, #tpu.memory_space<hbm>>
        %dma_wait3A_1803 = arith.constant 0 : i32
        %dma_wait3A_1804 = arith.constant 0 : i32
        %dma_wait3A_1805 = tpu.memref_slice %arg2[%mul3A_2, %dma_wait3A_1803, %dma_wait3A_1804] : memref<3456x32x512xf32, #tpu.memory_space<hbm>> -> memref<1x32x512xf32, #tpu.memory_space<hbm>>
        %dma_wait3A_1806 = tpu.memref_squeeze %dma_wait3A_1805 : memref<1x32x512xf32, #tpu.memory_space<hbm>> -> memref<32x512xf32, #tpu.memory_space<hbm>>
        tpu.wait_dma2 semaphore(%arg21 : memref<!tpu.dma_semaphore, #tpu.memory_space<semaphore_mem>>) src(%dma_wait3A_1806 : memref<32x512xf32, #tpu.memory_space<hbm>>) dst(%arg13 : memref<32x512xf32, #tpu.memory_space<vmem>>)
        %get3A_1807 = arith.index_cast %while3A_1758 : i32 to index
        %get3A_1808 = memref.load %arg14[%get3A_1807] : memref<109xi32, #tpu.memory_space<smem>>
        %add3A_1809 = arith.addi %mul3A_2, %get3A_1808 : i32
        %dma_start3A = arith.constant 0 : i32
        %dma_start3A_1810 = arith.constant 0 : i32
        %dma_start3A_1811 = tpu.memref_slice %arg5[%add3A_1809, %dma_start3A, %dma_start3A_1810] : memref<3456x32x512xf32, #tpu.memory_space<hbm>> -> memref<1x32x512xf32, #tpu.memory_space<hbm>>
        %dma_start3A_1812 = tpu.memref_squeeze %dma_start3A_1811 : memref<1x32x512xf32, #tpu.memory_space<hbm>> -> memref<32x512xf32, #tpu.memory_space<hbm>>
        %dma_start3A_1813 = arith.constant 0 : i32
        %dma_start3A_1814 = arith.constant 0 : i32
        %dma_start3A_1815 = tpu.memref_slice %arg5[%add3A_1809, %dma_start3A_1813, %dma_start3A_1814] : memref<3456x32x512xf32, #tpu.memory_space<hbm>> -> memref<1x32x512xf32, #tpu.memory_space<hbm>>
        %dma_start3A_1816 = tpu.memref_squeeze %dma_start3A_1815 : memref<1x32x512xf32, #tpu.memory_space<hbm>> -> memref<32x512xf32, #tpu.memory_space<hbm>>
        tpu.enqueue_dma source(%arg13 : memref<32x512xf32, #tpu.memory_space<vmem>>) target(%dma_start3A_1816 : memref<32x512xf32, #tpu.memory_space<hbm>>) target_semaphore(%arg27 : memref<!tpu.dma_semaphore, #tpu.memory_space<semaphore_mem>>)
        %add3A_1817 = arith.constant 3 : i32
        %add3A_1818 = arith.addi %while3A_1758, %add3A_1817 : i32
        %lt3A = arith.cmpi slt, %add3A_1818, %add3A_1685 : i32
        %convert_element_type3A_1819 = arith.extui %lt3A : i1 to i32
        %cond3A_1820 = arith.constant 0 : i32
        %cond3A_1821 = arith.cmpi ne, %convert_element_type3A_1819, %cond3A_1820 : i32
        scf.if %cond3A_1821 {
          %add3A_1822 = arith.constant 3 : i32
          %add3A_1823 = arith.addi %while3A_1758, %add3A_1822 : i32
          %ge3A = arith.constant 6 : i32
          %ge3A_1824 = arith.cmpi sge, %add3A_1823, %ge3A : i32
          %convert_element_type3A_1825 = arith.extui %ge3A_1824 : i1 to i32
          %cond3A_1826 = arith.constant 0 : i32
          %cond3A_1827 = arith.cmpi ne, %convert_element_type3A_1825, %cond3A_1826 : i32
          scf.if %cond3A_1827 {
            %dma_wait3A_1841 = arith.constant 0 : i32
            %dma_wait3A_1842 = arith.constant 0 : i32
            %dma_wait3A_1843 = tpu.memref_slice %arg5[%mul3A_2, %dma_wait3A_1841, %dma_wait3A_1842] : memref<3456x32x512xf32, #tpu.memory_space<hbm>> -> memref<1x32x512xf32, #tpu.memory_space<hbm>>
            %dma_wait3A_1844 = tpu.memref_squeeze %dma_wait3A_1843 : memref<1x32x512xf32, #tpu.memory_space<hbm>> -> memref<32x512xf32, #tpu.memory_space<hbm>>
            %dma_wait3A_1845 = arith.constant 0 : i32
            %dma_wait3A_1846 = arith.constant 0 : i32
            %dma_wait3A_1847 = tpu.memref_slice %arg5[%mul3A_2, %dma_wait3A_1845, %dma_wait3A_1846] : memref<3456x32x512xf32, #tpu.memory_space<hbm>> -> memref<1x32x512xf32, #tpu.memory_space<hbm>>
            %dma_wait3A_1848 = tpu.memref_squeeze %dma_wait3A_1847 : memref<1x32x512xf32, #tpu.memory_space<hbm>> -> memref<32x512xf32, #tpu.memory_space<hbm>>
            tpu.wait_dma2 semaphore(%arg24 : memref<!tpu.dma_semaphore, #tpu.memory_space<semaphore_mem>>) src(%arg10 : memref<32x512xf32, #tpu.memory_space<vmem>>) dst(%dma_wait3A_1848 : memref<32x512xf32, #tpu.memory_space<hbm>>)
          } else {
          }
          %add3A_1828 = arith.constant 3 : i32
          %add3A_1829 = arith.addi %while3A_1758, %add3A_1828 : i32
          %get3A_1830 = arith.index_cast %add3A_1829 : i32 to index
          %get3A_1831 = memref.load %arg14[%get3A_1830] : memref<109xi32, #tpu.memory_space<smem>>
          %add3A_1832 = arith.addi %mul3A_2, %get3A_1831 : i32
          %dma_start3A_1833 = arith.constant 0 : i32
          %dma_start3A_1834 = arith.constant 0 : i32
          %dma_start3A_1835 = tpu.memref_slice %arg2[%add3A_1832, %dma_start3A_1833, %dma_start3A_1834] : memref<3456x32x512xf32, #tpu.memory_space<hbm>> -> memref<1x32x512xf32, #tpu.memory_space<hbm>>
          %dma_start3A_1836 = tpu.memref_squeeze %dma_start3A_1835 : memref<1x32x512xf32, #tpu.memory_space<hbm>> -> memref<32x512xf32, #tpu.memory_space<hbm>>
          %dma_start3A_1837 = arith.constant 0 : i32
          %dma_start3A_1838 = arith.constant 0 : i32
          %dma_start3A_1839 = tpu.memref_slice %arg2[%add3A_1832, %dma_start3A_1837, %dma_start3A_1838] : memref<3456x32x512xf32, #tpu.memory_space<hbm>> -> memref<1x32x512xf32, #tpu.memory_space<hbm>>
          %dma_start3A_1840 = tpu.memref_squeeze %dma_start3A_1839 : memref<1x32x512xf32, #tpu.memory_space<hbm>> -> memref<32x512xf32, #tpu.memory_space<hbm>>
          tpu.enqueue_dma source(%dma_start3A_1840 : memref<32x512xf32, #tpu.memory_space<hbm>>) target(%arg10 : memref<32x512xf32, #tpu.memory_space<vmem>>) target_semaphore(%arg18 : memref<!tpu.dma_semaphore, #tpu.memory_space<semaphore_mem>>)
        } else {
        }
      } else {
      }
    }
    %while3A_1717 = arith.constant 1 : i32
    scf.for %while3A_1758 = %while3A_1715 to %while3A_1711 step %while3A_1717  : i32 {
      %rem3A = arith.constant 6 : i32
      %rem3A_1759 = arith.remsi %while3A_1758, %rem3A : i32
      %eq3A_1760 = arith.constant 0 : i32
      %eq3A_1761 = arith.cmpi eq, %rem3A_1759, %eq3A_1760 : i32
      %convert_element_type3A_1762 = arith.extui %eq3A_1761 : i1 to i32
      %cond3A_1763 = arith.constant 0 : i32
      %cond3A_1764 = arith.cmpi ne, %convert_element_type3A_1762, %cond3A_1763 : i32
      scf.if %cond3A_1764 {
        %dma_wait3A = arith.constant 0 : i32
        %dma_wait3A_1800 = arith.constant 0 : i32
        %dma_wait3A_1801 = tpu.memref_slice %arg2[%mul3A_2, %dma_wait3A, %dma_wait3A_1800] : memref<3456x32x512xf32, #tpu.memory_space<hbm>> -> memref<1x32x512xf32, #tpu.memory_space<hbm>>
        %dma_wait3A_1802 = tpu.memref_squeeze %dma_wait3A_1801 : memref<1x32x512xf32, #tpu.memory_space<hbm>> -> memref<32x512xf32, #tpu.memory_space<hbm>>
        %dma_wait3A_1803 = arith.constant 0 : i32
        %dma_wait3A_1804 = arith.constant 0 : i32
        %dma_wait3A_1805 = tpu.memref_slice %arg2[%mul3A_2, %dma_wait3A_1803, %dma_wait3A_1804] : memref<3456x32x512xf32, #tpu.memory_space<hbm>> -> memref<1x32x512xf32, #tpu.memory_space<hbm>>
        %dma_wait3A_1806 = tpu.memref_squeeze %dma_wait3A_1805 : memref<1x32x512xf32, #tpu.memory_space<hbm>> -> memref<32x512xf32, #tpu.memory_space<hbm>>
        tpu.wait_dma2 semaphore(%arg16 : memref<!tpu.dma_semaphore, #tpu.memory_space<semaphore_mem>>) src(%dma_wait3A_1806 : memref<32x512xf32, #tpu.memory_space<hbm>>) dst(%arg8 : memref<32x512xf32, #tpu.memory_space<vmem>>)
        %get3A_1807 = arith.index_cast %while3A_1758 : i32 to index
        %get3A_1808 = memref.load %arg14[%get3A_1807] : memref<109xi32, #tpu.memory_space<smem>>
        %add3A_1809 = arith.addi %mul3A_2, %get3A_1808 : i32
        %dma_start3A = arith.constant 0 : i32
        %dma_start3A_1810 = arith.constant 0 : i32
        %dma_start3A_1811 = tpu.memref_slice %arg5[%add3A_1809, %dma_start3A, %dma_start3A_1810] : memref<3456x32x512xf32, #tpu.memory_space<hbm>> -> memref<1x32x512xf32, #tpu.memory_space<hbm>>
        %dma_start3A_1812 = tpu.memref_squeeze %dma_start3A_1811 : memref<1x32x512xf32, #tpu.memory_space<hbm>> -> memref<32x512xf32, #tpu.memory_space<hbm>>
        %dma_start3A_1813 = arith.constant 0 : i32
        %dma_start3A_1814 = arith.constant 0 : i32
        %dma_start3A_1815 = tpu.memref_slice %arg5[%add3A_1809, %dma_start3A_1813, %dma_start3A_1814] : memref<3456x32x512xf32, #tpu.memory_space<hbm>> -> memref<1x32x512xf32, #tpu.memory_space<hbm>>
        %dma_start3A_1816 = tpu.memref_squeeze %dma_start3A_1815 : memref<1x32x512xf32, #tpu.memory_space<hbm>> -> memref<32x512xf32, #tpu.memory_space<hbm>>
        tpu.enqueue_dma source(%arg8 : memref<32x512xf32, #tpu.memory_space<vmem>>) target(%dma_start3A_1816 : memref<32x512xf32, #tpu.memory_space<hbm>>) target_semaphore(%arg22 : memref<!tpu.dma_semaphore, #tpu.memory_space<semaphore_mem>>)
        %add3A_1817 = arith.constant 3 : i32
        %add3A_1818 = arith.addi %while3A_1758, %add3A_1817 : i32
        %lt3A = arith.cmpi slt, %add3A_1818, %add3A_1685 : i32
        %convert_element_type3A_1819 = arith.extui %lt3A : i1 to i32
        %cond3A_1820 = arith.constant 0 : i32
        %cond3A_1821 = arith.cmpi ne, %convert_element_type3A_1819, %cond3A_1820 : i32
        scf.if %cond3A_1821 {
          %add3A_1822 = arith.constant 3 : i32
          %add3A_1823 = arith.addi %while3A_1758, %add3A_1822 : i32
          %ge3A = arith.constant 6 : i32
          %ge3A_1824 = arith.cmpi sge, %add3A_1823, %ge3A : i32
          %convert_element_type3A_1825 = arith.extui %ge3A_1824 : i1 to i32
          %cond3A_1826 = arith.constant 0 : i32
          %cond3A_1827 = arith.cmpi ne, %convert_element_type3A_1825, %cond3A_1826 : i32
          scf.if %cond3A_1827 {
            %dma_wait3A_1841 = arith.constant 0 : i32
            %dma_wait3A_1842 = arith.constant 0 : i32
            %dma_wait3A_1843 = tpu.memref_slice %arg5[%mul3A_2, %dma_wait3A_1841, %dma_wait3A_1842] : memref<3456x32x512xf32, #tpu.memory_space<hbm>> -> memref<1x32x512xf32, #tpu.memory_space<hbm>>
            %dma_wait3A_1844 = tpu.memref_squeeze %dma_wait3A_1843 : memref<1x32x512xf32, #tpu.memory_space<hbm>> -> memref<32x512xf32, #tpu.memory_space<hbm>>
            %dma_wait3A_1845 = arith.constant 0 : i32
            %dma_wait3A_1846 = arith.constant 0 : i32
            %dma_wait3A_1847 = tpu.memref_slice %arg5[%mul3A_2, %dma_wait3A_1845, %dma_wait3A_1846] : memref<3456x32x512xf32, #tpu.memory_space<hbm>> -> memref<1x32x512xf32, #tpu.memory_space<hbm>>
            %dma_wait3A_1848 = tpu.memref_squeeze %dma_wait3A_1847 : memref<1x32x512xf32, #tpu.memory_space<hbm>> -> memref<32x512xf32, #tpu.memory_space<hbm>>
            tpu.wait_dma2 semaphore(%arg25 : memref<!tpu.dma_semaphore, #tpu.memory_space<semaphore_mem>>) src(%arg11 : memref<32x512xf32, #tpu.memory_space<vmem>>) dst(%dma_wait3A_1848 : memref<32x512xf32, #tpu.memory_space<hbm>>)
          } else {
          }
          %add3A_1828 = arith.constant 3 : i32
          %add3A_1829 = arith.addi %while3A_1758, %add3A_1828 : i32
          %get3A_1830 = arith.index_cast %add3A_1829 : i32 to index
          %get3A_1831 = memref.load %arg14[%get3A_1830] : memref<109xi32, #tpu.memory_space<smem>>
          %add3A_1832 = arith.addi %mul3A_2, %get3A_1831 : i32
          %dma_start3A_1833 = arith.constant 0 : i32
          %dma_start3A_1834 = arith.constant 0 : i32
          %dma_start3A_1835 = tpu.memref_slice %arg2[%add3A_1832, %dma_start3A_1833, %dma_start3A_1834] : memref<3456x32x512xf32, #tpu.memory_space<hbm>> -> memref<1x32x512xf32, #tpu.memory_space<hbm>>
          %dma_start3A_1836 = tpu.memref_squeeze %dma_start3A_1835 : memref<1x32x512xf32, #tpu.memory_space<hbm>> -> memref<32x512xf32, #tpu.memory_space<hbm>>
          %dma_start3A_1837 = arith.constant 0 : i32
          %dma_start3A_1838 = arith.constant 0 : i32
          %dma_start3A_1839 = tpu.memref_slice %arg2[%add3A_1832, %dma_start3A_1837, %dma_start3A_1838] : memref<3456x32x512xf32, #tpu.memory_space<hbm>> -> memref<1x32x512xf32, #tpu.memory_space<hbm>>
          %dma_start3A_1840 = tpu.memref_squeeze %dma_start3A_1839 : memref<1x32x512xf32, #tpu.memory_space<hbm>> -> memref<32x512xf32, #tpu.memory_space<hbm>>
          tpu.enqueue_dma source(%dma_start3A_1840 : memref<32x512xf32, #tpu.memory_space<hbm>>) target(%arg11 : memref<32x512xf32, #tpu.memory_space<vmem>>) target_semaphore(%arg19 : memref<!tpu.dma_semaphore, #tpu.memory_space<semaphore_mem>>)
        } else {
        }
      } else {
      }
      %rem3A_1765 = arith.constant 6 : i32
      %rem3A_1766 = arith.remsi %while3A_1758, %rem3A_1765 : i32
      %eq3A_1767 = arith.constant 1 : i32
      %eq3A_1768 = arith.cmpi eq, %rem3A_1766, %eq3A_1767 : i32
      %convert_element_type3A_1769 = arith.extui %eq3A_1768 : i1 to i32
      %cond3A_1770 = arith.constant 0 : i32
      %cond3A_1771 = arith.cmpi ne, %convert_element_type3A_1769, %cond3A_1770 : i32
      scf.if %cond3A_1771 {
        %dma_wait3A = arith.constant 0 : i32
        %dma_wait3A_1800 = arith.constant 0 : i32
        %dma_wait3A_1801 = tpu.memref_slice %arg2[%mul3A_2, %dma_wait3A, %dma_wait3A_1800] : memref<3456x32x512xf32, #tpu.memory_space<hbm>> -> memref<1x32x512xf32, #tpu.memory_space<hbm>>
        %dma_wait3A_1802 = tpu.memref_squeeze %dma_wait3A_1801 : memref<1x32x512xf32, #tpu.memory_space<hbm>> -> memref<32x512xf32, #tpu.memory_space<hbm>>
        %dma_wait3A_1803 = arith.constant 0 : i32
        %dma_wait3A_1804 = arith.constant 0 : i32
        %dma_wait3A_1805 = tpu.memref_slice %arg2[%mul3A_2, %dma_wait3A_1803, %dma_wait3A_1804] : memref<3456x32x512xf32, #tpu.memory_space<hbm>> -> memref<1x32x512xf32, #tpu.memory_space<hbm>>
        %dma_wait3A_1806 = tpu.memref_squeeze %dma_wait3A_1805 : memref<1x32x512xf32, #tpu.memory_space<hbm>> -> memref<32x512xf32, #tpu.memory_space<hbm>>
        tpu.wait_dma2 semaphore(%arg17 : memref<!tpu.dma_semaphore, #tpu.memory_space<semaphore_mem>>) src(%dma_wait3A_1806 : memref<32x512xf32, #tpu.memory_space<hbm>>) dst(%arg9 : memref<32x512xf32, #tpu.memory_space<vmem>>)
        %get3A_1807 = arith.index_cast %while3A_1758 : i32 to index
        %get3A_1808 = memref.load %arg14[%get3A_1807] : memref<109xi32, #tpu.memory_space<smem>>
        %add3A_1809 = arith.addi %mul3A_2, %get3A_1808 : i32
        %dma_start3A = arith.constant 0 : i32
        %dma_start3A_1810 = arith.constant 0 : i32
        %dma_start3A_1811 = tpu.memref_slice %arg5[%add3A_1809, %dma_start3A, %dma_start3A_1810] : memref<3456x32x512xf32, #tpu.memory_space<hbm>> -> memref<1x32x512xf32, #tpu.memory_space<hbm>>
        %dma_start3A_1812 = tpu.memref_squeeze %dma_start3A_1811 : memref<1x32x512xf32, #tpu.memory_space<hbm>> -> memref<32x512xf32, #tpu.memory_space<hbm>>
        %dma_start3A_1813 = arith.constant 0 : i32
        %dma_start3A_1814 = arith.constant 0 : i32
        %dma_start3A_1815 = tpu.memref_slice %arg5[%add3A_1809, %dma_start3A_1813, %dma_start3A_1814] : memref<3456x32x512xf32, #tpu.memory_space<hbm>> -> memref<1x32x512xf32, #tpu.memory_space<hbm>>
        %dma_start3A_1816 = tpu.memref_squeeze %dma_start3A_1815 : memref<1x32x512xf32, #tpu.memory_space<hbm>> -> memref<32x512xf32, #tpu.memory_space<hbm>>
        tpu.enqueue_dma source(%arg9 : memref<32x512xf32, #tpu.memory_space<vmem>>) target(%dma_start3A_1816 : memref<32x512xf32, #tpu.memory_space<hbm>>) target_semaphore(%arg23 : memref<!tpu.dma_semaphore, #tpu.memory_space<semaphore_mem>>)
        %add3A_1817 = arith.constant 3 : i32
        %add3A_1818 = arith.addi %while3A_1758, %add3A_1817 : i32
        %lt3A = arith.cmpi slt, %add3A_1818, %add3A_1685 : i32
        %convert_element_type3A_1819 = arith.extui %lt3A : i1 to i32
        %cond3A_1820 = arith.constant 0 : i32
        %cond3A_1821 = arith.cmpi ne, %convert_element_type3A_1819, %cond3A_1820 : i32
        scf.if %cond3A_1821 {
          %add3A_1822 = arith.constant 3 : i32
          %add3A_1823 = arith.addi %while3A_1758, %add3A_1822 : i32
          %ge3A = arith.constant 6 : i32
          %ge3A_1824 = arith.cmpi sge, %add3A_1823, %ge3A : i32
          %convert_element_type3A_1825 = arith.extui %ge3A_1824 : i1 to i32
          %cond3A_1826 = arith.constant 0 : i32
          %cond3A_1827 = arith.cmpi ne, %convert_element_type3A_1825, %cond3A_1826 : i32
          scf.if %cond3A_1827 {
            %dma_wait3A_1841 = arith.constant 0 : i32
            %dma_wait3A_1842 = arith.constant 0 : i32
            %dma_wait3A_1843 = tpu.memref_slice %arg5[%mul3A_2, %dma_wait3A_1841, %dma_wait3A_1842] : memref<3456x32x512xf32, #tpu.memory_space<hbm>> -> memref<1x32x512xf32, #tpu.memory_space<hbm>>
            %dma_wait3A_1844 = tpu.memref_squeeze %dma_wait3A_1843 : memref<1x32x512xf32, #tpu.memory_space<hbm>> -> memref<32x512xf32, #tpu.memory_space<hbm>>
            %dma_wait3A_1845 = arith.constant 0 : i32
            %dma_wait3A_1846 = arith.constant 0 : i32
            %dma_wait3A_1847 = tpu.memref_slice %arg5[%mul3A_2, %dma_wait3A_1845, %dma_wait3A_1846] : memref<3456x32x512xf32, #tpu.memory_space<hbm>> -> memref<1x32x512xf32, #tpu.memory_space<hbm>>
            %dma_wait3A_1848 = tpu.memref_squeeze %dma_wait3A_1847 : memref<1x32x512xf32, #tpu.memory_space<hbm>> -> memref<32x512xf32, #tpu.memory_space<hbm>>
            tpu.wait_dma2 semaphore(%arg26 : memref<!tpu.dma_semaphore, #tpu.memory_space<semaphore_mem>>) src(%arg12 : memref<32x512xf32, #tpu.memory_space<vmem>>) dst(%dma_wait3A_1848 : memref<32x512xf32, #tpu.memory_space<hbm>>)
          } else {
          }
          %add3A_1828 = arith.constant 3 : i32
          %add3A_1829 = arith.addi %while3A_1758, %add3A_1828 : i32
          %get3A_1830 = arith.index_cast %add3A_1829 : i32 to index
          %get3A_1831 = memref.load %arg14[%get3A_1830] : memref<109xi32, #tpu.memory_space<smem>>
          %add3A_1832 = arith.addi %mul3A_2, %get3A_1831 : i32
          %dma_start3A_1833 = arith.constant 0 : i32
          %dma_start3A_1834 = arith.constant 0 : i32
          %dma_start3A_1835 = tpu.memref_slice %arg2[%add3A_1832, %dma_start3A_1833, %dma_start3A_1834] : memref<3456x32x512xf32, #tpu.memory_space<hbm>> -> memref<1x32x512xf32, #tpu.memory_space<hbm>>
          %dma_start3A_1836 = tpu.memref_squeeze %dma_start3A_1835 : memref<1x32x512xf32, #tpu.memory_space<hbm>> -> memref<32x512xf32, #tpu.memory_space<hbm>>
          %dma_start3A_1837 = arith.constant 0 : i32
          %dma_start3A_1838 = arith.constant 0 : i32
          %dma_start3A_1839 = tpu.memref_slice %arg2[%add3A_1832, %dma_start3A_1837, %dma_start3A_1838] : memref<3456x32x512xf32, #tpu.memory_space<hbm>> -> memref<1x32x512xf32, #tpu.memory_space<hbm>>
          %dma_start3A_1840 = tpu.memref_squeeze %dma_start3A_1839 : memref<1x32x512xf32, #tpu.memory_space<hbm>> -> memref<32x512xf32, #tpu.memory_space<hbm>>
          tpu.enqueue_dma source(%dma_start3A_1840 : memref<32x512xf32, #tpu.memory_space<hbm>>) target(%arg12 : memref<32x512xf32, #tpu.memory_space<vmem>>) target_semaphore(%arg20 : memref<!tpu.dma_semaphore, #tpu.memory_space<semaphore_mem>>)
        } else {
        }
      } else {
      }
      %rem3A_1772 = arith.constant 6 : i32
      %rem3A_1773 = arith.remsi %while3A_1758, %rem3A_1772 : i32
      %eq3A_1774 = arith.constant 2 : i32
      %eq3A_1775 = arith.cmpi eq, %rem3A_1773, %eq3A_1774 : i32
      %convert_element_type3A_1776 = arith.extui %eq3A_1775 : i1 to i32
      %cond3A_1777 = arith.constant 0 : i32
      %cond3A_1778 = arith.cmpi ne, %convert_element_type3A_1776, %cond3A_1777 : i32
      scf.if %cond3A_1778 {
        %dma_wait3A = arith.constant 0 : i32
        %dma_wait3A_1800 = arith.constant 0 : i32
        %dma_wait3A_1801 = tpu.memref_slice %arg2[%mul3A_2, %dma_wait3A, %dma_wait3A_1800] : memref<3456x32x512xf32, #tpu.memory_space<hbm>> -> memref<1x32x512xf32, #tpu.memory_space<hbm>>
        %dma_wait3A_1802 = tpu.memref_squeeze %dma_wait3A_1801 : memref<1x32x512xf32, #tpu.memory_space<hbm>> -> memref<32x512xf32, #tpu.memory_space<hbm>>
        %dma_wait3A_1803 = arith.constant 0 : i32
        %dma_wait3A_1804 = arith.constant 0 : i32
        %dma_wait3A_1805 = tpu.memref_slice %arg2[%mul3A_2, %dma_wait3A_1803, %dma_wait3A_1804] : memref<3456x32x512xf32, #tpu.memory_space<hbm>> -> memref<1x32x512xf32, #tpu.memory_space<hbm>>
        %dma_wait3A_1806 = tpu.memref_squeeze %dma_wait3A_1805 : memref<1x32x512xf32, #tpu.memory_space<hbm>> -> memref<32x512xf32, #tpu.memory_space<hbm>>
        tpu.wait_dma2 semaphore(%arg18 : memref<!tpu.dma_semaphore, #tpu.memory_space<semaphore_mem>>) src(%dma_wait3A_1806 : memref<32x512xf32, #tpu.memory_space<hbm>>) dst(%arg10 : memref<32x512xf32, #tpu.memory_space<vmem>>)
        %get3A_1807 = arith.index_cast %while3A_1758 : i32 to index
        %get3A_1808 = memref.load %arg14[%get3A_1807] : memref<109xi32, #tpu.memory_space<smem>>
        %add3A_1809 = arith.addi %mul3A_2, %get3A_1808 : i32
        %dma_start3A = arith.constant 0 : i32
        %dma_start3A_1810 = arith.constant 0 : i32
        %dma_start3A_1811 = tpu.memref_slice %arg5[%add3A_1809, %dma_start3A, %dma_start3A_1810] : memref<3456x32x512xf32, #tpu.memory_space<hbm>> -> memref<1x32x512xf32, #tpu.memory_space<hbm>>
        %dma_start3A_1812 = tpu.memref_squeeze %dma_start3A_1811 : memref<1x32x512xf32, #tpu.memory_space<hbm>> -> memref<32x512xf32, #tpu.memory_space<hbm>>
        %dma_start3A_1813 = arith.constant 0 : i32
        %dma_start3A_1814 = arith.constant 0 : i32
        %dma_start3A_1815 = tpu.memref_slice %arg5[%add3A_1809, %dma_start3A_1813, %dma_start3A_1814] : memref<3456x32x512xf32, #tpu.memory_space<hbm>> -> memref<1x32x512xf32, #tpu.memory_space<hbm>>
        %dma_start3A_1816 = tpu.memref_squeeze %dma_start3A_1815 : memref<1x32x512xf32, #tpu.memory_space<hbm>> -> memref<32x512xf32, #tpu.memory_space<hbm>>
        tpu.enqueue_dma source(%arg10 : memref<32x512xf32, #tpu.memory_space<vmem>>) target(%dma_start3A_1816 : memref<32x512xf32, #tpu.memory_space<hbm>>) target_semaphore(%arg24 : memref<!tpu.dma_semaphore, #tpu.memory_space<semaphore_mem>>)
        %add3A_1817 = arith.constant 3 : i32
        %add3A_1818 = arith.addi %while3A_1758, %add3A_1817 : i32
        %lt3A = arith.cmpi slt, %add3A_1818, %add3A_1685 : i32
        %convert_element_type3A_1819 = arith.extui %lt3A : i1 to i32
        %cond3A_1820 = arith.constant 0 : i32
        %cond3A_1821 = arith.cmpi ne, %convert_element_type3A_1819, %cond3A_1820 : i32
        scf.if %cond3A_1821 {
          %add3A_1822 = arith.constant 3 : i32
          %add3A_1823 = arith.addi %while3A_1758, %add3A_1822 : i32
          %ge3A = arith.constant 6 : i32
          %ge3A_1824 = arith.cmpi sge, %add3A_1823, %ge3A : i32
          %convert_element_type3A_1825 = arith.extui %ge3A_1824 : i1 to i32
          %cond3A_1826 = arith.constant 0 : i32
          %cond3A_1827 = arith.cmpi ne, %convert_element_type3A_1825, %cond3A_1826 : i32
          scf.if %cond3A_1827 {
            %dma_wait3A_1841 = arith.constant 0 : i32
            %dma_wait3A_1842 = arith.constant 0 : i32
            %dma_wait3A_1843 = tpu.memref_slice %arg5[%mul3A_2, %dma_wait3A_1841, %dma_wait3A_1842] : memref<3456x32x512xf32, #tpu.memory_space<hbm>> -> memref<1x32x512xf32, #tpu.memory_space<hbm>>
            %dma_wait3A_1844 = tpu.memref_squeeze %dma_wait3A_1843 : memref<1x32x512xf32, #tpu.memory_space<hbm>> -> memref<32x512xf32, #tpu.memory_space<hbm>>
            %dma_wait3A_1845 = arith.constant 0 : i32
            %dma_wait3A_1846 = arith.constant 0 : i32
            %dma_wait3A_1847 = tpu.memref_slice %arg5[%mul3A_2, %dma_wait3A_1845, %dma_wait3A_1846] : memref<3456x32x512xf32, #tpu.memory_space<hbm>> -> memref<1x32x512xf32, #tpu.memory_space<hbm>>
            %dma_wait3A_1848 = tpu.memref_squeeze %dma_wait3A_1847 : memref<1x32x512xf32, #tpu.memory_space<hbm>> -> memref<32x512xf32, #tpu.memory_space<hbm>>
            tpu.wait_dma2 semaphore(%arg27 : memref<!tpu.dma_semaphore, #tpu.memory_space<semaphore_mem>>) src(%arg13 : memref<32x512xf32, #tpu.memory_space<vmem>>) dst(%dma_wait3A_1848 : memref<32x512xf32, #tpu.memory_space<hbm>>)
          } else {
          }
          %add3A_1828 = arith.constant 3 : i32
          %add3A_1829 = arith.addi %while3A_1758, %add3A_1828 : i32
          %get3A_1830 = arith.index_cast %add3A_1829 : i32 to index
          %get3A_1831 = memref.load %arg14[%get3A_1830] : memref<109xi32, #tpu.memory_space<smem>>
          %add3A_1832 = arith.addi %mul3A_2, %get3A_1831 : i32
          %dma_start3A_1833 = arith.constant 0 : i32
          %dma_start3A_1834 = arith.constant 0 : i32
          %dma_start3A_1835 = tpu.memref_slice %arg2[%add3A_1832, %dma_start3A_1833, %dma_start3A_1834] : memref<3456x32x512xf32, #tpu.memory_space<hbm>> -> memref<1x32x512xf32, #tpu.memory_space<hbm>>
          %dma_start3A_1836 = tpu.memref_squeeze %dma_start3A_1835 : memref<1x32x512xf32, #tpu.memory_space<hbm>> -> memref<32x512xf32, #tpu.memory_space<hbm>>
          %dma_start3A_1837 = arith.constant 0 : i32
          %dma_start3A_1838 = arith.constant 0 : i32
          %dma_start3A_1839 = tpu.memref_slice %arg2[%add3A_1832, %dma_start3A_1837, %dma_start3A_1838] : memref<3456x32x512xf32, #tpu.memory_space<hbm>> -> memref<1x32x512xf32, #tpu.memory_space<hbm>>
          %dma_start3A_1840 = tpu.memref_squeeze %dma_start3A_1839 : memref<1x32x512xf32, #tpu.memory_space<hbm>> -> memref<32x512xf32, #tpu.memory_space<hbm>>
          tpu.enqueue_dma source(%dma_start3A_1840 : memref<32x512xf32, #tpu.memory_space<hbm>>) target(%arg13 : memref<32x512xf32, #tpu.memory_space<vmem>>) target_semaphore(%arg21 : memref<!tpu.dma_semaphore, #tpu.memory_space<semaphore_mem>>)
        } else {
        }
      } else {
      }
      %rem3A_1779 = arith.constant 6 : i32
      %rem3A_1780 = arith.remsi %while3A_1758, %rem3A_1779 : i32
      %eq3A_1781 = arith.constant 3 : i32
      %eq3A_1782 = arith.cmpi eq, %rem3A_1780, %eq3A_1781 : i32
      %convert_element_type3A_1783 = arith.extui %eq3A_1782 : i1 to i32
      %cond3A_1784 = arith.constant 0 : i32
      %cond3A_1785 = arith.cmpi ne, %convert_element_type3A_1783, %cond3A_1784 : i32
      scf.if %cond3A_1785 {
        %dma_wait3A = arith.constant 0 : i32
        %dma_wait3A_1800 = arith.constant 0 : i32
        %dma_wait3A_1801 = tpu.memref_slice %arg2[%mul3A_2, %dma_wait3A, %dma_wait3A_1800] : memref<3456x32x512xf32, #tpu.memory_space<hbm>> -> memref<1x32x512xf32, #tpu.memory_space<hbm>>
        %dma_wait3A_1802 = tpu.memref_squeeze %dma_wait3A_1801 : memref<1x32x512xf32, #tpu.memory_space<hbm>> -> memref<32x512xf32, #tpu.memory_space<hbm>>
        %dma_wait3A_1803 = arith.constant 0 : i32
        %dma_wait3A_1804 = arith.constant 0 : i32
        %dma_wait3A_1805 = tpu.memref_slice %arg2[%mul3A_2, %dma_wait3A_1803, %dma_wait3A_1804] : memref<3456x32x512xf32, #tpu.memory_space<hbm>> -> memref<1x32x512xf32, #tpu.memory_space<hbm>>
        %dma_wait3A_1806 = tpu.memref_squeeze %dma_wait3A_1805 : memref<1x32x512xf32, #tpu.memory_space<hbm>> -> memref<32x512xf32, #tpu.memory_space<hbm>>
        tpu.wait_dma2 semaphore(%arg19 : memref<!tpu.dma_semaphore, #tpu.memory_space<semaphore_mem>>) src(%dma_wait3A_1806 : memref<32x512xf32, #tpu.memory_space<hbm>>) dst(%arg11 : memref<32x512xf32, #tpu.memory_space<vmem>>)
        %get3A_1807 = arith.index_cast %while3A_1758 : i32 to index
        %get3A_1808 = memref.load %arg14[%get3A_1807] : memref<109xi32, #tpu.memory_space<smem>>
        %add3A_1809 = arith.addi %mul3A_2, %get3A_1808 : i32
        %dma_start3A = arith.constant 0 : i32
        %dma_start3A_1810 = arith.constant 0 : i32
        %dma_start3A_1811 = tpu.memref_slice %arg5[%add3A_1809, %dma_start3A, %dma_start3A_1810] : memref<3456x32x512xf32, #tpu.memory_space<hbm>> -> memref<1x32x512xf32, #tpu.memory_space<hbm>>
        %dma_start3A_1812 = tpu.memref_squeeze %dma_start3A_1811 : memref<1x32x512xf32, #tpu.memory_space<hbm>> -> memref<32x512xf32, #tpu.memory_space<hbm>>
        %dma_start3A_1813 = arith.constant 0 : i32
        %dma_start3A_1814 = arith.constant 0 : i32
        %dma_start3A_1815 = tpu.memref_slice %arg5[%add3A_1809, %dma_start3A_1813, %dma_start3A_1814] : memref<3456x32x512xf32, #tpu.memory_space<hbm>> -> memref<1x32x512xf32, #tpu.memory_space<hbm>>
        %dma_start3A_1816 = tpu.memref_squeeze %dma_start3A_1815 : memref<1x32x512xf32, #tpu.memory_space<hbm>> -> memref<32x512xf32, #tpu.memory_space<hbm>>
        tpu.enqueue_dma source(%arg11 : memref<32x512xf32, #tpu.memory_space<vmem>>) target(%dma_start3A_1816 : memref<32x512xf32, #tpu.memory_space<hbm>>) target_semaphore(%arg25 : memref<!tpu.dma_semaphore, #tpu.memory_space<semaphore_mem>>)
        %add3A_1817 = arith.constant 3 : i32
        %add3A_1818 = arith.addi %while3A_1758, %add3A_1817 : i32
        %lt3A = arith.cmpi slt, %add3A_1818, %add3A_1685 : i32
        %convert_element_type3A_1819 = arith.extui %lt3A : i1 to i32
        %cond3A_1820 = arith.constant 0 : i32
        %cond3A_1821 = arith.cmpi ne, %convert_element_type3A_1819, %cond3A_1820 : i32
        scf.if %cond3A_1821 {
          %add3A_1822 = arith.constant 3 : i32
          %add3A_1823 = arith.addi %while3A_1758, %add3A_1822 : i32
          %ge3A = arith.constant 6 : i32
          %ge3A_1824 = arith.cmpi sge, %add3A_1823, %ge3A : i32
          %convert_element_type3A_1825 = arith.extui %ge3A_1824 : i1 to i32
          %cond3A_1826 = arith.constant 0 : i32
          %cond3A_1827 = arith.cmpi ne, %convert_element_type3A_1825, %cond3A_1826 : i32
          scf.if %cond3A_1827 {
            %dma_wait3A_1841 = arith.constant 0 : i32
            %dma_wait3A_1842 = arith.constant 0 : i32
            %dma_wait3A_1843 = tpu.memref_slice %arg5[%mul3A_2, %dma_wait3A_1841, %dma_wait3A_1842] : memref<3456x32x512xf32, #tpu.memory_space<hbm>> -> memref<1x32x512xf32, #tpu.memory_space<hbm>>
            %dma_wait3A_1844 = tpu.memref_squeeze %dma_wait3A_1843 : memref<1x32x512xf32, #tpu.memory_space<hbm>> -> memref<32x512xf32, #tpu.memory_space<hbm>>
            %dma_wait3A_1845 = arith.constant 0 : i32
            %dma_wait3A_1846 = arith.constant 0 : i32
            %dma_wait3A_1847 = tpu.memref_slice %arg5[%mul3A_2, %dma_wait3A_1845, %dma_wait3A_1846] : memref<3456x32x512xf32, #tpu.memory_space<hbm>> -> memref<1x32x512xf32, #tpu.memory_space<hbm>>
            %dma_wait3A_1848 = tpu.memref_squeeze %dma_wait3A_1847 : memref<1x32x512xf32, #tpu.memory_space<hbm>> -> memref<32x512xf32, #tpu.memory_space<hbm>>
            tpu.wait_dma2 semaphore(%arg22 : memref<!tpu.dma_semaphore, #tpu.memory_space<semaphore_mem>>) src(%arg8 : memref<32x512xf32, #tpu.memory_space<vmem>>) dst(%dma_wait3A_1848 : memref<32x512xf32, #tpu.memory_space<hbm>>)
          } else {
          }
          %add3A_1828 = arith.constant 3 : i32
          %add3A_1829 = arith.addi %while3A_1758, %add3A_1828 : i32
          %get3A_1830 = arith.index_cast %add3A_1829 : i32 to index
          %get3A_1831 = memref.load %arg14[%get3A_1830] : memref<109xi32, #tpu.memory_space<smem>>
          %add3A_1832 = arith.addi %mul3A_2, %get3A_1831 : i32
          %dma_start3A_1833 = arith.constant 0 : i32
          %dma_start3A_1834 = arith.constant 0 : i32
          %dma_start3A_1835 = tpu.memref_slice %arg2[%add3A_1832, %dma_start3A_1833, %dma_start3A_1834] : memref<3456x32x512xf32, #tpu.memory_space<hbm>> -> memref<1x32x512xf32, #tpu.memory_space<hbm>>
          %dma_start3A_1836 = tpu.memref_squeeze %dma_start3A_1835 : memref<1x32x512xf32, #tpu.memory_space<hbm>> -> memref<32x512xf32, #tpu.memory_space<hbm>>
          %dma_start3A_1837 = arith.constant 0 : i32
          %dma_start3A_1838 = arith.constant 0 : i32
          %dma_start3A_1839 = tpu.memref_slice %arg2[%add3A_1832, %dma_start3A_1837, %dma_start3A_1838] : memref<3456x32x512xf32, #tpu.memory_space<hbm>> -> memref<1x32x512xf32, #tpu.memory_space<hbm>>
          %dma_start3A_1840 = tpu.memref_squeeze %dma_start3A_1839 : memref<1x32x512xf32, #tpu.memory_space<hbm>> -> memref<32x512xf32, #tpu.memory_space<hbm>>
          tpu.enqueue_dma source(%dma_start3A_1840 : memref<32x512xf32, #tpu.memory_space<hbm>>) target(%arg8 : memref<32x512xf32, #tpu.memory_space<vmem>>) target_semaphore(%arg16 : memref<!tpu.dma_semaphore, #tpu.memory_space<semaphore_mem>>)
        } else {
        }
      } else {
      }
      %rem3A_1786 = arith.constant 6 : i32
      %rem3A_1787 = arith.remsi %while3A_1758, %rem3A_1786 : i32
      %eq3A_1788 = arith.constant 4 : i32
      %eq3A_1789 = arith.cmpi eq, %rem3A_1787, %eq3A_1788 : i32
      %convert_element_type3A_1790 = arith.extui %eq3A_1789 : i1 to i32
      %cond3A_1791 = arith.constant 0 : i32
      %cond3A_1792 = arith.cmpi ne, %convert_element_type3A_1790, %cond3A_1791 : i32
      scf.if %cond3A_1792 {
        %dma_wait3A = arith.constant 0 : i32
        %dma_wait3A_1800 = arith.constant 0 : i32
        %dma_wait3A_1801 = tpu.memref_slice %arg2[%mul3A_2, %dma_wait3A, %dma_wait3A_1800] : memref<3456x32x512xf32, #tpu.memory_space<hbm>> -> memref<1x32x512xf32, #tpu.memory_space<hbm>>
        %dma_wait3A_1802 = tpu.memref_squeeze %dma_wait3A_1801 : memref<1x32x512xf32, #tpu.memory_space<hbm>> -> memref<32x512xf32, #tpu.memory_space<hbm>>
        %dma_wait3A_1803 = arith.constant 0 : i32
        %dma_wait3A_1804 = arith.constant 0 : i32
        %dma_wait3A_1805 = tpu.memref_slice %arg2[%mul3A_2, %dma_wait3A_1803, %dma_wait3A_1804] : memref<3456x32x512xf32, #tpu.memory_space<hbm>> -> memref<1x32x512xf32, #tpu.memory_space<hbm>>
        %dma_wait3A_1806 = tpu.memref_squeeze %dma_wait3A_1805 : memref<1x32x512xf32, #tpu.memory_space<hbm>> -> memref<32x512xf32, #tpu.memory_space<hbm>>
        tpu.wait_dma2 semaphore(%arg20 : memref<!tpu.dma_semaphore, #tpu.memory_space<semaphore_mem>>) src(%dma_wait3A_1806 : memref<32x512xf32, #tpu.memory_space<hbm>>) dst(%arg12 : memref<32x512xf32, #tpu.memory_space<vmem>>)
        %get3A_1807 = arith.index_cast %while3A_1758 : i32 to index
        %get3A_1808 = memref.load %arg14[%get3A_1807] : memref<109xi32, #tpu.memory_space<smem>>
        %add3A_1809 = arith.addi %mul3A_2, %get3A_1808 : i32
        %dma_start3A = arith.constant 0 : i32
        %dma_start3A_1810 = arith.constant 0 : i32
        %dma_start3A_1811 = tpu.memref_slice %arg5[%add3A_1809, %dma_start3A, %dma_start3A_1810] : memref<3456x32x512xf32, #tpu.memory_space<hbm>> -> memref<1x32x512xf32, #tpu.memory_space<hbm>>
        %dma_start3A_1812 = tpu.memref_squeeze %dma_start3A_1811 : memref<1x32x512xf32, #tpu.memory_space<hbm>> -> memref<32x512xf32, #tpu.memory_space<hbm>>
        %dma_start3A_1813 = arith.constant 0 : i32
        %dma_start3A_1814 = arith.constant 0 : i32
        %dma_start3A_1815 = tpu.memref_slice %arg5[%add3A_1809, %dma_start3A_1813, %dma_start3A_1814] : memref<3456x32x512xf32, #tpu.memory_space<hbm>> -> memref<1x32x512xf32, #tpu.memory_space<hbm>>
        %dma_start3A_1816 = tpu.memref_squeeze %dma_start3A_1815 : memref<1x32x512xf32, #tpu.memory_space<hbm>> -> memref<32x512xf32, #tpu.memory_space<hbm>>
        tpu.enqueue_dma source(%arg12 : memref<32x512xf32, #tpu.memory_space<vmem>>) target(%dma_start3A_1816 : memref<32x512xf32, #tpu.memory_space<hbm>>) target_semaphore(%arg26 : memref<!tpu.dma_semaphore, #tpu.memory_space<semaphore_mem>>)
        %add3A_1817 = arith.constant 3 : i32
        %add3A_1818 = arith.addi %while3A_1758, %add3A_1817 : i32
        %lt3A = arith.cmpi slt, %add3A_1818, %add3A_1685 : i32
        %convert_element_type3A_1819 = arith.extui %lt3A : i1 to i32
        %cond3A_1820 = arith.constant 0 : i32
        %cond3A_1821 = arith.cmpi ne, %convert_element_type3A_1819, %cond3A_1820 : i32
        scf.if %cond3A_1821 {
          %add3A_1822 = arith.constant 3 : i32
          %add3A_1823 = arith.addi %while3A_1758, %add3A_1822 : i32
          %ge3A = arith.constant 6 : i32
          %ge3A_1824 = arith.cmpi sge, %add3A_1823, %ge3A : i32
          %convert_element_type3A_1825 = arith.extui %ge3A_1824 : i1 to i32
          %cond3A_1826 = arith.constant 0 : i32
          %cond3A_1827 = arith.cmpi ne, %convert_element_type3A_1825, %cond3A_1826 : i32
          scf.if %cond3A_1827 {
            %dma_wait3A_1841 = arith.constant 0 : i32
            %dma_wait3A_1842 = arith.constant 0 : i32
            %dma_wait3A_1843 = tpu.memref_slice %arg5[%mul3A_2, %dma_wait3A_1841, %dma_wait3A_1842] : memref<3456x32x512xf32, #tpu.memory_space<hbm>> -> memref<1x32x512xf32, #tpu.memory_space<hbm>>
            %dma_wait3A_1844 = tpu.memref_squeeze %dma_wait3A_1843 : memref<1x32x512xf32, #tpu.memory_space<hbm>> -> memref<32x512xf32, #tpu.memory_space<hbm>>
            %dma_wait3A_1845 = arith.constant 0 : i32
            %dma_wait3A_1846 = arith.constant 0 : i32
            %dma_wait3A_1847 = tpu.memref_slice %arg5[%mul3A_2, %dma_wait3A_1845, %dma_wait3A_1846] : memref<3456x32x512xf32, #tpu.memory_space<hbm>> -> memref<1x32x512xf32, #tpu.memory_space<hbm>>
            %dma_wait3A_1848 = tpu.memref_squeeze %dma_wait3A_1847 : memref<1x32x512xf32, #tpu.memory_space<hbm>> -> memref<32x512xf32, #tpu.memory_space<hbm>>
            tpu.wait_dma2 semaphore(%arg23 : memref<!tpu.dma_semaphore, #tpu.memory_space<semaphore_mem>>) src(%arg9 : memref<32x512xf32, #tpu.memory_space<vmem>>) dst(%dma_wait3A_1848 : memref<32x512xf32, #tpu.memory_space<hbm>>)
          } else {
          }
          %add3A_1828 = arith.constant 3 : i32
          %add3A_1829 = arith.addi %while3A_1758, %add3A_1828 : i32
          %get3A_1830 = arith.index_cast %add3A_1829 : i32 to index
          %get3A_1831 = memref.load %arg14[%get3A_1830] : memref<109xi32, #tpu.memory_space<smem>>
          %add3A_1832 = arith.addi %mul3A_2, %get3A_1831 : i32
          %dma_start3A_1833 = arith.constant 0 : i32
          %dma_start3A_1834 = arith.constant 0 : i32
          %dma_start3A_1835 = tpu.memref_slice %arg2[%add3A_1832, %dma_start3A_1833, %dma_start3A_1834] : memref<3456x32x512xf32, #tpu.memory_space<hbm>> -> memref<1x32x512xf32, #tpu.memory_space<hbm>>
          %dma_start3A_1836 = tpu.memref_squeeze %dma_start3A_1835 : memref<1x32x512xf32, #tpu.memory_space<hbm>> -> memref<32x512xf32, #tpu.memory_space<hbm>>
          %dma_start3A_1837 = arith.constant 0 : i32
          %dma_start3A_1838 = arith.constant 0 : i32
          %dma_start3A_1839 = tpu.memref_slice %arg2[%add3A_1832, %dma_start3A_1837, %dma_start3A_1838] : memref<3456x32x512xf32, #tpu.memory_space<hbm>> -> memref<1x32x512xf32, #tpu.memory_space<hbm>>
          %dma_start3A_1840 = tpu.memref_squeeze %dma_start3A_1839 : memref<1x32x512xf32, #tpu.memory_space<hbm>> -> memref<32x512xf32, #tpu.memory_space<hbm>>
          tpu.enqueue_dma source(%dma_start3A_1840 : memref<32x512xf32, #tpu.memory_space<hbm>>) target(%arg9 : memref<32x512xf32, #tpu.memory_space<vmem>>) target_semaphore(%arg17 : memref<!tpu.dma_semaphore, #tpu.memory_space<semaphore_mem>>)
        } else {
        }
      } else {
      }
      %rem3A_1793 = arith.constant 6 : i32
      %rem3A_1794 = arith.remsi %while3A_1758, %rem3A_1793 : i32
      %eq3A_1795 = arith.constant 5 : i32
      %eq3A_1796 = arith.cmpi eq, %rem3A_1794, %eq3A_1795 : i32
      %convert_element_type3A_1797 = arith.extui %eq3A_1796 : i1 to i32
      %cond3A_1798 = arith.constant 0 : i32
      %cond3A_1799 = arith.cmpi ne, %convert_element_type3A_1797, %cond3A_1798 : i32
      scf.if %cond3A_1799 {
        %dma_wait3A = arith.constant 0 : i32
        %dma_wait3A_1800 = arith.constant 0 : i32
        %dma_wait3A_1801 = tpu.memref_slice %arg2[%mul3A_2, %dma_wait3A, %dma_wait3A_1800] : memref<3456x32x512xf32, #tpu.memory_space<hbm>> -> memref<1x32x512xf32, #tpu.memory_space<hbm>>
        %dma_wait3A_1802 = tpu.memref_squeeze %dma_wait3A_1801 : memref<1x32x512xf32, #tpu.memory_space<hbm>> -> memref<32x512xf32, #tpu.memory_space<hbm>>
        %dma_wait3A_1803 = arith.constant 0 : i32
        %dma_wait3A_1804 = arith.constant 0 : i32
        %dma_wait3A_1805 = tpu.memref_slice %arg2[%mul3A_2, %dma_wait3A_1803, %dma_wait3A_1804] : memref<3456x32x512xf32, #tpu.memory_space<hbm>> -> memref<1x32x512xf32, #tpu.memory_space<hbm>>
        %dma_wait3A_1806 = tpu.memref_squeeze %dma_wait3A_1805 : memref<1x32x512xf32, #tpu.memory_space<hbm>> -> memref<32x512xf32, #tpu.memory_space<hbm>>
        tpu.wait_dma2 semaphore(%arg21 : memref<!tpu.dma_semaphore, #tpu.memory_space<semaphore_mem>>) src(%dma_wait3A_1806 : memref<32x512xf32, #tpu.memory_space<hbm>>) dst(%arg13 : memref<32x512xf32, #tpu.memory_space<vmem>>)
        %get3A_1807 = arith.index_cast %while3A_1758 : i32 to index
        %get3A_1808 = memref.load %arg14[%get3A_1807] : memref<109xi32, #tpu.memory_space<smem>>
        %add3A_1809 = arith.addi %mul3A_2, %get3A_1808 : i32
        %dma_start3A = arith.constant 0 : i32
        %dma_start3A_1810 = arith.constant 0 : i32
        %dma_start3A_1811 = tpu.memref_slice %arg5[%add3A_1809, %dma_start3A, %dma_start3A_1810] : memref<3456x32x512xf32, #tpu.memory_space<hbm>> -> memref<1x32x512xf32, #tpu.memory_space<hbm>>
        %dma_start3A_1812 = tpu.memref_squeeze %dma_start3A_1811 : memref<1x32x512xf32, #tpu.memory_space<hbm>> -> memref<32x512xf32, #tpu.memory_space<hbm>>
        %dma_start3A_1813 = arith.constant 0 : i32
        %dma_start3A_1814 = arith.constant 0 : i32
        %dma_start3A_1815 = tpu.memref_slice %arg5[%add3A_1809, %dma_start3A_1813, %dma_start3A_1814] : memref<3456x32x512xf32, #tpu.memory_space<hbm>> -> memref<1x32x512xf32, #tpu.memory_space<hbm>>
        %dma_start3A_1816 = tpu.memref_squeeze %dma_start3A_1815 : memref<1x32x512xf32, #tpu.memory_space<hbm>> -> memref<32x512xf32, #tpu.memory_space<hbm>>
        tpu.enqueue_dma source(%arg13 : memref<32x512xf32, #tpu.memory_space<vmem>>) target(%dma_start3A_1816 : memref<32x512xf32, #tpu.memory_space<hbm>>) target_semaphore(%arg27 : memref<!tpu.dma_semaphore, #tpu.memory_space<semaphore_mem>>)
        %add3A_1817 = arith.constant 3 : i32
        %add3A_1818 = arith.addi %while3A_1758, %add3A_1817 : i32
        %lt3A = arith.cmpi slt, %add3A_1818, %add3A_1685 : i32
        %convert_element_type3A_1819 = arith.extui %lt3A : i1 to i32
        %cond3A_1820 = arith.constant 0 : i32
        %cond3A_1821 = arith.cmpi ne, %convert_element_type3A_1819, %cond3A_1820 : i32
        scf.if %cond3A_1821 {
          %add3A_1822 = arith.constant 3 : i32
          %add3A_1823 = arith.addi %while3A_1758, %add3A_1822 : i32
          %ge3A = arith.constant 6 : i32
          %ge3A_1824 = arith.cmpi sge, %add3A_1823, %ge3A : i32
          %convert_element_type3A_1825 = arith.extui %ge3A_1824 : i1 to i32
          %cond3A_1826 = arith.constant 0 : i32
          %cond3A_1827 = arith.cmpi ne, %convert_element_type3A_1825, %cond3A_1826 : i32
          scf.if %cond3A_1827 {
            %dma_wait3A_1841 = arith.constant 0 : i32
            %dma_wait3A_1842 = arith.constant 0 : i32
            %dma_wait3A_1843 = tpu.memref_slice %arg5[%mul3A_2, %dma_wait3A_1841, %dma_wait3A_1842] : memref<3456x32x512xf32, #tpu.memory_space<hbm>> -> memref<1x32x512xf32, #tpu.memory_space<hbm>>
            %dma_wait3A_1844 = tpu.memref_squeeze %dma_wait3A_1843 : memref<1x32x512xf32, #tpu.memory_space<hbm>> -> memref<32x512xf32, #tpu.memory_space<hbm>>
            %dma_wait3A_1845 = arith.constant 0 : i32
            %dma_wait3A_1846 = arith.constant 0 : i32
            %dma_wait3A_1847 = tpu.memref_slice %arg5[%mul3A_2, %dma_wait3A_1845, %dma_wait3A_1846] : memref<3456x32x512xf32, #tpu.memory_space<hbm>> -> memref<1x32x512xf32, #tpu.memory_space<hbm>>
            %dma_wait3A_1848 = tpu.memref_squeeze %dma_wait3A_1847 : memref<1x32x512xf32, #tpu.memory_space<hbm>> -> memref<32x512xf32, #tpu.memory_space<hbm>>
            tpu.wait_dma2 semaphore(%arg24 : memref<!tpu.dma_semaphore, #tpu.memory_space<semaphore_mem>>) src(%arg10 : memref<32x512xf32, #tpu.memory_space<vmem>>) dst(%dma_wait3A_1848 : memref<32x512xf32, #tpu.memory_space<hbm>>)
          } else {
          }
          %add3A_1828 = arith.constant 3 : i32
          %add3A_1829 = arith.addi %while3A_1758, %add3A_1828 : i32
          %get3A_1830 = arith.index_cast %add3A_1829 : i32 to index
          %get3A_1831 = memref.load %arg14[%get3A_1830] : memref<109xi32, #tpu.memory_space<smem>>
          %add3A_1832 = arith.addi %mul3A_2, %get3A_1831 : i32
          %dma_start3A_1833 = arith.constant 0 : i32
          %dma_start3A_1834 = arith.constant 0 : i32
          %dma_start3A_1835 = tpu.memref_slice %arg2[%add3A_1832, %dma_start3A_1833, %dma_start3A_1834] : memref<3456x32x512xf32, #tpu.memory_space<hbm>> -> memref<1x32x512xf32, #tpu.memory_space<hbm>>
          %dma_start3A_1836 = tpu.memref_squeeze %dma_start3A_1835 : memref<1x32x512xf32, #tpu.memory_space<hbm>> -> memref<32x512xf32, #tpu.memory_space<hbm>>
          %dma_start3A_1837 = arith.constant 0 : i32
          %dma_start3A_1838 = arith.constant 0 : i32
          %dma_start3A_1839 = tpu.memref_slice %arg2[%add3A_1832, %dma_start3A_1837, %dma_start3A_1838] : memref<3456x32x512xf32, #tpu.memory_space<hbm>> -> memref<1x32x512xf32, #tpu.memory_space<hbm>>
          %dma_start3A_1840 = tpu.memref_squeeze %dma_start3A_1839 : memref<1x32x512xf32, #tpu.memory_space<hbm>> -> memref<32x512xf32, #tpu.memory_space<hbm>>
          tpu.enqueue_dma source(%dma_start3A_1840 : memref<32x512xf32, #tpu.memory_space<hbm>>) target(%arg10 : memref<32x512xf32, #tpu.memory_space<vmem>>) target_semaphore(%arg18 : memref<!tpu.dma_semaphore, #tpu.memory_space<semaphore_mem>>)
        } else {
        }
      } else {
      }
    }
    %gt3A_1718 = arith.constant 0 : i32
    %gt3A_1719 = arith.cmpi sgt, %add3A_1685, %gt3A_1718 : i32
    %convert_element_type3A_1720 = arith.extui %gt3A_1719 : i1 to i32
    %cond3A_1721 = arith.constant 0 : i32
    %cond3A_1722 = arith.cmpi ne, %convert_element_type3A_1720, %cond3A_1721 : i32
    scf.if %cond3A_1722 {
      %dma_wait3A = arith.constant 0 : i32
      %dma_wait3A_1758 = arith.constant 0 : i32
      %dma_wait3A_1759 = tpu.memref_slice %arg5[%mul3A_2, %dma_wait3A, %dma_wait3A_1758] : memref<3456x32x512xf32, #tpu.memory_space<hbm>> -> memref<1x32x512xf32, #tpu.memory_space<hbm>>
      %dma_wait3A_1760 = tpu.memref_squeeze %dma_wait3A_1759 : memref<1x32x512xf32, #tpu.memory_space<hbm>> -> memref<32x512xf32, #tpu.memory_space<hbm>>
      %dma_wait3A_1761 = arith.constant 0 : i32
      %dma_wait3A_1762 = arith.constant 0 : i32
      %dma_wait3A_1763 = tpu.memref_slice %arg5[%mul3A_2, %dma_wait3A_1761, %dma_wait3A_1762] : memref<3456x32x512xf32, #tpu.memory_space<hbm>> -> memref<1x32x512xf32, #tpu.memory_space<hbm>>
      %dma_wait3A_1764 = tpu.memref_squeeze %dma_wait3A_1763 : memref<1x32x512xf32, #tpu.memory_space<hbm>> -> memref<32x512xf32, #tpu.memory_space<hbm>>
      tpu.wait_dma2 semaphore(%arg22 : memref<!tpu.dma_semaphore, #tpu.memory_space<semaphore_mem>>) src(%arg8 : memref<32x512xf32, #tpu.memory_space<vmem>>) dst(%dma_wait3A_1764 : memref<32x512xf32, #tpu.memory_space<hbm>>)
    } else {
    }
    %gt3A_1723 = arith.constant 1 : i32
    %gt3A_1724 = arith.cmpi sgt, %add3A_1685, %gt3A_1723 : i32
    %convert_element_type3A_1725 = arith.extui %gt3A_1724 : i1 to i32
    %cond3A_1726 = arith.constant 0 : i32
    %cond3A_1727 = arith.cmpi ne, %convert_element_type3A_1725, %cond3A_1726 : i32
    scf.if %cond3A_1727 {
      %dma_wait3A = arith.constant 0 : i32
      %dma_wait3A_1758 = arith.constant 0 : i32
      %dma_wait3A_1759 = tpu.memref_slice %arg5[%mul3A_2, %dma_wait3A, %dma_wait3A_1758] : memref<3456x32x512xf32, #tpu.memory_space<hbm>> -> memref<1x32x512xf32, #tpu.memory_space<hbm>>
      %dma_wait3A_1760 = tpu.memref_squeeze %dma_wait3A_1759 : memref<1x32x512xf32, #tpu.memory_space<hbm>> -> memref<32x512xf32, #tpu.memory_space<hbm>>
      %dma_wait3A_1761 = arith.constant 0 : i32
      %dma_wait3A_1762 = arith.constant 0 : i32
      %dma_wait3A_1763 = tpu.memref_slice %arg5[%mul3A_2, %dma_wait3A_1761, %dma_wait3A_1762] : memref<3456x32x512xf32, #tpu.memory_space<hbm>> -> memref<1x32x512xf32, #tpu.memory_space<hbm>>
      %dma_wait3A_1764 = tpu.memref_squeeze %dma_wait3A_1763 : memref<1x32x512xf32, #tpu.memory_space<hbm>> -> memref<32x512xf32, #tpu.memory_space<hbm>>
      tpu.wait_dma2 semaphore(%arg23 : memref<!tpu.dma_semaphore, #tpu.memory_space<semaphore_mem>>) src(%arg9 : memref<32x512xf32, #tpu.memory_space<vmem>>) dst(%dma_wait3A_1764 : memref<32x512xf32, #tpu.memory_space<hbm>>)
    } else {
    }
    %gt3A_1728 = arith.constant 2 : i32
    %gt3A_1729 = arith.cmpi sgt, %add3A_1685, %gt3A_1728 : i32
    %convert_element_type3A_1730 = arith.extui %gt3A_1729 : i1 to i32
    %cond3A_1731 = arith.constant 0 : i32
    %cond3A_1732 = arith.cmpi ne, %convert_element_type3A_1730, %cond3A_1731 : i32
    scf.if %cond3A_1732 {
      %dma_wait3A = arith.constant 0 : i32
      %dma_wait3A_1758 = arith.constant 0 : i32
      %dma_wait3A_1759 = tpu.memref_slice %arg5[%mul3A_2, %dma_wait3A, %dma_wait3A_1758] : memref<3456x32x512xf32, #tpu.memory_space<hbm>> -> memref<1x32x512xf32, #tpu.memory_space<hbm>>
      %dma_wait3A_1760 = tpu.memref_squeeze %dma_wait3A_1759 : memref<1x32x512xf32, #tpu.memory_space<hbm>> -> memref<32x512xf32, #tpu.memory_space<hbm>>
      %dma_wait3A_1761 = arith.constant 0 : i32
      %dma_wait3A_1762 = arith.constant 0 : i32
      %dma_wait3A_1763 = tpu.memref_slice %arg5[%mul3A_2, %dma_wait3A_1761, %dma_wait3A_1762] : memref<3456x32x512xf32, #tpu.memory_space<hbm>> -> memref<1x32x512xf32, #tpu.memory_space<hbm>>
      %dma_wait3A_1764 = tpu.memref_squeeze %dma_wait3A_1763 : memref<1x32x512xf32, #tpu.memory_space<hbm>> -> memref<32x512xf32, #tpu.memory_space<hbm>>
      tpu.wait_dma2 semaphore(%arg24 : memref<!tpu.dma_semaphore, #tpu.memory_space<semaphore_mem>>) src(%arg10 : memref<32x512xf32, #tpu.memory_space<vmem>>) dst(%dma_wait3A_1764 : memref<32x512xf32, #tpu.memory_space<hbm>>)
    } else {
    }
    %gt3A_1733 = arith.constant 3 : i32
    %gt3A_1734 = arith.cmpi sgt, %add3A_1685, %gt3A_1733 : i32
    %convert_element_type3A_1735 = arith.extui %gt3A_1734 : i1 to i32
    %cond3A_1736 = arith.constant 0 : i32
    %cond3A_1737 = arith.cmpi ne, %convert_element_type3A_1735, %cond3A_1736 : i32
    scf.if %cond3A_1737 {
      %dma_wait3A = arith.constant 0 : i32
      %dma_wait3A_1758 = arith.constant 0 : i32
      %dma_wait3A_1759 = tpu.memref_slice %arg5[%mul3A_2, %dma_wait3A, %dma_wait3A_1758] : memref<3456x32x512xf32, #tpu.memory_space<hbm>> -> memref<1x32x512xf32, #tpu.memory_space<hbm>>
      %dma_wait3A_1760 = tpu.memref_squeeze %dma_wait3A_1759 : memref<1x32x512xf32, #tpu.memory_space<hbm>> -> memref<32x512xf32, #tpu.memory_space<hbm>>
      %dma_wait3A_1761 = arith.constant 0 : i32
      %dma_wait3A_1762 = arith.constant 0 : i32
      %dma_wait3A_1763 = tpu.memref_slice %arg5[%mul3A_2, %dma_wait3A_1761, %dma_wait3A_1762] : memref<3456x32x512xf32, #tpu.memory_space<hbm>> -> memref<1x32x512xf32, #tpu.memory_space<hbm>>
      %dma_wait3A_1764 = tpu.memref_squeeze %dma_wait3A_1763 : memref<1x32x512xf32, #tpu.memory_space<hbm>> -> memref<32x512xf32, #tpu.memory_space<hbm>>
      tpu.wait_dma2 semaphore(%arg25 : memref<!tpu.dma_semaphore, #tpu.memory_space<semaphore_mem>>) src(%arg11 : memref<32x512xf32, #tpu.memory_space<vmem>>) dst(%dma_wait3A_1764 : memref<32x512xf32, #tpu.memory_space<hbm>>)
    } else {
    }
    %gt3A_1738 = arith.constant 4 : i32
    %gt3A_1739 = arith.cmpi sgt, %add3A_1685, %gt3A_1738 : i32
    %convert_element_type3A_1740 = arith.extui %gt3A_1739 : i1 to i32
    %cond3A_1741 = arith.constant 0 : i32
    %cond3A_1742 = arith.cmpi ne, %convert_element_type3A_1740, %cond3A_1741 : i32
    scf.if %cond3A_1742 {
      %dma_wait3A = arith.constant 0 : i32
      %dma_wait3A_1758 = arith.constant 0 : i32
      %dma_wait3A_1759 = tpu.memref_slice %arg5[%mul3A_2, %dma_wait3A, %dma_wait3A_1758] : memref<3456x32x512xf32, #tpu.memory_space<hbm>> -> memref<1x32x512xf32, #tpu.memory_space<hbm>>
      %dma_wait3A_1760 = tpu.memref_squeeze %dma_wait3A_1759 : memref<1x32x512xf32, #tpu.memory_space<hbm>> -> memref<32x512xf32, #tpu.memory_space<hbm>>
      %dma_wait3A_1761 = arith.constant 0 : i32
      %dma_wait3A_1762 = arith.constant 0 : i32
      %dma_wait3A_1763 = tpu.memref_slice %arg5[%mul3A_2, %dma_wait3A_1761, %dma_wait3A_1762] : memref<3456x32x512xf32, #tpu.memory_space<hbm>> -> memref<1x32x512xf32, #tpu.memory_space<hbm>>
      %dma_wait3A_1764 = tpu.memref_squeeze %dma_wait3A_1763 : memref<1x32x512xf32, #tpu.memory_space<hbm>> -> memref<32x512xf32, #tpu.memory_space<hbm>>
      tpu.wait_dma2 semaphore(%arg26 : memref<!tpu.dma_semaphore, #tpu.memory_space<semaphore_mem>>) src(%arg12 : memref<32x512xf32, #tpu.memory_space<vmem>>) dst(%dma_wait3A_1764 : memref<32x512xf32, #tpu.memory_space<hbm>>)
    } else {
    }
    %gt3A_1743 = arith.constant 5 : i32
    %gt3A_1744 = arith.cmpi sgt, %add3A_1685, %gt3A_1743 : i32
    %convert_element_type3A_1745 = arith.extui %gt3A_1744 : i1 to i32
    %cond3A_1746 = arith.constant 0 : i32
    %cond3A_1747 = arith.cmpi ne, %convert_element_type3A_1745, %cond3A_1746 : i32
    scf.if %cond3A_1747 {
      %dma_wait3A = arith.constant 0 : i32
      %dma_wait3A_1758 = arith.constant 0 : i32
      %dma_wait3A_1759 = tpu.memref_slice %arg5[%mul3A_2, %dma_wait3A, %dma_wait3A_1758] : memref<3456x32x512xf32, #tpu.memory_space<hbm>> -> memref<1x32x512xf32, #tpu.memory_space<hbm>>
      %dma_wait3A_1760 = tpu.memref_squeeze %dma_wait3A_1759 : memref<1x32x512xf32, #tpu.memory_space<hbm>> -> memref<32x512xf32, #tpu.memory_space<hbm>>
      %dma_wait3A_1761 = arith.constant 0 : i32
      %dma_wait3A_1762 = arith.constant 0 : i32
      %dma_wait3A_1763 = tpu.memref_slice %arg5[%mul3A_2, %dma_wait3A_1761, %dma_wait3A_1762] : memref<3456x32x512xf32, #tpu.memory_space<hbm>> -> memref<1x32x512xf32, #tpu.memory_space<hbm>>
      %dma_wait3A_1764 = tpu.memref_squeeze %dma_wait3A_1763 : memref<1x32x512xf32, #tpu.memory_space<hbm>> -> memref<32x512xf32, #tpu.memory_space<hbm>>
      tpu.wait_dma2 semaphore(%arg27 : memref<!tpu.dma_semaphore, #tpu.memory_space<semaphore_mem>>) src(%arg13 : memref<32x512xf32, #tpu.memory_space<vmem>>) dst(%dma_wait3A_1764 : memref<32x512xf32, #tpu.memory_space<hbm>>)
    } else {
    }
    %while3A_1748 = arith.constant 0 : i32
    %while3A_1749 = arith.constant 0 : i32
    %while3A_1750 = arith.subi %add3A_1670, %while3A_1749 : i32
    %while3A_1751 = arith.addi %while3A_1749, %while3A_1750 : i32
    %while3A_1752 = arith.constant 1 : i32
    %while3A_1753 = arith.divsi %while3A_1750, %while3A_1752 : i32
    %while3A_1754 = arith.muli %while3A_1753, %while3A_1752 : i32
    %while3A_1755 = arith.addi %while3A_1749, %while3A_1754 : i32
    %while3A_1756 = arith.constant 1 : i32
    scf.for %while3A_1758 = %while3A_1749 to %while3A_1755 step %while3A_1756  : i32 {
      %dma_wait3A = arith.constant 0 : i32
      %dma_wait3A_1759 = arith.constant 0 : i32
      %dma_wait3A_1760 = tpu.memref_slice %arg5[%mul3A_2, %dma_wait3A, %dma_wait3A_1759] : memref<3456x32x512xf32, #tpu.memory_space<hbm>> -> memref<1x32x512xf32, #tpu.memory_space<hbm>>
      %dma_wait3A_1761 = tpu.memref_squeeze %dma_wait3A_1760 : memref<1x32x512xf32, #tpu.memory_space<hbm>> -> memref<32x512xf32, #tpu.memory_space<hbm>>
      %dma_wait3A_1762 = arith.constant 0 : i32
      %dma_wait3A_1763 = arith.constant 0 : i32
      %dma_wait3A_1764 = tpu.memref_slice %arg5[%mul3A_2, %dma_wait3A_1762, %dma_wait3A_1763] : memref<3456x32x512xf32, #tpu.memory_space<hbm>> -> memref<1x32x512xf32, #tpu.memory_space<hbm>>
      %dma_wait3A_1765 = tpu.memref_squeeze %dma_wait3A_1764 : memref<1x32x512xf32, #tpu.memory_space<hbm>> -> memref<32x512xf32, #tpu.memory_space<hbm>>
      tpu.wait_dma2 semaphore(%arg28 : memref<!tpu.dma_semaphore, #tpu.memory_space<semaphore_mem>>) src(%arg7 : memref<32x512xf32, #tpu.memory_space<vmem>>) dst(%dma_wait3A_1765 : memref<32x512xf32, #tpu.memory_space<hbm>>)
    }
    %while3A_1757 = arith.constant 1 : i32
    scf.for %while3A_1758 = %while3A_1755 to %while3A_1751 step %while3A_1757  : i32 {
      %dma_wait3A = arith.constant 0 : i32
      %dma_wait3A_1759 = arith.constant 0 : i32
      %dma_wait3A_1760 = tpu.memref_slice %arg5[%mul3A_2, %dma_wait3A, %dma_wait3A_1759] : memref<3456x32x512xf32, #tpu.memory_space<hbm>> -> memref<1x32x512xf32, #tpu.memory_space<hbm>>
      %dma_wait3A_1761 = tpu.memref_squeeze %dma_wait3A_1760 : memref<1x32x512xf32, #tpu.memory_space<hbm>> -> memref<32x512xf32, #tpu.memory_space<hbm>>
      %dma_wait3A_1762 = arith.constant 0 : i32
      %dma_wait3A_1763 = arith.constant 0 : i32
      %dma_wait3A_1764 = tpu.memref_slice %arg5[%mul3A_2, %dma_wait3A_1762, %dma_wait3A_1763] : memref<3456x32x512xf32, #tpu.memory_space<hbm>> -> memref<1x32x512xf32, #tpu.memory_space<hbm>>
      %dma_wait3A_1765 = tpu.memref_squeeze %dma_wait3A_1764 : memref<1x32x512xf32, #tpu.memory_space<hbm>> -> memref<32x512xf32, #tpu.memory_space<hbm>>
      tpu.wait_dma2 semaphore(%arg28 : memref<!tpu.dma_semaphore, #tpu.memory_space<semaphore_mem>>) src(%arg7 : memref<32x512xf32, #tpu.memory_space<vmem>>) dst(%dma_wait3A_1765 : memref<32x512xf32, #tpu.memory_space<hbm>>)
    }
    return
  }
}

</mosaic_0001>

<sc_bundles>
// kernel: kernel.3.cloned.1.call-start
scs
__scs_entry_jumppad:
0x0: {  	(pc) =	sbr.rel $0x88, $3  }
0x1: {  	(tag) =	ssettag $0x0;
	lr =	simm.s32 $0x1  }
0x2: {  	[smem:$0x3F9F] =	sst lr;
	_ =	strace $0xD0000000  }
0x3: {  	_ = 	snop  }
0x4: {  	_ = 	snop  }
0x5: {  	_ = 	snop  }
0x6: {  	_ = 	snop  }
0x7: {  	_ = 	snop  }
__scs_overlays_trampoline_lowered:
0x8: {  	[smem:$0x3FAE] =	sst s0  }
0x9: {  	[smem:$0x3FAF] =	sst s1  }
0xa: {  	[smem:$0x3FB0] =	sst s2  }
0xb: {  	[smem:$0x3FB1] =	sst s3  }
0xc: {  	[smem:$0x3FB2] =	sst s4  }
0xd: {  	[smem:$0x3FB3] =	sst s5  }
0xe: {  	[smem:$0x3FB4] =	sst s6  }
0xf: {  	[smem:$0x3FB5] =	sst s7  }
0x10: {  	[smem:$0x3FB6] =	sst s8  }
0x11: {  	[smem:$0x3FB7] =	sst s9;
	s0 =	simm.s32 @!p0 $0x0  }
0x12: {  	s1 =	sld [smem:$0x3F9D];
	s0 =	simm.s32 @p0 $0x1  }
0x13: {  	[smem:$0x3FB8] =	sst s0;
	s0 =	simm.s32 @!p1 $0x0  }
0x14: {  	s2 =	sld [smem:$0x3F9C];
	s0 =	simm.s32 @p1 $0x1  }
0x15: {  	[smem:$0x3FB9] =	sst s0;
	s0 =	simm.s32 @!p2 $0x0  }
0x16: {  	s3 =	sld [smem:$0x3FDB];
	s0 =	simm.s32 @p2 $0x1  }
0x17: {  	s4 =	simm.s32 $0x1BF5;
	[smem:$0x3FBB] =	sst s0  }
0x18: {  	s0 =	sld [smem:$0x3F9E];
	_ =	swait.ge [sflag:s4], $0x0  }
0x19: {  	s7 =	sld [smem:$0x3F9F]  }
0x1a: {  	s8 =	sadd.s32 $0xFFFFE003, lr  }
0x1b: {  	s9 =	sadd.s32 $0xFFFFFEF7, lr;
	s5 =	simm.s32 $0xFFFFFFFF;
	p2 =	slt.u32 s8, $0xFFFFF086  }
0x1c: {  	p1 =	slt.u32 s9, $0xF7A;
	s5 =	simm.s32 @!p2 $0x0  }
0x1d: {  	s5 =	simm.s32 @p1 $0x1;
	p0 =	seq.s32 s7, s2  }
0x1e: {  	s7 =	smul.u32 @!p0 $0xF7A, s2;
	p2 =	seq.s32 @!p0 s5, $0x0  }
0x1f: {  	s9 =	smul.u32 $0xF7A, s1;
	s8 =	simm.s32 @!p0 $0x1BF5;
	p2 =	por !p2, p0  }
0x20: {  	[sflag:s8] =	ssyncset.s32 @!p0 $0xFFFFF086;
	s6 =	sadd.s32 @!p0 s3, s7;
	s7 =	simm.s32 @!p0 $0x108  }
0x21: {  	s3 =	sadd.s32 s3, s9;
	s6 =	sadd.s32 @!p0 $0x88, s6;
	s7 =	simm.s32 @p2 $0x1082  }
0x22: {  	[simem:s7], [sflag:s8] =	dma.local @!p0 [hbm:s6], $0xF7A  }
0x23: {  	s9 =	sor.u32 $0xD0000000, s2;
	s6 =	simm.s32 $0x108;
	_ =	swait.ge @!p0 [sflag:s8], $0x0  }
0x24: {  	s3 =	sadd.s32 $0x88, s3;
	s6 =	simm.s32 @!p1 $0x1082;
	[sflag:s4] =	ssyncset.s32 $0xFFFFF086  }
0x25: {  	[simem:s6], [sflag:s4] =	dma.local [hbm:s3], $0xF7A  }
0x26: {  	[smem:$0x3F9F] =	sst s1;
	(tag) =	ssettag s2;
	_ =	strace s9  }
0x27: {  	s1 =	sld [smem:$0x3FAF]  }
0x28: {  	s2 =	sld [smem:$0x3FB0]  }
0x29: {  	s4 =	sld [smem:$0x3FB2]  }
0x2a: {  	p0 =	seq.s32 s5, $0x0;
	s5 =	sld [smem:$0x3FB3]  }
0x2b: {  	s6 =	sld [smem:$0x3FB4]  }
0x2c: {  	s7 =	sld [smem:$0x3FB5]  }
0x2d: {  	s3 =	simm.s32 $0x108;
	s8 =	sld [smem:$0x3FB6]  }
0x2e: {  	s3 =	simm.s32 @!p0 $0x1082;
	s9 =	sld [smem:$0x3FB7]  }
0x2f: {  	lr =	sadd.s32 s0, s3;
	s0 =	sld [smem:$0x3FAE]  }
0x30: {  	s3 =	sld [smem:$0x3FB1]  }
0x31: {  	[smem:$0x3FBA] =	sst s10  }
0x32: {  	s10 =	sld [smem:$0x3FB8];
	_ =	sdelay $0x3  }
0x33: {  	p0 =	seq.s32 s10, $0x1;
	s10 =	sld [smem:$0x3FBA];
	_ =	sdelay $0x3  }
0x34: {  	[smem:$0x3FBA] =	sst s10  }
0x35: {  	s10 =	sld [smem:$0x3FB9];
	_ =	sdelay $0x3  }
0x36: {  	p1 =	seq.s32 s10, $0x1;
	s10 =	sld [smem:$0x3FBA];
	_ =	sdelay $0x3  }
0x37: {  	[smem:$0x3FBA] =	sst s10  }
0x38: {  	s10 =	sld [smem:$0x3FBB]  }
0x39: {  	_ = 	snop;
	(pc) =	sbr.ind lr, $3  }
0x3a: {  	_ = 	snop  }
0x3b: {  	_ = 	snop  }
0x3c: {  	p2 =	seq.s32 s10, $0x1;
	s10 =	sld [smem:$0x3FBA]  }
0x3d: {  	_ =	shalt  }
0x3e: {  	_ =	shalt  }
0x3f: {  	_ =	shalt  }
0x40: {  	_ =	shalt  }
0x41: {  	_ =	shalt  }
0x42: {  	_ =	shalt  }
0x43: {  	_ =	shalt  }
0x44: {  	_ =	shalt  }
0x45: {  	_ =	shalt  }
0x46: {  	_ =	shalt  }
0x47: {  	_ =	shalt  }
0x48: {  	_ =	shalt  }
0x49: {  	_ =	shalt  }
0x4a: {  	_ =	shalt  }
0x4b: {  	_ =	shalt  }
0x4c: {  	_ =	shalt  }
0x4d: {  	_ =	shalt  }
0x4e: {  	_ =	shalt  }
0x4f: {  	_ =	shalt  }
0x50: {  	_ =	shalt  }
0x51: {  	_ =	shalt  }
0x52: {  	_ =	shalt  }
0x53: {  	_ =	shalt  }
0x54: {  	_ =	shalt  }
0x55: {  	_ =	shalt  }
0x56: {  	_ =	shalt  }
0x57: {  	_ =	shalt  }
0x58: {  	_ =	shalt  }
0x59: {  	_ =	shalt  }
0x5a: {  	_ =	shalt  }
0x5b: {  	_ =	shalt  }
0x5c: {  	_ =	shalt  }
0x5d: {  	_ =	shalt  }
0x5e: {  	_ =	shalt  }
0x5f: {  	_ =	shalt  }
0x60: {  	_ =	shalt  }
0x61: {  	_ =	shalt  }
0x62: {  	_ =	shalt  }
0x63: {  	_ =	shalt  }
0x64: {  	_ =	shalt  }
0x65: {  	_ =	shalt  }
0x66: {  	_ =	shalt  }
0x67: {  	_ =	shalt  }
0x68: {  	_ =	shalt  }
0x69: {  	_ =	shalt  }
0x6a: {  	_ =	shalt  }
0x6b: {  	_ =	shalt  }
0x6c: {  	_ =	shalt  }
0x6d: {  	_ =	shalt  }
0x6e: {  	_ =	shalt  }
0x6f: {  	_ =	shalt  }
0x70: {  	_ =	shalt  }
0x71: {  	_ =	shalt  }
0x72: {  	_ =	shalt  }
0x73: {  	_ =	shalt  }
0x74: {  	_ =	shalt  }
0x75: {  	_ =	shalt  }
0x76: {  	_ =	shalt  }
0x77: {  	_ =	shalt  }
0x78: {  	_ =	shalt  }
0x79: {  	_ =	shalt  }
0x7a: {  	_ =	shalt  }
0x7b: {  	_ =	shalt  }
0x7c: {  	_ =	shalt  }
0x7d: {  	_ =	shalt  }
0x7e: {  	_ =	shalt  }
0x7f: {  	_ =	shalt  }
0x80: {  	_ =	shalt  }
0x81: {  	_ =	shalt  }
0x82: {  	_ =	shalt  }
0x83: {  	_ =	shalt  }
0x84: {  	_ =	shalt  }
0x85: {  	_ =	shalt  }
0x86: {  	_ =	shalt  }
0x87: {  	_ =	shalt  }
.Lfunc_end0:
.L_simem_size_0:
called_computation_lowered:
.L_overlay_start_0:
0x88: {  	s2 =	sld [smem:$0x3FD9]  }
0x89: {  	s3 =	sld [smem:$0x3FFE];
	_ =	sdelay $0x1  }
0x8a: {  	s1 =	srdreg.scid  }
0x8b: {  	s0 =	sand.u32 $0x1, s1  }
0x8c: {  	s17 =	sshll.u32 s0, $0xA;
	s2 =	sadd.s32 s3, s2  }
0x8d: {  	s2 =	sadd.s32 s2, s17  }
0x8e: {  	[smem:$0x3FC6] =	sst s2  }
0x8f: {  	_ = 	snop  }
0x90: {  	s2 =	sld [smem:$0x3FC9]  }
0x91: {  	s18 =	sld [smem:$0x3FD0];
	(tm) =	ssettm $0x1  }
0x92: {  	s4 =	sld [smem:$0x3FFB];
	_ =	sdelay $0x3  }
0x93: {  	_ =	strace s4  }
0x94: {  	s4 =	sld [smem:$0x3FFC];
	_ =	sdelay $0x3  }
0x95: {  	_ =	strace s4  }
0x96: {  	s4 =	sld [smem:$0x3FFD];
	_ =	sdelay $0x3  }
0x97: {  	_ =	strace s4  }
0x98: {  	_ =	strace $0x8FFFFFFF  }
0x99: {  	s19 =	sld [smem:$0x3FDB];
	_ =	sdelay $0x1  }
0x9a: {  	s5 =	simm.s32 $_scs_section_size  }
0x9b: {  	s6 =	simm.s32 $_size__tile_overlayer_lowered;
	s7 =	simm.s32 $_tile_overlayer_lowered  }
0x9c: {  	s22 =	simm.s32 $0x1BFF;
	s21 =	sshll.u32 s7, $0x1;
	s4 =	sadd.s32 s5, s19  }
0x9d: {  	s8 =	simm.s32 $0x0;
	s20 =	sshll.u32 s6, $0x1;
	s6 =	sadd.s32 s21, s4  }
0x9e: {  	[timem:s8], [sflag:s22] =	dma.local [hbm:s6], s20  }
0x9f: {  	_ =	swait.ge [sflag:s22], s20  }
0xa0: {  	s5 =	ssub.s32 $0x0, s20;
	[sflag:s22] =	ssyncset.done $0x0  }
0xa1: {  	[sflag:s22] =	ssyncadd.s32 s5;
	_ =	sdelay $0x1  }
0xa2: {  	s23 =	simm.s32 $0x1B8B  }
0xa3: {  	_ =	swait.ge [sflag:s23], $0x1  }
0xa4: {  	[sflag:s23] =	ssyncset.done $0x0  }
0xa5: {  	s25 =	simm.s32 $0x1B8E;
	s24 =	sld [smem:$0x3FFE];
	[sflag:s23] =	ssyncadd.s32 $0xFFFFFFFF  }
0xa6: {  	s26 =	simm.s32 $execute0_lowered;
	[smem:$0x3FD2] =	sst s25  }
0xa7: {  	s6 =	sshll.u32 s26, $0x1;
	_ =	strace $0x80000046;
	[dreg:$0x1] =	wrdreg $0xFFFFFFFF  }
0xa8: {  	s28 =	simm.s32 $_size_execute0_lowered;
	s4 =	sadd.s32 s4, s6;
	[dreg:$0x0] =	wrdreg $0x0  }
0xa9: {  	s6 =	sshll.u32 s28, $0x1;
	[dreg:$0x2] =	wrdreg s4  }
0xaa: {  	[dreg:$0x3] =	wrdreg s6  }
0xab: {  	[dreg:$0x4] =	wrdreg $0xC0  }
0xac: {  	_ =	task [dreg:s8], $0x5FFFF  }
0xad: {  	[dreg:$0x1] =	wrdreg $0xFFFFFFFF  }
0xae: {  	[dreg:$0x0] =	wrdreg $0x60  }
0xaf: {  	[dreg:$0x2] =	wrdreg s2  }
0xb0: {  	[dreg:$0x3] =	wrdreg s24  }
0xb1: {  	[dreg:$0x4] =	wrdreg s18  }
0xb2: {  	[dreg:$0x5] =	wrdreg $0x9  }
0xb3: {  	_ =	task.clear_ibuf [dreg:s8], $0x6FFFF;
	_ =	strace $0x90000046  }
0xb4: {  	s29 =	simm.s32 $0x9;
	_ =	strace $0x80000048  }
0xb5: {  	_ =	swait.ge [sflag:s29], $0x1  }
0xb6: {  	[sflag:s29] =	ssyncadd.s32 $0xFFFFFFFF  }
0xb7: {  	_ =	strace $0x90000048  }
0xb8: {  	_ =	sfence  }
0xb9: {  	s30 =	sld [smem:$0x0];
	_ =	sdelay $0x2  }
0xba: {  	s31 =	sshll.u32 s1, $0xD;
	s1 =	sshrl.u32 s1, $0x2  }
0xbb: {  	s3 =	sand.u32 $0x4000, s31;
	s1 =	sadd.s32 s1, s30  }
0xbc: {  	s0 =	sor.u32 s3, s0;
	s1 =	sshll.u32 s1, $0x11  }
0xbd: {  	s0 =	sor.u32 s1, s0  }
0xbe: {  	s0 =	sadd.s32 $0x8F2B, s0  }
0xbf: {  	[sflag:s0] =	ssyncadd.remote.s32 $0x1  }
0xc0: {  	_ =	sfence.sel $0xFFFF  }
0xc1: {  	[dreg:$0x0] =	wrdreg $0xFFFFFFFF;
	(pc) =	sbr.abs _section_cstart, $3  }
0xc2: {  	[dreg:$0x1] =	wrdreg $0xFFFFFFFF  }
0xc3: {  	_ =	task.clear_ibuf [dreg:s8], $0x2FFFF;
	_ =	strace $0x9FFFFFFF  }
0xc4: {  	(tm) =	ssettm $0x7FFFFFFF  }
0xc5: {  	_ =	shalt  }
tec
execute0_lowered:
.L_overlay_start_1:
0x0: {  	(tag) =	ssettag $0x1  }
0x1: {  	s0 =	rddreg [dreg:$0x1]  }
0x2: {  	s2 =	rddreg [dreg:$0x2]  }
0x3: {  	s4 =	simm.s32 $0x0;
	s1 =	srdreg.scid;
	s5 =	stileid.u32  }
0x4: {  	s13 =	simm.s32 $0x1;
	s18 =	simm.s32 $0x4;
	s22 =	simm.s32 $0xD  }
0x5: {  	s26 =	simm.s32 $0x80;
	[smem:$0x7FF] =	sst s4;
	s1 =	sand.u32 $0x1, s1  }
.Ltmp0:
0x6: {  	s5 =	sshll.u32 s5, $0x1;
	s3 =	ssub.s32 $0x2, s1;
	(pc) =	sbr.rel .LBB2_1-.Ltmp0, $4  }
0x7: {  	s6 =	sadd.s32 $0x400, s0;
	s0 =	sadd.s32 $0x600, s0;
	s30 =	sshrl.u32 s3, $0x1  }
0x8: {  	_ =	strace $0x80000047;
	[dreg:$0x4] =	wrdreg s6;
	s31 =	ssub.s32 s3, s30  }
0x9: {  	s1 =	sor.u32 s1, s5;
	[dreg:$0x5] =	wrdreg s0;
	s0 =	smax.u32 s31, $0x1  }
0xa: {  	s7 =	smul.u32 $0x6C, s1;
	s3 =	simm.s32 $0x0;
	[dreg:$0x6] =	wrdreg s0  }
.LBB2_19:
0xb: {  	[sflag:s22] =	ssyncadd.s32 $0xFFFFC000;
	s3 =	rddreg [dreg:$0x7]  }
.LBB2_20:
0xc: {  	s3 =	sadd.s32 $0x1, s3;
	s0 =	rddreg [dreg:$0x6]  }
0xd: {  	p0 =	sne.s32 s3, s0  }
.Ltmp1:
0xe: {  	_ = 	snop;
	(pc) =	sbr.rel @!p0 .LBB2_21-.Ltmp1, $1  }
0xf: {  	_ =	sdelay $0x3  }
.LBB2_1:
0x10: {  	[dreg:$0x7] =	wrdreg s3  }
0x11: {  	s0 =	rddreg [dreg:$0x4];
	s10 =	simm.s32 $0xE  }
0x12: {  	[tilespmem:s4], [sflag:$0xE] =	stream.linear.gather [hbm4b:s0+s4], $0x80, $0x38;
	[tilespmem:$0x1C080] =	vst v63  }
0x13: {  	_ =	swait.ge [sflag:s10], $0x80  }
0x14: {  	[sflag:s10] =	ssyncset.done $0x0  }
0x15: {  	s12 =	rddreg [dreg:$0x5];
	[sflag:s10] =	ssyncadd.s32 $0xFFFFFF80  }
0x16: {  	[tilespmem:s26], [sflag:$0xE] =	stream.linear.gather [hbm4b:s12+s4], $0x4000, $0x38;
	[tilespmem:$0x1C080] =	vst v63  }
0x17: {  	_ =	swait.ge [sflag:s10], $0x4000  }
0x18: {  	[sflag:s10] =	ssyncset.done $0x0  }
0x19: {  	[sflag:s10] =	ssyncadd.s32 $0xFFFFC000  }
0x1a: {  	v0 =	vld [tilespmem:$0x0];
	_ =	sdelay $0x4  }
0x1b: {  	(v2sf) =	vpush v0, $0x0  }
0x1c: {  	(v2sf) =	vpush v0, $0x1  }
0x1d: {  	(v2sf) =	vpush v0, $0x2  }
0x1e: {  	(v2sf) =	vpush v0, $0x3  }
0x1f: {  	(v2sf) =	vpush v0, $0x4  }
0x20: {  	(v2sf) =	vpush v0, $0x5  }
0x21: {  	(v2sf) =	vpush v0, $0x6  }
0x22: {  	(v2sf) =	vpush v0, $0x7  }
0x23: {  	(v2sf) =	vpush v0, $0x8  }
0x24: {  	(v2sf) =	vpush v0, $0x9  }
0x25: {  	(v2sf) =	vpush v0, $0xA  }
0x26: {  	(v2sf) =	vpush v0, $0xB  }
0x27: {  	(v2sf) =	vpush v0, $0xC;
	_ =	sdelay $0x1  }
0x28: {  	s25 =	simm.s32 $0x1;
	v1 =	vld [tilespmem:$0x10];
	(v2sf) =	vpush v0, $0xD  }
0x29: {  	s5 =	simm.s32 $0x2;
	s6 =	simm.s32 $0x2;
	(v2sf) =	vpush v0, $0xE;
	s17 =	spop (v2sf)  }
0x2a: {  	s9 =	simm.s32 $0x7;
	[smem:$0x0] =	sst s4;
	s21 =	spop (v2sf)  }
0x2b: {  	(v2sf) =	vpush v0, $0xF;
	p0 =	seq.s32 s17, $0x1;
	s20 =	spop (v2sf);
	p1 =	seq.s32 s21, $0x1  }
0x2c: {  	s19 =	spop (v2sf);
	p0 =	por p0, p1;
	p5 =	seq.s32 s20, $0x1  }
0x2d: {  	(v2sf) =	vpush v1, $0x0;
	s16 =	spop (v2sf);
	p0 =	por p5, p0;
	p6 =	seq.s32 s19, $0x1  }
0x2e: {  	(v2sf) =	vpush v1, $0x1;
	s23 =	spop (v2sf);
	p0 =	por p6, p0;
	p2 =	seq.s32 s16, $0x1  }
0x2f: {  	s15 =	spop (v2sf);
	p0 =	por p2, p0;
	p3 =	seq.s32 s23, $0x1  }
0x30: {  	s14 =	spop (v2sf);
	p0 =	por p3, p0;
	p4 =	seq.s32 s15, $0x1  }
0x31: {  	s11 =	spop (v2sf);
	p0 =	por p4, p0;
	p5 =	seq.s32 s14, $0x1  }
0x32: {  	s3 =	spop (v2sf);
	p0 =	por p5, p0;
	p6 =	seq.s32 s11, $0x1  }
0x33: {  	s31 =	spop (v2sf);
	p0 =	por p6, p0;
	p2 =	seq.s32 s3, $0x1  }
0x34: {  	[smem:$0x80] =	sst s4;
	s29 =	spop (v2sf);
	p0 =	por p2, p0  }
0x35: {  	p3 =	seq.s32 s31, $0x1;
	p2 =	seq.s32 s17, $0x2;
	s28 =	spop (v2sf)  }
0x36: {  	p0 =	por p3, p0;
	p4 =	seq.s32 s29, $0x1;
	p3 =	seq.s32 s21, $0x2  }
0x37: {  	s24 =	spop (v2sf);
	p0 =	por p4, p0;
	p5 =	seq.s32 s28, $0x1  }
0x38: {  	p3 =	por p2, p3;
	p4 =	seq.s32 s20, $0x2;
	s12 =	spop (v2sf)  }
0x39: {  	p0 =	por p5, p0;
	p6 =	seq.s32 s24, $0x1;
	p1 =	por p4, p3  }
0x3a: {  	p4 =	seq.s32 s16, $0x2;
	p3 =	seq.s32 s11, $0x2;
	s0 =	spop (v2sf)  }
0x3b: {  	p0 =	por p6, p0;
	p5 =	seq.s32 s12, $0x1;
	p6 =	seq.s32 s19, $0x2  }
0x3c: {  	s8 =	spop (v2sf);
	p0 =	por p5, p0;
	p1 =	por p6, p1  }
0x3d: {  	p5 =	seq.s32 s0, $0x1;
	p6 =	seq.s32 s23, $0x2;
	s30 =	spop (v2sf)  }
0x3e: {  	p1 =	por p4, p1;
	p0 =	por p5, p0;
	p4 =	seq.s32 s15, $0x2  }
0x3f: {  	p5 =	seq.s32 s8, $0x1;
	p1 =	por p6, p1;
	p6 =	seq.s32 s14, $0x2  }
0x40: {  	p0 =	por p5, p0;
	p1 =	por p4, p1;
	p4 =	seq.s32 s30, $0x1  }
0x41: {  	p5 =	seq.s32 s3, $0x2;
	p1 =	por p6, p1;
	p0 =	por p4, p0  }
0x42: {  	p6 =	seq.s32 s31, $0x2;
	p4 =	seq.s32 s29, $0x2;
	p1 =	por p3, p1  }
0x43: {  	p3 =	seq.s32 s17, $0x3;
	s25 =	simm.s32 @!p0 $0x0;
	s5 =	simm.s32 @!p0 $0x3  }
0x44: {  	s9 =	simm.s32 @!p0 $0x8;
	p1 =	por p5, p1;
	p5 =	seq.s32 s21, $0x3  }
0x45: {  	[dreg:$0xb] =	wrdreg s25;
	p1 =	por p6, p1;
	p2 =	por p3, p5  }
0x46: {  	p6 =	seq.s32 s20, $0x3;
	p5 =	seq.s32 s28, $0x2;
	p1 =	por p4, p1  }
0x47: {  	p2 =	por p6, p2;
	p4 =	seq.s32 s19, $0x3;
	p6 =	seq.s32 s16, $0x3  }
0x48: {  	p2 =	por p4, p2;
	p1 =	por p5, p1;
	p4 =	seq.s32 s23, $0x3  }
0x49: {  	p5 =	seq.s32 s24, $0x2;
	p2 =	por p6, p2;
	p6 =	seq.s32 s15, $0x3  }
0x4a: {  	p1 =	por p5, p1;
	p5 =	seq.s32 s12, $0x2;
	p2 =	por p4, p2  }
0x4b: {  	p4 =	seq.s32 s14, $0x3;
	p1 =	por p5, p1;
	p2 =	por p6, p2  }
0x4c: {  	p5 =	seq.s32 s0, $0x2;
	p6 =	seq.s32 s11, $0x3;
	p2 =	por p4, p2  }
0x4d: {  	p1 =	por p5, p1;
	p4 =	seq.s32 s3, $0x3;
	p2 =	por p6, p2  }
0x4e: {  	p5 =	seq.s32 s8, $0x2;
	p6 =	seq.s32 s31, $0x3;
	p2 =	por p4, p2  }
0x4f: {  	p1 =	por p5, p1;
	p4 =	seq.s32 s29, $0x3;
	p2 =	por p6, p2  }
0x50: {  	p5 =	seq.s32 s24, $0x3;
	p6 =	seq.s32 s28, $0x3;
	p2 =	por p4, p2  }
0x51: {  	p4 =	seq.s32 s17, $0x4;
	p3 =	por p6, p2;
	p2 =	seq.s32 s30, $0x2  }
0x52: {  	p6 =	seq.s32 s12, $0x3;
	p3 =	por p5, p3;
	p5 =	seq.s32 s21, $0x4  }
0x53: {  	p1 =	por p2, p1;
	p3 =	por p6, p3;
	p6 =	seq.s32 s0, $0x3  }
0x54: {  	p4 =	por p4, p5;
	p5 =	seq.s32 s20, $0x4;
	s1 =	simm.s32 @!p1 $0x0  }
0x55: {  	p3 =	por p6, p3;
	p4 =	por p5, p4;
	p5 =	seq.s32 s19, $0x4  }
0x56: {  	p6 =	seq.s32 s8, $0x3;
	s1 =	simm.s32 @p1 $0x1;
	p4 =	por p5, p4  }
0x57: {  	p5 =	seq.s32 s16, $0x4;
	p3 =	por p6, p3;
	p6 =	seq.s32 s30, $0x3  }
0x58: {  	[smem:$0x7E2] =	sst s1;
	p4 =	por p5, p4;
	p1 =	por p6, p3  }
0x59: {  	p5 =	seq.s32 s23, $0x4;
	p6 =	seq.s32 s21, $0x5;
	s1 =	simm.s32 @!p1 $0x0  }
0x5a: {  	p4 =	por p5, p4;
	p5 =	seq.s32 s15, $0x4;
	s1 =	simm.s32 @p1 $0x1  }
0x5b: {  	p3 =	por p5, p4;
	p4 =	seq.s32 s14, $0x4;
	p5 =	seq.s32 s17, $0x5  }
0x5c: {  	[smem:$0x7E3] =	sst s1;
	p1 =	por p4, p3;
	p3 =	por p5, p6  }
0x5d: {  	p4 =	seq.s32 s20, $0x5;
	p5 =	seq.s32 s11, $0x4;
	p6 =	seq.s32 s19, $0x5  }
0x5e: {  	p2 =	por p4, p3;
	p1 =	por p5, p1;
	p4 =	seq.s32 s16, $0x5  }
0x5f: {  	p5 =	seq.s32 s3, $0x4;
	p3 =	seq.s32 s12, $0x5;
	p2 =	por p6, p2  }
0x60: {  	p6 =	seq.s32 s23, $0x5;
	p1 =	por p5, p1;
	p2 =	por p4, p2  }
0x61: {  	p5 =	seq.s32 s31, $0x4;
	p4 =	seq.s32 s15, $0x5;
	p2 =	por p6, p2  }
0x62: {  	p1 =	por p5, p1;
	p6 =	seq.s32 s14, $0x5;
	p2 =	por p4, p2  }
0x63: {  	p5 =	seq.s32 s29, $0x4;
	p4 =	seq.s32 s11, $0x5;
	p2 =	por p6, p2  }
0x64: {  	p1 =	por p5, p1;
	p6 =	seq.s32 s3, $0x5;
	p2 =	por p4, p2  }
0x65: {  	p5 =	seq.s32 s28, $0x4;
	p4 =	seq.s32 s31, $0x5;
	p2 =	por p6, p2  }
0x66: {  	p1 =	por p5, p1;
	p6 =	seq.s32 s29, $0x5;
	p2 =	por p4, p2  }
0x67: {  	p5 =	seq.s32 s24, $0x4;
	p4 =	seq.s32 s28, $0x5;
	p2 =	por p6, p2  }
0x68: {  	p1 =	por p5, p1;
	p6 =	seq.s32 s24, $0x5;
	p2 =	por p4, p2  }
0x69: {  	p5 =	seq.s32 s17, $0x6;
	p4 =	seq.s32 s12, $0x4;
	p2 =	por p6, p2  }
0x6a: {  	p6 =	seq.s32 s21, $0x6;
	p1 =	por p4, p1;
	p4 =	seq.s32 s0, $0x4  }
0x6b: {  	p2 =	por p3, p2;
	p3 =	por p5, p6;
	p5 =	seq.s32 s0, $0x5  }
0x6c: {  	p6 =	seq.s32 s20, $0x6;
	p1 =	por p4, p1;
	p4 =	seq.s32 s8, $0x4  }
0x6d: {  	p2 =	por p5, p2;
	p3 =	por p6, p3;
	p5 =	seq.s32 s8, $0x5  }
0x6e: {  	p6 =	seq.s32 s19, $0x6;
	p1 =	por p4, p1;
	p4 =	seq.s32 s30, $0x4  }
0x6f: {  	p2 =	por p5, p2;
	p3 =	por p6, p3;
	p1 =	por p4, p1  }
0x70: {  	p5 =	seq.s32 s30, $0x5;
	p6 =	seq.s32 s16, $0x6;
	s1 =	simm.s32 @!p1 $0x0  }
0x71: {  	p4 =	seq.s32 s23, $0x6;
	s1 =	simm.s32 @p1 $0x1;
	p1 =	por p5, p2  }
0x72: {  	p3 =	por p6, p3;
	[smem:$0x7E4] =	sst s1;
	s1 =	simm.s32 @!p1 $0x0  }
0x73: {  	p6 =	seq.s32 s21, $0x7;
	p5 =	seq.s32 s17, $0x7;
	s1 =	simm.s32 @p1 $0x1  }
0x74: {  	p1 =	por p4, p3;
	p3 =	por p5, p6;
	p4 =	seq.s32 s20, $0x7  }
0x75: {  	p5 =	seq.s32 s15, $0x6;
	p6 =	seq.s32 s19, $0x7;
	[smem:$0x7E5] =	sst s1  }
0x76: {  	p2 =	por p4, p3;
	p1 =	por p5, p1;
	p4 =	seq.s32 s16, $0x7  }
0x77: {  	p5 =	seq.s32 s14, $0x6;
	p3 =	seq.s32 s31, $0x6;
	p2 =	por p6, p2  }
0x78: {  	p6 =	seq.s32 s23, $0x7;
	p1 =	por p5, p1;
	p2 =	por p4, p2  }
0x79: {  	p5 =	seq.s32 s11, $0x6;
	p4 =	seq.s32 s15, $0x7;
	p2 =	por p6, p2  }
0x7a: {  	p1 =	por p5, p1;
	p6 =	seq.s32 s14, $0x7;
	p2 =	por p4, p2  }
0x7b: {  	p5 =	seq.s32 s3, $0x6;
	p4 =	seq.s32 s11, $0x7;
	p2 =	por p6, p2  }
0x7c: {  	p1 =	por p5, p1;
	p6 =	seq.s32 s3, $0x7;
	p2 =	por p4, p2  }
0x7d: {  	p5 =	seq.s32 s17, $0x8;
	p4 =	seq.s32 s31, $0x7;
	p2 =	por p6, p2  }
0x7e: {  	p1 =	por p3, p1;
	p6 =	seq.s32 s21, $0x8;
	p2 =	por p4, p2  }
0x7f: {  	p3 =	por p5, p6;
	p4 =	seq.s32 s29, $0x6;
	p5 =	seq.s32 s29, $0x7  }
0x80: {  	p6 =	seq.s32 s20, $0x8;
	p1 =	por p4, p1;
	p2 =	por p5, p2  }
0x81: {  	p3 =	por p6, p3;
	p4 =	seq.s32 s28, $0x6;
	p5 =	seq.s32 s28, $0x7  }
0x82: {  	p6 =	seq.s32 s19, $0x8;
	p1 =	por p4, p1;
	p2 =	por p5, p2  }
0x83: {  	p3 =	por p6, p3;
	p4 =	seq.s32 s24, $0x6;
	p5 =	seq.s32 s24, $0x7  }
0x84: {  	p6 =	seq.s32 s16, $0x8;
	p1 =	por p4, p1;
	p2 =	por p5, p2  }
0x85: {  	p3 =	por p6, p3;
	p4 =	seq.s32 s12, $0x6;
	p5 =	seq.s32 s12, $0x7  }
0x86: {  	p6 =	seq.s32 s23, $0x8;
	p1 =	por p4, p1;
	p2 =	por p5, p2  }
0x87: {  	p3 =	por p6, p3;
	p4 =	seq.s32 s0, $0x6;
	p5 =	seq.s32 s0, $0x7  }
0x88: {  	p6 =	seq.s32 s15, $0x8;
	p1 =	por p4, p1;
	p2 =	por p5, p2  }
0x89: {  	p3 =	por p6, p3;
	p4 =	seq.s32 s8, $0x6;
	p5 =	seq.s32 s8, $0x7  }
0x8a: {  	p6 =	seq.s32 s14, $0x8;
	p1 =	por p4, p1;
	p4 =	seq.s32 s30, $0x6  }
0x8b: {  	p2 =	por p5, p2;
	p3 =	por p6, p3;
	p1 =	por p4, p1  }
0x8c: {  	p5 =	seq.s32 s30, $0x7;
	p6 =	seq.s32 s11, $0x8;
	s1 =	simm.s32 @!p1 $0x0  }
0x8d: {  	p3 =	por p6, p3;
	s1 =	simm.s32 @p1 $0x1;
	p1 =	por p5, p2  }
0x8e: {  	p4 =	seq.s32 s3, $0x8;
	[smem:$0x7E9] =	sst s1;
	s1 =	simm.s32 @!p1 $0x0  }
0x8f: {  	p6 =	seq.s32 s21, $0x9;
	p5 =	seq.s32 s17, $0x9;
	s1 =	simm.s32 @p1 $0x1  }
0x90: {  	p1 =	por p4, p3;
	p3 =	por p5, p6;
	p4 =	seq.s32 s20, $0x9  }
0x91: {  	p5 =	seq.s32 s31, $0x8;
	p6 =	seq.s32 s19, $0x9;
	[smem:$0x7E6] =	sst s1  }
0x92: {  	p2 =	por p4, p3;
	p1 =	por p5, p1;
	p4 =	seq.s32 s16, $0x9  }
0x93: {  	p5 =	seq.s32 s29, $0x8;
	p3 =	seq.s32 s17, $0xA;
	p2 =	por p6, p2  }
0x94: {  	p6 =	seq.s32 s23, $0x9;
	p1 =	por p5, p1;
	p5 =	seq.s32 s28, $0x8  }
0x95: {  	p2 =	por p4, p2;
	p4 =	seq.s32 s15, $0x9;
	p1 =	por p5, p1  }
0x96: {  	p5 =	seq.s32 s24, $0x8;
	p2 =	por p6, p2;
	p6 =	seq.s32 s14, $0x9  }
0x97: {  	p1 =	por p5, p1;
	p5 =	seq.s32 s12, $0x8;
	p2 =	por p4, p2  }
0x98: {  	p4 =	seq.s32 s11, $0x9;
	p1 =	por p5, p1;
	p2 =	por p6, p2  }
0x99: {  	p5 =	seq.s32 s0, $0x8;
	p6 =	seq.s32 s3, $0x9;
	p2 =	por p4, p2  }
0x9a: {  	p1 =	por p5, p1;
	p4 =	seq.s32 s31, $0x9;
	p2 =	por p6, p2  }
0x9b: {  	p5 =	seq.s32 s8, $0x8;
	p6 =	seq.s32 s29, $0x9;
	p2 =	por p4, p2  }
0x9c: {  	p1 =	por p5, p1;
	p4 =	seq.s32 s28, $0x9;
	p2 =	por p6, p2  }
0x9d: {  	p5 =	seq.s32 s30, $0x8;
	p6 =	seq.s32 s24, $0x9;
	p2 =	por p4, p2  }
0x9e: {  	p1 =	por p5, p1;
	p4 =	seq.s32 s12, $0x9;
	p2 =	por p6, p2  }
0x9f: {  	p5 =	seq.s32 s17, $0xB;
	p6 =	seq.s32 s0, $0x9;
	p2 =	por p4, p2  }
0xa0: {  	s1 =	simm.s32 @!p1 $0x0;
	p4 =	seq.s32 s8, $0x9;
	p2 =	por p6, p2  }
0xa1: {  	s1 =	simm.s32 @p1 $0x1;
	p6 =	seq.s32 s30, $0x9;
	p2 =	por p4, p2  }
0xa2: {  	[smem:$0x7E7] =	sst s1;
	p1 =	por p6, p2;
	p6 =	seq.s32 s21, $0xB  }
0xa3: {  	p4 =	seq.s32 s21, $0xA;
	s1 =	simm.s32 @!p1 $0x0;
	p2 =	por p5, p6  }
0xa4: {  	p5 =	seq.s32 s17, $0xC;
	p6 =	seq.s32 s21, $0xC;
	s1 =	simm.s32 @p1 $0x1  }
0xa5: {  	p1 =	por p3, p4;
	p3 =	seq.s32 s20, $0xA;
	p4 =	seq.s32 s20, $0xB  }
0xa6: {  	[smem:$0x7EA] =	sst s1;
	p1 =	por p3, p1;
	p2 =	por p4, p2  }
0xa7: {  	p3 =	por p5, p6;
	p4 =	seq.s32 s19, $0xA;
	p5 =	seq.s32 s19, $0xB  }
0xa8: {  	p6 =	seq.s32 s20, $0xC;
	p1 =	por p4, p1;
	p2 =	por p5, p2  }
0xa9: {  	p3 =	por p6, p3;
	p4 =	seq.s32 s16, $0xA;
	p5 =	seq.s32 s16, $0xB  }
0xaa: {  	p6 =	seq.s32 s19, $0xC;
	p1 =	por p4, p1;
	p2 =	por p5, p2  }
0xab: {  	p3 =	por p6, p3;
	p4 =	seq.s32 s23, $0xA;
	p5 =	seq.s32 s23, $0xB  }
0xac: {  	p6 =	seq.s32 s16, $0xC;
	p1 =	por p4, p1;
	p2 =	por p5, p2  }
0xad: {  	p3 =	por p6, p3;
	p4 =	seq.s32 s15, $0xA;
	p5 =	seq.s32 s15, $0xB  }
0xae: {  	p6 =	seq.s32 s23, $0xC;
	p1 =	por p4, p1;
	p2 =	por p5, p2  }
0xaf: {  	p3 =	por p6, p3;
	p4 =	seq.s32 s14, $0xA;
	p5 =	seq.s32 s14, $0xB  }
0xb0: {  	p6 =	seq.s32 s15, $0xC;
	p1 =	por p4, p1;
	p2 =	por p5, p2  }
0xb1: {  	p3 =	por p6, p3;
	p4 =	seq.s32 s11, $0xA;
	p5 =	seq.s32 s11, $0xB  }
0xb2: {  	p6 =	seq.s32 s14, $0xC;
	p1 =	por p4, p1;
	p2 =	por p5, p2  }
0xb3: {  	p3 =	por p6, p3;
	p4 =	seq.s32 s3, $0xA;
	p5 =	seq.s32 s3, $0xB  }
0xb4: {  	p6 =	seq.s32 s11, $0xC;
	p1 =	por p4, p1;
	p2 =	por p5, p2  }
0xb5: {  	p3 =	por p6, p3;
	p4 =	seq.s32 s31, $0xA;
	p5 =	seq.s32 s31, $0xB  }
0xb6: {  	p6 =	seq.s32 s3, $0xC;
	p1 =	por p4, p1;
	p2 =	por p5, p2  }
0xb7: {  	p3 =	por p6, p3;
	p4 =	seq.s32 s29, $0xA;
	p5 =	seq.s32 s29, $0xB  }
0xb8: {  	p6 =	seq.s32 s31, $0xC;
	p1 =	por p4, p1;
	p2 =	por p5, p2  }
0xb9: {  	p3 =	por p6, p3;
	p4 =	seq.s32 s28, $0xA;
	p5 =	seq.s32 s28, $0xB  }
0xba: {  	p6 =	seq.s32 s29, $0xC;
	p1 =	por p4, p1;
	p2 =	por p5, p2  }
0xbb: {  	p3 =	por p6, p3;
	p4 =	seq.s32 s24, $0xA;
	p5 =	seq.s32 s24, $0xB  }
0xbc: {  	p6 =	seq.s32 s28, $0xC;
	p1 =	por p4, p1;
	p2 =	por p5, p2  }
0xbd: {  	p3 =	por p6, p3;
	p4 =	seq.s32 s12, $0xA;
	p5 =	seq.s32 s12, $0xB  }
0xbe: {  	p6 =	seq.s32 s24, $0xC;
	p1 =	por p4, p1;
	p2 =	por p5, p2  }
0xbf: {  	p3 =	por p6, p3;
	p4 =	seq.s32 s0, $0xA;
	p5 =	seq.s32 s0, $0xB  }
0xc0: {  	p6 =	seq.s32 s12, $0xC;
	p1 =	por p4, p1;
	p2 =	por p5, p2  }
0xc1: {  	p3 =	por p6, p3;
	p4 =	seq.s32 s8, $0xA;
	p5 =	seq.s32 s8, $0xB  }
0xc2: {  	p6 =	seq.s32 s0, $0xC;
	p1 =	por p4, p1;
	p4 =	seq.s32 s30, $0xA  }
0xc3: {  	p2 =	por p5, p2;
	p3 =	por p6, p3;
	p1 =	por p4, p1  }
0xc4: {  	p5 =	seq.s32 s30, $0xB;
	p6 =	seq.s32 s8, $0xC;
	s1 =	simm.s32 @!p1 $0x0  }
0xc5: {  	p3 =	por p6, p3;
	s1 =	simm.s32 @p1 $0x1;
	p1 =	por p5, p2  }
0xc6: {  	p4 =	seq.s32 s30, $0xC;
	[smem:$0x7EB] =	sst s1;
	s1 =	simm.s32 @!p1 $0x0  }
0xc7: {  	p6 =	seq.s32 s21, $0xD;
	p5 =	seq.s32 s17, $0xD;
	s1 =	simm.s32 @p1 $0x1  }
0xc8: {  	p1 =	por p4, p3;
	p3 =	por p5, p6;
	p4 =	seq.s32 s20, $0xD  }
0xc9: {  	p5 =	seq.s32 s17, $0xE;
	p6 =	seq.s32 s21, $0xE;
	[smem:$0x7EC] =	sst s1  }
0xca: {  	s1 =	simm.s32 @!p1 $0x0;
	p2 =	por p5, p6;
	p5 =	seq.s32 s20, $0xE  }
0xcb: {  	p6 =	seq.s32 s19, $0xE;
	s1 =	simm.s32 @p1 $0x1;
	p1 =	por p4, p3  }
0xcc: {  	p4 =	seq.s32 s19, $0xD;
	p2 =	por p5, p2;
	p5 =	seq.s32 s16, $0xE  }
0xcd: {  	p3 =	seq.s32 s23, $0xD;
	[smem:$0x7F1] =	sst s1;
	p1 =	por p4, p1  }
0xce: {  	p2 =	por p6, p2;
	p4 =	seq.s32 s16, $0xD;
	p6 =	seq.s32 s21, $0xF  }
0xcf: {  	p1 =	por p4, p1;
	p2 =	por p5, p2;
	p4 =	seq.s32 s23, $0xE  }
0xd0: {  	p5 =	seq.s32 s17, $0xF;
	p1 =	por p3, p1;
	p2 =	por p4, p2  }
0xd1: {  	p3 =	por p5, p6;
	p4 =	seq.s32 s15, $0xD;
	p5 =	seq.s32 s15, $0xE  }
0xd2: {  	p6 =	seq.s32 s20, $0xF;
	p1 =	por p4, p1;
	p2 =	por p5, p2  }
0xd3: {  	p3 =	por p6, p3;
	p4 =	seq.s32 s14, $0xD;
	p5 =	seq.s32 s14, $0xE  }
0xd4: {  	p6 =	seq.s32 s19, $0xF;
	p1 =	por p4, p1;
	p2 =	por p5, p2  }
0xd5: {  	p3 =	por p6, p3;
	p4 =	seq.s32 s11, $0xD;
	p5 =	seq.s32 s11, $0xE  }
0xd6: {  	p6 =	seq.s32 s16, $0xF;
	p1 =	por p4, p1;
	p2 =	por p5, p2  }
0xd7: {  	p3 =	por p6, p3;
	p4 =	seq.s32 s3, $0xD;
	p5 =	seq.s32 s3, $0xE  }
0xd8: {  	p6 =	seq.s32 s23, $0xF;
	p1 =	por p4, p1;
	p2 =	por p5, p2  }
0xd9: {  	p3 =	por p6, p3;
	p4 =	seq.s32 s31, $0xD;
	p5 =	seq.s32 s31, $0xE  }
0xda: {  	p6 =	seq.s32 s15, $0xF;
	p1 =	por p4, p1;
	p2 =	por p5, p2  }
0xdb: {  	p3 =	por p6, p3;
	p4 =	seq.s32 s29, $0xD;
	p5 =	seq.s32 s29, $0xE  }
0xdc: {  	p6 =	seq.s32 s14, $0xF;
	p1 =	por p4, p1;
	p2 =	por p5, p2  }
0xdd: {  	p3 =	por p6, p3;
	p4 =	seq.s32 s28, $0xD;
	p5 =	seq.s32 s28, $0xE  }
0xde: {  	p6 =	seq.s32 s11, $0xF;
	p1 =	por p4, p1;
	p2 =	por p5, p2  }
0xdf: {  	p3 =	por p6, p3;
	p4 =	seq.s32 s24, $0xD;
	p5 =	seq.s32 s24, $0xE  }
0xe0: {  	p6 =	seq.s32 s3, $0xF;
	p1 =	por p4, p1;
	p2 =	por p5, p2  }
0xe1: {  	p3 =	por p6, p3;
	p4 =	seq.s32 s12, $0xD;
	p5 =	seq.s32 s12, $0xE  }
0xe2: {  	p6 =	seq.s32 s31, $0xF;
	p1 =	por p4, p1;
	p2 =	por p5, p2  }
0xe3: {  	p3 =	por p6, p3;
	p4 =	seq.s32 s0, $0xD;
	p5 =	seq.s32 s0, $0xE  }
0xe4: {  	p6 =	seq.s32 s29, $0xF;
	p1 =	por p4, p1;
	p2 =	por p5, p2  }
0xe5: {  	p3 =	por p6, p3;
	p4 =	seq.s32 s8, $0xD;
	p5 =	seq.s32 s8, $0xE  }
0xe6: {  	p6 =	seq.s32 s28, $0xF;
	p1 =	por p4, p1;
	p4 =	seq.s32 s30, $0xD  }
0xe7: {  	p2 =	por p5, p2;
	p3 =	por p6, p3;
	p1 =	por p4, p1  }
0xe8: {  	p5 =	seq.s32 s30, $0xE;
	p6 =	seq.s32 s24, $0xF;
	s1 =	simm.s32 @!p1 $0x0  }
0xe9: {  	p6 =	por p6, p3;
	s1 =	simm.s32 @p1 $0x1;
	p1 =	por p5, p2  }
0xea: {  	p3 =	seq.s32 s12, $0xF;
	[smem:$0x7F2] =	sst s1;
	s1 =	simm.s32 @!p1 $0x0  }
0xeb: {  	p4 =	seq.s32 s17, $0x10;
	p2 =	por !p0, !p0;
	s1 =	simm.s32 @p1 $0x1  }
0xec: {  	p5 =	seq.s32 s21, $0x10;
	[smem:$0x7F4] =	sst s1;
	s1 =	simm.s32 $0x1  }
0xed: {  	p1 =	por p3, p6;
	p6 =	seq.s32 s20, $0x10;
	s1 =	simm.s32 @!p2 $0x0  }
0xee: {  	p3 =	seq.s32 s19, $0x10;
	p2 =	por p4, p5;
	[dreg:$0x8] =	wrdreg s1  }
0xef: {  	p4 =	seq.s32 s16, $0x10;
	[smem:s1] =	sst s13;
	s1 =	simm.s32 $0x1  }
0xf0: {  	p5 =	seq.s32 s23, $0x10;
	s13 =	simm.s32 $0x3;
	s1 =	simm.s32 @!p0 $0x2  }
0xf1: {  	p2 =	por p6, p2;
	p6 =	seq.s32 s15, $0x10;
	[smem:s1] =	sst s6  }
0xf2: {  	s1 =	simm.s32 $0x3;
	s6 =	simm.s32 $0x6;
	[smem:s5] =	sst s13  }
0xf3: {  	s1 =	simm.s32 @!p0 $0x4;
	s5 =	simm.s32 $0x5;
	s6 =	simm.s32 @!p0 $0x7  }
0xf4: {  	s13 =	simm.s32 $0x8;
	[smem:s1] =	sst s18;
	s1 =	simm.s32 $0x4  }
0xf5: {  	s5 =	simm.s32 @!p0 $0x6;
	s18 =	simm.s32 $0x5;
	s1 =	simm.s32 @!p0 $0x5  }
0xf6: {  	p0 =	por p3, p2;
	[smem:s1] =	sst s18;
	s18 =	simm.s32 $0x6  }
0xf7: {  	p0 =	por p4, p0;
	[smem:s5] =	sst s18;
	s5 =	simm.s32 $0x7  }
0xf8: {  	p4 =	seq.s32 s0, $0xF;
	p0 =	por p5, p0;
	[smem:s6] =	sst s5  }
0xf9: {  	p1 =	por p4, p1;
	p4 =	seq.s32 s8, $0xF;
	s6 =	sld [smem:$0x7E2]  }
0xfa: {  	s5 =	simm.s32 $0x1;
	p0 =	por p6, p0;
	p6 =	seq.s32 s14, $0x10  }
0xfb: {  	p1 =	por p4, p1;
	p4 =	seq.s32 s3, $0x10;
	[smem:s9] =	sst s13  }
0xfc: {  	p0 =	por p6, p0;
	p2 =	seq.s32 s6, $0x1;
	s6 =	simm.s32 $0x1  }
0xfd: {  	p6 =	seq.s32 s11, $0x10;
	s6 =	simm.s32 @!p2 $0x0;
	p2 =	por !p2, !p2  }
0xfe: {  	[smem:s25+$0x80] =	sst s13;
	p0 =	por p6, p0;
	s5 =	simm.s32 @!p2 $0x0  }
0xff: {  	p6 =	seq.s32 s31, $0x10;
	p0 =	por p4, p0;
	[dreg:$0x9] =	wrdreg s5  }
0x100: {  	s1 =	sadd.s32 s5, s9;
	s5 =	sadd.s32 s6, s25;
	s25 =	sld [smem:$0x7E3]  }
0x101: {  	p4 =	por p6, p0;
	p0 =	seq.s32 s17, $0x11;
	s17 =	sld [smem:$0x7E5]  }
0x102: {  	s18 =	simm.s32 $0x9;
	[dreg:$0xa] =	wrdreg s6  }
0x103: {  	p2 =	seq.s32 s21, $0x11;
	s21 =	sld [smem:$0x7E6];
	p5 =	seq.s32 s25, $0x1  }
0x104: {  	s9 =	simm.s32 $0x1;
	[smem:s1] =	sst s18;
	p3 =	por !p5, !p5  }
0x105: {  	[smem:s5+$0x80] =	sst s18;
	s9 =	simm.s32 @!p3 $0x0  }
0x106: {  	s18 =	simm.s32 $0xA;
	[dreg:$0xc] =	wrdreg s9;
	s1 =	sadd.s32 s9, s1  }
0x107: {  	s25 =	simm.s32 $0xB;
	p3 =	seq.s32 s30, $0xF;
	[smem:s1] =	sst s18  }
0x108: {  	p1 =	por p3, p1;
	[smem:s1+$0x1] =	sst s25  }
0x109: {  	s9 =	simm.s32 $0xC;
	s6 =	simm.s32 @!p1 $0x0;
	s25 =	sld [smem:$0x7E4]  }
0x10a: {  	s13 =	simm.s32 $0xF;
	s6 =	simm.s32 @p1 $0x1;
	[smem:s1+$0x2] =	sst s9  }
0x10b: {  	p6 =	seq.s32 s20, $0x11;
	s20 =	simm.s32 $0x14;
	[smem:$0x7FC] =	sst s6  }
0x10c: {  	s18 =	simm.s32 $0x10;
	s9 =	simm.s32 $0x1;
	[smem:s1+$0x3] =	sst s22  }
0x10d: {  	s6 =	simm.s32 @!p0 $0x0;
	s9 =	simm.s32 @!p5 $0x0;
	[smem:s1+$0x4] =	sst s10  }
0x10e: {  	s6 =	simm.s32 @p0 $0x1;
	p0 =	seq.s32 s29, $0x10;
	[dreg:$0xd] =	wrdreg s9  }
0x10f: {  	p5 =	seq.s32 s16, $0x11;
	[smem:$0x7E8] =	sst s6;
	p3 =	seq.s32 s25, $0x1  }
0x110: {  	s5 =	sadd.s32 s9, s5;
	s9 =	simm.s32 $0x1;
	[smem:s1+$0x5] =	sst s13  }
0x111: {  	s10 =	simm.s32 $0x1;
	s9 =	simm.s32 @!p3 $0x0;
	[smem:s1+$0x6] =	sst s18  }
0x112: {  	p0 =	por p0, p4;
	p1 =	por !p3, !p3;
	[dreg:$0xf] =	wrdreg s9  }
0x113: {  	s10 =	simm.s32 @!p1 $0x0;
	p1 =	seq.s32 s17, $0x1;
	s17 =	sld [smem:$0x7E8]  }
0x114: {  	s13 =	simm.s32 $0x11;
	s6 =	simm.s32 @!p0 $0x0;
	[dreg:$0xe] =	wrdreg s10  }
0x115: {  	s16 =	simm.s32 $0x17;
	s6 =	simm.s32 @p0 $0x1;
	[smem:s1+$0x7] =	sst s13  }
0x116: {  	s18 =	simm.s32 $0x12;
	s1 =	sadd.s32 $0x7, s1;
	[smem:$0x7EE] =	sst s6  }
0x117: {  	p3 =	por !p1, !p1;
	[smem:s5+$0x80] =	sst s13;
	s1 =	sadd.s32 s10, s1  }
0x118: {  	s10 =	simm.s32 $0x1;
	s5 =	sadd.s32 s9, s5;
	s13 =	sld [smem:$0x7E7]  }
0x119: {  	s9 =	simm.s32 $0x1;
	s10 =	simm.s32 @!p3 $0x0;
	[smem:s1] =	sst s18  }
0x11a: {  	s9 =	simm.s32 @!p1 $0x0;
	p1 =	seq.s32 s21, $0x1;
	s21 =	sld [smem:$0x7E9]  }
0x11b: {  	s25 =	simm.s32 $0x15;
	p0 =	seq.s32 s23, $0x11;
	[dreg:$0x10] =	wrdreg s10  }
0x11c: {  	s23 =	simm.s32 $0x19;
	p3 =	seq.s32 s19, $0x11;
	[smem:s5+$0x80] =	sst s18  }
0x11d: {  	s19 =	simm.s32 $0x13;
	s1 =	sadd.s32 s10, s1;
	[dreg:$0x11] =	wrdreg s9  }
0x11e: {  	s10 =	simm.s32 $0x1;
	p4 =	por !p1, !p1;
	s5 =	sadd.s32 s9, s5  }
0x11f: {  	s9 =	simm.s32 @!p0 $0x0;
	s18 =	simm.s32 $0x18;
	[smem:s1] =	sst s19  }
0x120: {  	s10 =	simm.s32 @!p4 $0x0;
	s9 =	simm.s32 @p0 $0x1;
	[smem:s1+$0x1] =	sst s20  }
0x121: {  	p0 =	seq.s32 s15, $0x11;
	s15 =	simm.s32 $0x16;
	[dreg:$0x12] =	wrdreg s10  }
0x122: {  	s19 =	simm.s32 $0x1;
	[smem:$0x7ED] =	sst s9;
	s9 =	simm.s32 $0x1  }
0x123: {  	s6 =	simm.s32 @!p0 $0x0;
	[smem:s1+$0x2] =	sst s25;
	s9 =	simm.s32 @!p1 $0x0  }
0x124: {  	s6 =	simm.s32 @p0 $0x1;
	p0 =	seq.s32 s13, $0x1;
	s13 =	sld [smem:$0x7EA]  }
0x125: {  	s20 =	simm.s32 $0x1;
	s1 =	sadd.s32 $0x2, s1;
	[dreg:$0x13] =	wrdreg s9  }
0x126: {  	p1 =	seq.s32 s14, $0x11;
	s14 =	simm.s32 $0x1E;
	[smem:s5+$0x80] =	sst s25  }
0x127: {  	s1 =	sadd.s32 s10, s1;
	[smem:$0x7EF] =	sst s6;
	p4 =	por !p0, !p0  }
0x128: {  	s5 =	sadd.s32 s9, s5;
	s9 =	simm.s32 @!p1 $0x0;
	s19 =	simm.s32 @!p0 $0x0  }
0x129: {  	p0 =	seq.s32 s21, $0x1;
	s25 =	simm.s32 $0x1A;
	s21 =	sld [smem:$0x7EC]  }
0x12a: {  	s6 =	simm.s32 $0x1B;
	s10 =	simm.s32 $0x1D;
	[smem:s1] =	sst s15  }
0x12b: {  	s20 =	simm.s32 @!p4 $0x0;
	s9 =	simm.s32 @p1 $0x1;
	s15 =	sld [smem:$0x7EB]  }
0x12c: {  	p4 =	seq.s32 s17, $0x1;
	s17 =	simm.s32 $0x1;
	[smem:s1+$0x1] =	sst s16  }
0x12d: {  	s1 =	sadd.s32 $0x1, s1;
	[smem:$0x7F0] =	sst s9;
	p1 =	por p4, p2  }
0x12e: {  	p4 =	seq.s32 s11, $0x11;
	p2 =	por !p0, !p0;
	s9 =	simm.s32 $0x1C  }
0x12f: {  	[smem:s5+$0x80] =	sst s16;
	s1 =	sadd.s32 s20, s1;
	p1 =	por p6, p1  }
0x130: {  	s17 =	simm.s32 @!p2 $0x0;
	s5 =	sadd.s32 s19, s5;
	p2 =	seq.s32 s3, $0x11  }
0x131: {  	s16 =	simm.s32 $0x1;
	[smem:s1] =	sst s18;
	p1 =	por p3, p1  }
0x132: {  	s16 =	simm.s32 @!p0 $0x0;
	p0 =	seq.s32 s31, $0x11;
	s31 =	simm.s32 $0x1  }
0x133: {  	s18 =	simm.s32 $0x1F;
	[smem:s1+$0x1] =	sst s23;
	p1 =	por p5, p1  }
0x134: {  	s3 =	simm.s32 @!p0 $0x0;
	s11 =	sadd.s32 s16, s5;
	[smem:s1+$0x2] =	sst s25  }
0x135: {  	p5 =	seq.s32 s24, $0x10;
	s3 =	simm.s32 @p0 $0x1;
	[smem:s5+$0x80] =	sst s25  }
0x136: {  	s23 =	simm.s32 $0x20;
	s1 =	sadd.s32 $0x2, s1;
	[smem:$0x7F3] =	sst s3  }
0x137: {  	p0 =	seq.s32 s13, $0x1;
	s1 =	sadd.s32 s17, s1;
	s25 =	sld [smem:$0x7ED]  }
0x138: {  	s13 =	simm.s32 $0x22;
	s31 =	simm.s32 @!p0 $0x0;
	[smem:s1] =	sst s6  }
0x139: {  	p3 =	por !p0, !p0;
	p0 =	seq.s32 s29, $0x11;
	[smem:s1+$0x1] =	sst s9  }
0x13a: {  	s29 =	simm.s32 $0x1;
	s6 =	simm.s32 @!p0 $0x0;
	s9 =	sld [smem:$0x7EE]  }
0x13b: {  	s29 =	simm.s32 @!p3 $0x0;
	s6 =	simm.s32 @p0 $0x1;
	[smem:s1+$0x2] =	sst s10  }
0x13c: {  	p3 =	seq.s32 s28, $0x10;
	s3 =	sadd.s32 s31, s11;
	[smem:$0x7F5] =	sst s6  }
0x13d: {  	p0 =	seq.s32 s28, $0x11;
	s28 =	simm.s32 $0x1;
	s10 =	sld [smem:$0x7EF]  }
0x13e: {  	s5 =	simm.s32 @!p0 $0x0;
	s6 =	simm.s32 $0x27;
	[smem:s1+$0x3] =	sst s14  }
0x13f: {  	s1 =	sadd.s32 $0x3, s1;
	s5 =	simm.s32 @p0 $0x1;
	[smem:s11+$0x80] =	sst s14  }
0x140: {  	p0 =	seq.s32 s15, $0x1;
	s15 =	simm.s32 $0x1;
	[smem:$0x7F7] =	sst s5  }
0x141: {  	s1 =	sadd.s32 s29, s1;
	s28 =	simm.s32 @!p0 $0x0;
	p6 =	por !p0, !p0  }
0x142: {  	p0 =	seq.s32 s24, $0x11;
	s24 =	simm.s32 $0x1;
	s11 =	simm.s32 $0x21  }
0x143: {  	s14 =	simm.s32 $0x23;
	s5 =	simm.s32 @!p0 $0x0;
	[smem:s1] =	sst s18  }
0x144: {  	s24 =	simm.s32 @!p6 $0x0;
	s5 =	simm.s32 @p0 $0x1;
	[smem:s3+$0x80] =	sst s18  }
0x145: {  	s1 =	sadd.s32 s24, s1;
	p0 =	seq.s32 s12, $0x10;
	[smem:$0x7F8] =	sst s5  }
0x146: {  	s3 =	sadd.s32 s28, s3;
	s5 =	simm.s32 @!p0 $0x0;
	[smem:s1] =	sst s23  }
0x147: {  	s5 =	simm.s32 @p0 $0x1;
	p0 =	seq.s32 s12, $0x11;
	[smem:s3+$0x80] =	sst s23  }
0x148: {  	s18 =	simm.s32 $0x24;
	[smem:$0x7F6] =	sst s5;
	s5 =	simm.s32 @!p0 $0x0  }
0x149: {  	s12 =	sld [smem:$0x7F0];
	s5 =	simm.s32 @p0 $0x1;
	p0 =	seq.s32 s21, $0x1  }
0x14a: {  	s23 =	simm.s32 $0x26;
	s21 =	simm.s32 $0x25;
	p6 =	por !p0, !p0  }
0x14b: {  	[smem:$0x7F9] =	sst s5;
	s15 =	simm.s32 @!p6 $0x0;
	p6 =	seq.s32 s25, $0x1  }
0x14c: {  	s25 =	sld [smem:$0x7F1];
	p1 =	por p6, p1;
	p6 =	seq.s32 s9, $0x1  }
0x14d: {  	s1 =	sadd.s32 s15, s1;
	s9 =	simm.s32 $0x28;
	p3 =	por p3, p6  }
0x14e: {  	p6 =	seq.s32 s10, $0x1;
	[smem:s1] =	sst s11;
	s11 =	simm.s32 $0x1  }
0x14f: {  	s10 =	sld [smem:$0x7F3];
	p1 =	por p6, p1;
	p6 =	por p5, p3  }
0x150: {  	p5 =	seq.s32 s12, $0x1;
	[smem:s1+$0x1] =	sst s13;
	p3 =	seq.s32 s0, $0x11  }
0x151: {  	s12 =	simm.s32 $0x1;
	p1 =	por p5, p1;
	[smem:s1+$0x2] =	sst s14  }
0x152: {  	p5 =	seq.s32 s0, $0x10;
	s0 =	simm.s32 @!p3 $0x0;
	s14 =	simm.s32 $0x1  }
0x153: {  	s0 =	simm.s32 @p3 $0x1;
	[smem:s1+$0x3] =	sst s18;
	s14 =	simm.s32 @!p0 $0x0  }
0x154: {  	p3 =	seq.s32 s8, $0x10;
	p0 =	seq.s32 s8, $0x11;
	s8 =	sld [smem:$0x7F2]  }
0x155: {  	s13 =	simm.s32 $0x1;
	p1 =	por p4, p1;
	s18 =	sld [smem:$0x7F4]  }
0x156: {  	p4 =	seq.s32 s30, $0x10;
	[smem:$0x7FA] =	sst s0;
	p1 =	por p2, p1  }
0x157: {  	[smem:s1+$0x4] =	sst s21;
	s0 =	simm.s32 @!p0 $0x0;
	p2 =	seq.s32 s30, $0x11  }
0x158: {  	s30 =	simm.s32 $0x1;
	s5 =	sadd.s32 s14, s3;
	[smem:s1+$0x5] =	sst s23  }
0x159: {  	s21 =	simm.s32 $0x29;
	s0 =	simm.s32 @p0 $0x1;
	s23 =	sld [smem:$0x7F5]  }
0x15a: {  	p0 =	seq.s32 s25, $0x1;
	s25 =	simm.s32 $0x1;
	[smem:$0x7FB] =	sst s0  }
0x15b: {  	s12 =	simm.s32 @!p0 $0x0;
	p0 =	por !p0, !p0;
	[smem:s1+$0x6] =	sst s6  }
0x15c: {  	s0 =	simm.s32 @!p2 $0x0;
	s1 =	sadd.s32 $0x6, s1;
	[smem:s5+$0x80] =	sst s6  }
0x15d: {  	s0 =	simm.s32 @p2 $0x1;
	s30 =	simm.s32 @!p0 $0x0;
	s6 =	sld [smem:$0x7F7]  }
0x15e: {  	p0 =	seq.s32 s8, $0x1;
	p2 =	seq.s32 s10, $0x1;
	[smem:$0x7FD] =	sst s0  }
0x15f: {  	s1 =	sadd.s32 s30, s1;
	s0 =	sadd.s32 s12, s5;
	s5 =	sld [smem:$0x7F6]  }
0x160: {  	p1 =	por p2, p1;
	p2 =	seq.s32 s18, $0x1;
	s18 =	sld [smem:$0x7F9]  }
0x161: {  	s13 =	simm.s32 @!p0 $0x0;
	p0 =	por !p0, !p0;
	[smem:s1] =	sst s9  }
0x162: {  	s8 =	simm.s32 $0x2A;
	s11 =	simm.s32 @!p0 $0x0;
	[smem:s0+$0x80] =	sst s9  }
0x163: {  	p0 =	por !p2, !p2;
	s1 =	sadd.s32 s11, s1;
	s9 =	sld [smem:$0x7F8]  }
0x164: {  	s25 =	simm.s32 @!p0 $0x0;
	p0 =	seq.s32 s23, $0x1;
	s23 =	sld [smem:$0x7FA]  }
0x165: {  	s10 =	simm.s32 $0x2B;
	s0 =	sadd.s32 s13, s0;
	[smem:s1] =	sst s21  }
0x166: {  	p0 =	por p0, p1;
	s1 =	sadd.s32 s25, s1;
	p1 =	seq.s32 s5, $0x1  }
0x167: {  	s5 =	simm.s32 $0x2D;
	[smem:s0+$0x80] =	sst s21;
	p1 =	por p1, p6  }
0x168: {  	p6 =	seq.s32 s6, $0x1;
	s21 =	simm.s32 $0x2C;
	s6 =	sld [smem:$0x7FB]  }
0x169: {  	p0 =	por p6, p0;
	[smem:s1] =	sst s8;
	p1 =	por p5, p1  }
0x16a: {  	p6 =	seq.s32 s9, $0x1;
	s8 =	simm.s32 $0x2E;
	s9 =	simm.s32 $0x2F  }
0x16b: {  	p0 =	por p6, p0;
	[smem:s1+$0x1] =	sst s10;
	p1 =	por p3, p1  }
0x16c: {  	p6 =	seq.s32 s18, $0x1;
	s18 =	simm.s32 $0x1;
	s10 =	sld [smem:$0x7FC]  }
0x16d: {  	p3 =	por p6, p0;
	[smem:s1+$0x2] =	sst s21;
	p0 =	por p4, p1  }
0x16e: {  	p4 =	seq.s32 s23, $0x1;
	p5 =	seq.s32 s6, $0x1;
	s18 =	simm.s32 @!p2 $0x0  }
0x16f: {  	s21 =	simm.s32 $0x30;
	s23 =	simm.s32 $0x31;
	[smem:s1+$0x3] =	sst s5  }
0x170: {  	s6 =	simm.s32 $0x1;
	p1 =	por p4, p3;
	[smem:s1+$0x4] =	sst s8  }
0x171: {  	s0 =	sadd.s32 s18, s0;
	s5 =	simm.s32 $0x1;
	[smem:s1+$0x5] =	sst s9  }
0x172: {  	p1 =	por p5, p1;
	p2 =	seq.s32 s10, $0x1;
	[smem:s1+$0x6] =	sst s21  }
0x173: {  	s10 =	simm.s32 $0x1;
	s9 =	simm.s32 $0x1;
	[smem:s0+$0x80] =	sst s21  }
0x174: {  	s9 =	simm.s32 @!p2 $0x0;
	p2 =	por !p2, !p2;
	s21 =	sld [smem:$0x7FD]  }
0x175: {  	s8 =	simm.s32 $0x1;
	s1 =	sadd.s32 $0x6, s1;
	s10 =	simm.s32 @!p2 $0x0  }
0x176: {  	s8 =	simm.s32 @!p0 $0x0;
	p0 =	por !p0, !p0;
	s1 =	sadd.s32 s10, s1  }
0x177: {  	s3 =	sadd.s32 s9, s0;
	[smem:s1] =	sst s23;
	p6 =	seq.s32 s21, $0x1  }
0x178: {  	s6 =	simm.s32 @!p0 $0x0;
	[smem:s3+$0x80] =	sst s23;
	p1 =	por p6, p1  }
0x179: {  	s23 =	sadd.s32 s6, s1;
	s21 =	simm.s32 $0x32;
	p0 =	por !p1, !p1  }
0x17a: {  	s3 =	sadd.s32 s8, s3;
	[smem:s23] =	sst s21;
	s5 =	simm.s32 @!p0 $0x0  }
0x17b: {  	[smem:s3+$0x80] =	sst s21;
	s0 =	sadd.s32 s5, s23;
	s23 =	simm.s32 $0x33  }
0x17c: {  	s21 =	simm.s32 $0x34;
	[smem:s0] =	sst s23  }
0x17d: {  	s23 =	simm.s32 $0x35;
	[smem:s0+$0x1] =	sst s21  }
0x17e: {  	s1 =	simm.s32 $0x1;
	[smem:s0+$0x2] =	sst s23  }
0x17f: {  	s1 =	simm.s32 @!p1 $0x0;
	s21 =	simm.s32 $0x36;
	s23 =	rddreg [dreg:$0x8]  }
0x180: {  	s3 =	sadd.s32 s1, s3;
	[smem:s0+$0x3] =	sst s21;
	s0 =	sadd.s32 $0x3, s0  }
0x181: {  	s0 =	sadd.s32 s23, s0;
	[smem:s3+$0x80] =	sst s21;
	s23 =	simm.s32 $0x37  }
0x182: {  	[smem:s0] =	sst s23;
	s23 =	simm.s32 $0x38  }
0x183: {  	[smem:s0+$0x1] =	sst s23;
	s23 =	simm.s32 $0x39  }
0x184: {  	[smem:s0+$0x2] =	sst s23;
	s23 =	simm.s32 $0x3A  }
0x185: {  	[smem:s0+$0x3] =	sst s23;
	s23 =	simm.s32 $0x3B  }
0x186: {  	[smem:s0+$0x4] =	sst s23;
	s23 =	simm.s32 $0x3C  }
0x187: {  	[smem:s0+$0x5] =	sst s23;
	s23 =	simm.s32 $0x3D  }
0x188: {  	[smem:s0+$0x6] =	sst s23  }
0x189: {  	s21 =	simm.s32 $0x3E;
	s23 =	rddreg [dreg:$0xb]  }
0x18a: {  	[smem:s0+$0x7] =	sst s21  }
0x18b: {  	s3 =	sadd.s32 s23, s3;
	s23 =	rddreg [dreg:$0x9]  }
0x18c: {  	s0 =	sadd.s32 $0x7, s0;
	[smem:s3+$0x80] =	sst s21  }
0x18d: {  	s0 =	sadd.s32 s23, s0;
	s23 =	rddreg [dreg:$0xa];
	s21 =	simm.s32 $0x3F  }
0x18e: {  	[smem:s0] =	sst s21  }
0x18f: {  	s3 =	sadd.s32 s23, s3;
	s23 =	rddreg [dreg:$0xc]  }
0x190: {  	s0 =	sadd.s32 s23, s0;
	[smem:s3+$0x80] =	sst s21;
	s23 =	simm.s32 $0x40  }
0x191: {  	[smem:s0] =	sst s23;
	s23 =	simm.s32 $0x41  }
0x192: {  	[smem:s0+$0x1] =	sst s23;
	s23 =	simm.s32 $0x42  }
0x193: {  	[smem:s0+$0x2] =	sst s23;
	s23 =	simm.s32 $0x43  }
0x194: {  	[smem:s0+$0x3] =	sst s23;
	s23 =	simm.s32 $0x44  }
0x195: {  	[smem:s0+$0x4] =	sst s23;
	s23 =	simm.s32 $0x45  }
0x196: {  	[smem:s0+$0x5] =	sst s23;
	s23 =	simm.s32 $0x46  }
0x197: {  	[smem:s0+$0x6] =	sst s23  }
0x198: {  	s21 =	simm.s32 $0x47;
	s23 =	rddreg [dreg:$0xd]  }
0x199: {  	[smem:s0+$0x7] =	sst s21  }
0x19a: {  	s3 =	sadd.s32 s23, s3;
	s23 =	rddreg [dreg:$0xe]  }
0x19b: {  	s0 =	sadd.s32 $0x7, s0;
	[smem:s3+$0x80] =	sst s21  }
0x19c: {  	s0 =	sadd.s32 s23, s0;
	s23 =	rddreg [dreg:$0xf];
	s21 =	simm.s32 $0x48  }
0x19d: {  	[smem:s0] =	sst s21  }
0x19e: {  	s3 =	sadd.s32 s23, s3;
	s23 =	rddreg [dreg:$0x10]  }
0x19f: {  	s0 =	sadd.s32 s23, s0;
	[smem:s3+$0x80] =	sst s21;
	s23 =	simm.s32 $0x49  }
0x1a0: {  	[smem:s0] =	sst s23;
	s23 =	simm.s32 $0x4A  }
0x1a1: {  	[smem:s0+$0x1] =	sst s23  }
0x1a2: {  	s21 =	simm.s32 $0x4B;
	s23 =	rddreg [dreg:$0x11]  }
0x1a3: {  	[smem:s0+$0x2] =	sst s21  }
0x1a4: {  	s3 =	sadd.s32 s23, s3;
	s0 =	sadd.s32 $0x2, s0;
	s23 =	rddreg [dreg:$0x12]  }
0x1a5: {  	s0 =	sadd.s32 s23, s0;
	[smem:s3+$0x80] =	sst s21;
	s23 =	simm.s32 $0x4C  }
0x1a6: {  	[smem:s0] =	sst s23  }
0x1a7: {  	s23 =	rddreg [dreg:$0x13]  }
0x1a8: {  	s3 =	sadd.s32 s23, s3;
	s23 =	simm.s32 $0x4D  }
0x1a9: {  	[smem:s0+$0x1] =	sst s23;
	s0 =	sadd.s32 $0x1, s0  }
0x1aa: {  	s0 =	sadd.s32 s20, s0;
	[smem:s3+$0x80] =	sst s23;
	s23 =	simm.s32 $0x4E  }
0x1ab: {  	s21 =	simm.s32 $0x4F;
	[smem:s0] =	sst s23  }
0x1ac: {  	s23 =	simm.s32 $0x50;
	[smem:s0+$0x1] =	sst s21  }
0x1ad: {  	s3 =	sadd.s32 s19, s3;
	[smem:s0+$0x2] =	sst s23;
	s0 =	sadd.s32 $0x2, s0  }
0x1ae: {  	s19 =	simm.s32 $0x51;
	s0 =	sadd.s32 s17, s0;
	[smem:s3+$0x80] =	sst s23  }
0x1af: {  	s20 =	simm.s32 $0x52;
	[smem:s0] =	sst s19  }
0x1b0: {  	s21 =	simm.s32 $0x53;
	[smem:s0+$0x1] =	sst s20  }
0x1b1: {  	s23 =	simm.s32 $0x54;
	[smem:s0+$0x2] =	sst s21  }
0x1b2: {  	[smem:s0+$0x3] =	sst s23;
	s0 =	sadd.s32 $0x3, s0  }
0x1b3: {  	s3 =	sadd.s32 s16, s3;
	s0 =	sadd.s32 s29, s0  }
0x1b4: {  	[smem:s3+$0x80] =	sst s23;
	s3 =	sadd.s32 s31, s3;
	s31 =	simm.s32 $0x55  }
0x1b5: {  	[smem:s0] =	sst s31  }
0x1b6: {  	s17 =	simm.s32 $0x56;
	s0 =	sadd.s32 s24, s0;
	[smem:s3+$0x80] =	sst s31  }
0x1b7: {  	s3 =	sadd.s32 s28, s3;
	[smem:s0] =	sst s17  }
0x1b8: {  	s19 =	simm.s32 $0x57;
	s0 =	sadd.s32 s15, s0;
	[smem:s3+$0x80] =	sst s17  }
0x1b9: {  	s20 =	simm.s32 $0x58;
	[smem:s0] =	sst s19  }
0x1ba: {  	s21 =	simm.s32 $0x59;
	[smem:s0+$0x1] =	sst s20  }
0x1bb: {  	s23 =	simm.s32 $0x5A;
	[smem:s0+$0x2] =	sst s21  }
0x1bc: {  	s24 =	simm.s32 $0x5B;
	[smem:s0+$0x3] =	sst s23  }
0x1bd: {  	s28 =	simm.s32 $0x5C;
	[smem:s0+$0x4] =	sst s24  }
0x1be: {  	s29 =	simm.s32 $0x5D;
	[smem:s0+$0x5] =	sst s28  }
0x1bf: {  	s3 =	sadd.s32 s14, s3;
	[smem:s0+$0x6] =	sst s29;
	s0 =	sadd.s32 $0x6, s0  }
0x1c0: {  	s31 =	simm.s32 $0x5E;
	s0 =	sadd.s32 s30, s0;
	[smem:s3+$0x80] =	sst s29  }
0x1c1: {  	s3 =	sadd.s32 s12, s3;
	[smem:s0] =	sst s31  }
0x1c2: {  	s14 =	simm.s32 $0x5F;
	s0 =	sadd.s32 s11, s0;
	[smem:s3+$0x80] =	sst s31  }
0x1c3: {  	s3 =	sadd.s32 s13, s3;
	[smem:s0] =	sst s14  }
0x1c4: {  	s15 =	simm.s32 $0x60;
	s0 =	sadd.s32 s25, s0;
	[smem:s3+$0x80] =	sst s14  }
0x1c5: {  	s16 =	simm.s32 $0x61;
	[smem:s0] =	sst s15  }
0x1c6: {  	s17 =	simm.s32 $0x62;
	[smem:s0+$0x1] =	sst s16  }
0x1c7: {  	s19 =	simm.s32 $0x63;
	[smem:s0+$0x2] =	sst s17  }
0x1c8: {  	s20 =	simm.s32 $0x64;
	[smem:s0+$0x3] =	sst s19  }
0x1c9: {  	s21 =	simm.s32 $0x65;
	[smem:s0+$0x4] =	sst s20  }
0x1ca: {  	s23 =	simm.s32 $0x66;
	[smem:s0+$0x5] =	sst s21  }
0x1cb: {  	s3 =	sadd.s32 s18, s3;
	[smem:s0+$0x6] =	sst s23;
	s0 =	sadd.s32 $0x6, s0  }
0x1cc: {  	s24 =	simm.s32 $0x67;
	s0 =	sadd.s32 s10, s0;
	[smem:s3+$0x80] =	sst s23  }
0x1cd: {  	s28 =	simm.s32 $0x68;
	s3 =	sadd.s32 s9, s3;
	[smem:s0] =	sst s24  }
0x1ce: {  	s0 =	sadd.s32 s6, s0;
	s25 =	sadd.s32 s8, s3;
	[smem:s3+$0x80] =	sst s24  }
0x1cf: {  	s3 =	sadd.s32 s5, s0;
	[smem:s0] =	sst s28;
	s0 =	sadd.s32 s1, s25  }
0x1d0: {  	p0 =	seq.s32 s0, $0x0  }
.Ltmp2:
0x1d1: {  	s11 =	rddreg [dreg:$0x0];
	(pc) =	sbr.rel @p0 .LBB2_7-.Ltmp2, $4  }
0x1d2: {  	s29 =	simm.s32 $0x69;
	[smem:s25+$0x80] =	sst s28  }
0x1d3: {  	s30 =	simm.s32 $0x6A;
	[smem:s3] =	sst s29  }
0x1d4: {  	s31 =	simm.s32 $0x6B;
	[smem:s3+$0x1] =	sst s30  }
0x1d5: {  	s12 =	simm.s32 $0x4080;
	[smem:s3+$0x2] =	sst s31  }
0x1d6: {  	s5 =	sadd.s32 $0x1, s4  }
0x1d7: {  	p2 =	slt.u32 s5, s0  }
.Ltmp3:
0x1d8: {  	_ = 	snop;
	(pc) =	sbr.rel @!p2 .LBB2_3-.Ltmp3, $2  }
0x1d9: {  	_ =	sdelay $0x2  }
0x1da: {  	s1 =	sld [smem:s26+$0x0];
	p1 =	por $0x0, $0x0  }
0x1db: {  	s5 =	sadd.s32 $0x1, s5  }
0x1dc: {  	p2 =	slt.u32 s5, s0  }
.Ltmp4:
0x1dd: {  	_ = 	snop;
	(pc) =	sbr.rel @!p2 .LBB2_6-.Ltmp4, $4  }
0x1de: {  	s1 =	sadd.s32 s7, s1  }
0x1df: {  	s1 =	sshll.u32 s1, $0xB  }
0x1e0: {  	s6 =	sadd.s32 $0x1, s26;
	s8 =	sand.u32 $0x1FFFF800, s1  }
0x1e1: {  	p1 =	por $0x1, $0x1;
	s1 =	sld [smem:s6+$0x0];
	s8 =	sadd.s32 s2, s8  }
.LBB2_5:
0x1e2: {  	[hbm4b:s8+s4] =	stream.linear.scatter [tilespmem:s26], [sflag:$0xD], $0x4000, $0x38;
	[tilespmem:$0x1C080] =	vst v63  }
0x1e3: {  	s5 =	sadd.s32 $0x1, s5  }
0x1e4: {  	p2 =	slt.u32 s5, s0  }
.Ltmp5:
0x1e5: {  	(pc) =	sbr.rel @p2 .LBB2_5-.Ltmp5, $4  }
0x1e6: {  	s1 =	sadd.s32 s7, s1  }
0x1e7: {  	s1 =	sshll.u32 s1, $0xB  }
0x1e8: {  	s6 =	sadd.s32 $0x1, s6;
	s8 =	sand.u32 $0x1FFFF800, s1  }
0x1e9: {  	s1 =	sld [smem:s6+$0x0];
	s8 =	sadd.s32 s2, s8  }
.LBB2_6:
0x1ea: {  	_ = 	snop  }
0x1eb: {  	[hbm4b:s8+s4] =	stream.linear.scatter @p1 [tilespmem:s26], [sflag:$0xD], $0x4000, $0x38;
	[tilespmem:$0x1C080] =	vst v63  }
0x1ec: {  	s1 =	sadd.s32 s7, s1  }
0x1ed: {  	s1 =	sshll.u32 s1, $0xB  }
0x1ee: {  	s1 =	sand.u32 $0x1FFFF800, s1  }
0x1ef: {  	s1 =	sadd.s32 s2, s1  }
0x1f0: {  	[hbm4b:s1+s4] =	stream.linear.scatter [tilespmem:s26], [sflag:$0xD], $0x4000, $0x38;
	[tilespmem:$0x1C080] =	vst v63  }
.LBB2_7:
0x1f1: {  	s1 =	sld [smem:$0x0];
	_ =	sdelay $0x2  }
0x1f2: {  	s6 =	sld [smem:$0x1];
	s1 =	sadd.s32 s7, s1  }
0x1f3: {  	s1 =	sshll.u32 s1, $0xB  }
0x1f4: {  	s1 =	sand.u32 $0x1FFFF800, s1  }
0x1f5: {  	s5 =	simm.s32 $0x0;
	s28 =	sadd.s32 s7, s6;
	s1 =	sadd.s32 s11, s1  }
0x1f6: {  	[tilespmem:s12], [sflag:$0x1] =	stream.linear.gather [hbm4b:s1+s5], $0x4000, $0x38;
	[tilespmem:$0x1C080] =	vst v63  }
0x1f7: {  	s1 =	sshll.u32 s28, $0xB  }
0x1f8: {  	s29 =	sld [smem:$0x2];
	s1 =	sand.u32 $0x1FFFF800, s1  }
0x1f9: {  	s8 =	simm.s32 $0x8080;
	s1 =	sadd.s32 s11, s1  }
0x1fa: {  	[tilespmem:s8], [sflag:$0x2] =	stream.linear.gather [hbm4b:s1+s5], $0x4000, $0x38;
	[tilespmem:$0x1C080] =	vst v63  }
.Ltmp6:
0x1fb: {  	s31 =	simm.s32 $0xC080;
	s30 =	sadd.s32 s7, s29;
	(pc) =	sbr.rel .LBB2_8-.Ltmp6, $4  }
0x1fc: {  	s13 =	simm.s32 $0x1;
	s18 =	simm.s32 $0x4;
	s1 =	sshll.u32 s30, $0xB  }
0x1fd: {  	s15 =	simm.s32 $0x7;
	s14 =	simm.s32 $0x10080;
	s1 =	sand.u32 $0x1FFFF800, s1  }
0x1fe: {  	s6 =	sadd.s32 $0x2, s3;
	s8 =	simm.s32 $0x0;
	s1 =	sadd.s32 s11, s1  }
0x1ff: {  	[tilespmem:s31], [sflag:$0x3] =	stream.linear.gather [hbm4b:s1+s5], $0x4000, $0x38;
	[tilespmem:$0x1C080] =	vst v63  }
.LBB2_9:
0x200: {  	p1 =	seq.s32 s1, $0x0  }
.Ltmp7:
0x201: {  	_ = 	snop;
	(pc) =	sbr.rel @p1 .LBB2_13-.Ltmp7, $1  }
0x202: {  	_ =	sdelay $0x3  }
0x203: {  	p1 =	seq.s32 s1, $0x1  }
0x204: {  	s1 =	simm.s32 @p1 $0x2  }
0x205: {  	_ =	swait.ge @p1 [sflag:s1], $0x4000  }
0x206: {  	[sflag:s1] =	ssyncset.done @p1 $0x0  }
0x207: {  	[sflag:s1] =	ssyncadd.s32 @p1 $0xFFFFC000  }
0x208: {  	s1 =	sld @p1 [smem:s8+$0x0];
	_ =	sdelay $0x1  }
0x209: {  	p3 =	sge.u32 @p1 s5, s3  }
0x20a: {  	p2 =	por p3, !p1;
	s1 =	sadd.s32 @p1 s7, s1  }
0x20b: {  	p4 =	slt.u32 @!p2 s5, $0x3;
	s1 =	sshll.u32 @p1 s1, $0xB  }
0x20c: {  	s9 =	simm.s32 @p1 $0x0;
	p3 =	por @p1 p4, p3;
	s1 =	sand.u32 @p1 $0x1FFFF800, s1  }
0x20d: {  	s10 =	simm.s32 @p1 $0x8080;
	p3 =	por p3, !p1;
	s1 =	sadd.s32 @p1 s2, s1  }
0x20e: {  	[hbm4b:s1+s9] =	stream.linear.scatter @p1 [tilespmem:s10], [sflag:$0x8], $0x4000, $0x38;
	[tilespmem:$0x1C080] =	vst v63  }
0x20f: {  	s1 =	simm.s32 @!p3 $0xB  }
0x210: {  	_ =	swait.ge @!p3 [sflag:s1], $0x4000  }
0x211: {  	[sflag:s1] =	ssyncset.done @!p3 $0x0  }
0x212: {  	[sflag:s1] =	ssyncadd.s32 @!p3 $0xFFFFC000  }
0x213: {  	s1 =	sld @!p2 [smem:s8+$0x3];
	_ =	sdelay $0x2  }
0x214: {  	s1 =	sadd.s32 @!p2 s7, s1  }
0x215: {  	s1 =	sshll.u32 @!p2 s1, $0xB  }
0x216: {  	s1 =	sand.u32 @!p2 $0x1FFFF800, s1  }
0x217: {  	s9 =	simm.s32 @!p2 $0x0;
	s10 =	simm.s32 @!p2 $0x14080;
	s1 =	sadd.s32 @!p2 s11, s1  }
0x218: {  	[tilespmem:s10], [sflag:$0x5] =	stream.linear.gather @!p2 [hbm4b:s1+s9], $0x4000, $0x38;
	[tilespmem:$0x1C080] =	vst v63  }
0x219: {  	s1 =	simm.s32 @!p1 $0x3  }
0x21a: {  	_ =	swait.ge @!p1 [sflag:s1], $0x4000  }
0x21b: {  	[sflag:s1] =	ssyncset.done @!p1 $0x0  }
0x21c: {  	[sflag:s1] =	ssyncadd.s32 @!p1 $0xFFFFC000  }
0x21d: {  	s1 =	sld @!p1 [smem:s8+$0x0];
	_ =	sdelay $0x2  }
0x21e: {  	p3 =	sge.u32 @!p1 s5, s3;
	s1 =	sadd.s32 @!p1 s7, s1  }
0x21f: {  	p2 =	por p3, p1;
	s1 =	sshll.u32 @!p1 s1, $0xB  }
0x220: {  	s9 =	simm.s32 @!p1 $0x0;
	p4 =	slt.u32 @!p2 s5, $0x3;
	s1 =	sand.u32 @!p1 $0x1FFFF800, s1  }
0x221: {  	s10 =	simm.s32 @!p1 $0xC080;
	p3 =	por @!p1 p4, p3;
	s1 =	sadd.s32 @!p1 s2, s1  }
0x222: {  	[hbm4b:s1+s9] =	stream.linear.scatter @!p1 [tilespmem:s10], [sflag:$0x9], $0x4000, $0x38;
	[tilespmem:$0x1C080] =	vst v63  }
0x223: {  	p1 =	por p3, p1  }
0x224: {  	s1 =	simm.s32 @!p1 $0xC  }
0x225: {  	_ =	swait.ge @!p1 [sflag:s1], $0x4000  }
0x226: {  	[sflag:s1] =	ssyncset.done @!p1 $0x0  }
0x227: {  	[sflag:s1] =	ssyncadd.s32 @!p1 $0xFFFFC000  }
0x228: {  	s1 =	sld @!p2 [smem:s8+$0x3];
	_ =	sdelay $0x2  }
0x229: {  	s1 =	sadd.s32 @!p2 s7, s1  }
0x22a: {  	s1 =	sshll.u32 @!p2 s1, $0xB  }
0x22b: {  	s1 =	sand.u32 @!p2 $0x1FFFF800, s1  }
0x22c: {  	s9 =	simm.s32 @!p2 $0x0;
	s10 =	simm.s32 @!p2 $0x18080;
	s1 =	sadd.s32 @!p2 s11, s1  }
0x22d: {  	[tilespmem:s10], [sflag:$0x6] =	stream.linear.gather @!p2 [hbm4b:s1+s9], $0x4000, $0x38;
	[tilespmem:$0x1C080] =	vst v63  }
.LBB2_15:
0x22e: {  	p1 =	slt.u32 s5, s6  }
.Ltmp8:
0x22f: {  	_ = 	snop;
	(pc) =	sbr.rel @!p1 .LBB2_16-.Ltmp8, $3  }
0x230: {  	_ =	sdelay $0x1  }
0x231: {  	s1 =	sadd.s32 $0x1, s5  }
0x232: {  	s8 =	sadd.s32 $0x1, s8;
	s5 =	smov.u32 s1  }
.LBB2_8:
0x233: {  	s1 =	smulhi.u32 $0xAAAAAAAB, s5;
	_ =	sdelay $0x1  }
0x234: {  	s1 =	sshrl.u32 s1, $0x2  }
0x235: {  	s1 =	smul.u32 $0xFFFFFFFA, s1;
	_ =	sdelay $0x1  }
0x236: {  	s1 =	sadd.s32 s1, s5  }
0x237: {  	p1 =	sgt.s32 s1, $0x2  }
.Ltmp9:
0x238: {  	_ = 	snop;
	(pc) =	sbr.rel @!p1 .LBB2_9-.Ltmp9, $1  }
0x239: {  	_ =	sdelay $0x3  }
0x23a: {  	p1 =	seq.s32 s1, $0x3  }
.Ltmp10:
0x23b: {  	_ = 	snop;
	(pc) =	sbr.rel @p1 .LBB2_14-.Ltmp10, $1  }
0x23c: {  	_ =	sdelay $0x3  }
0x23d: {  	p1 =	seq.s32 s1, $0x4  }
0x23e: {  	s1 =	simm.s32 @p1 $0x5  }
0x23f: {  	_ =	swait.ge @p1 [sflag:s1], $0x4000  }
0x240: {  	[sflag:s1] =	ssyncset.done @p1 $0x0  }
0x241: {  	[sflag:s1] =	ssyncadd.s32 @p1 $0xFFFFC000  }
0x242: {  	s1 =	sld @p1 [smem:s8+$0x0];
	_ =	sdelay $0x2  }
0x243: {  	s1 =	sadd.s32 @p1 s7, s1  }
0x244: {  	s1 =	sshll.u32 @p1 s1, $0xB  }
0x245: {  	p2 =	sge.u32 @p1 s5, s3;
	s9 =	simm.s32 @p1 $0x0;
	s1 =	sand.u32 @p1 $0x1FFFF800, s1  }
0x246: {  	s10 =	simm.s32 @p1 $0x14080;
	p2 =	por p2, !p1;
	s1 =	sadd.s32 @p1 s2, s1  }
0x247: {  	[hbm4b:s1+s9] =	stream.linear.scatter @p1 [tilespmem:s10], [sflag:$0xB], $0x4000, $0x38;
	[tilespmem:$0x1C080] =	vst v63  }
0x248: {  	s1 =	simm.s32 @!p2 $0x8  }
0x249: {  	_ =	swait.ge @!p2 [sflag:s1], $0x4000  }
0x24a: {  	[sflag:s1] =	ssyncset.done @!p2 $0x0  }
0x24b: {  	[sflag:s1] =	ssyncadd.s32 @!p2 $0xFFFFC000  }
0x24c: {  	s1 =	sld @!p2 [smem:s8+$0x3];
	_ =	sdelay $0x2  }
0x24d: {  	s1 =	sadd.s32 @!p2 s7, s1  }
0x24e: {  	s1 =	sshll.u32 @!p2 s1, $0xB  }
0x24f: {  	s1 =	sand.u32 @!p2 $0x1FFFF800, s1  }
0x250: {  	s9 =	simm.s32 @!p2 $0x0;
	s10 =	simm.s32 @!p2 $0x8080;
	s1 =	sadd.s32 @!p2 s11, s1  }
0x251: {  	[tilespmem:s10], [sflag:$0x2] =	stream.linear.gather @!p2 [hbm4b:s1+s9], $0x4000, $0x38;
	[tilespmem:$0x1C080] =	vst v63  }
0x252: {  	s1 =	simm.s32 @!p1 $0x6  }
0x253: {  	_ =	swait.ge @!p1 [sflag:s1], $0x4000  }
0x254: {  	[sflag:s1] =	ssyncset.done @!p1 $0x0  }
0x255: {  	[sflag:s1] =	ssyncadd.s32 @!p1 $0xFFFFC000  }
0x256: {  	s1 =	sld @!p1 [smem:s8+$0x0];
	_ =	sdelay $0x2  }
0x257: {  	s1 =	sadd.s32 @!p1 s7, s1  }
0x258: {  	s1 =	sshll.u32 @!p1 s1, $0xB  }
0x259: {  	p2 =	sge.u32 @!p1 s5, s3;
	s1 =	sand.u32 @!p1 $0x1FFFF800, s1  }
0x25a: {  	s9 =	simm.s32 @!p1 $0x0;
	s10 =	simm.s32 @!p1 $0x18080;
	s1 =	sadd.s32 @!p1 s2, s1  }
0x25b: {  	[hbm4b:s1+s9] =	stream.linear.scatter @!p1 [tilespmem:s10], [sflag:$0xC], $0x4000, $0x38;
	[tilespmem:$0x1C080] =	vst v63  }
0x25c: {  	p1 =	por p2, p1  }
0x25d: {  	s1 =	simm.s32 @!p1 $0x9  }
0x25e: {  	_ =	swait.ge @!p1 [sflag:s1], $0x4000  }
0x25f: {  	[sflag:s1] =	ssyncset.done @!p1 $0x0  }
0x260: {  	[sflag:s1] =	ssyncadd.s32 @!p1 $0xFFFFC000  }
0x261: {  	s1 =	sld @!p1 [smem:s8+$0x3];
	_ =	sdelay $0x2  }
.Ltmp11:
0x262: {  	s1 =	sadd.s32 @!p1 s7, s1;
	(pc) =	sbr.rel .LBB2_15-.Ltmp11, $4  }
0x263: {  	s1 =	sshll.u32 @!p1 s1, $0xB  }
0x264: {  	s1 =	sand.u32 @!p1 $0x1FFFF800, s1  }
0x265: {  	s9 =	simm.s32 @!p1 $0x0;
	s10 =	simm.s32 @!p1 $0xC080;
	s1 =	sadd.s32 @!p1 s11, s1  }
0x266: {  	[tilespmem:s10], [sflag:$0x3] =	stream.linear.gather @!p1 [hbm4b:s1+s9], $0x4000, $0x38;
	[tilespmem:$0x1C080] =	vst v63  }
.LBB2_13:
0x267: {  	_ =	swait.ge [sflag:s13], $0x4000  }
0x268: {  	[sflag:s13] =	ssyncset.done $0x0  }
0x269: {  	[sflag:s13] =	ssyncadd.s32 $0xFFFFC000  }
0x26a: {  	s1 =	sld [smem:s8+$0x0];
	_ =	sdelay $0x2  }
0x26b: {  	s1 =	sadd.s32 s7, s1  }
0x26c: {  	p1 =	sge.u32 s5, s3;
	s1 =	sshll.u32 s1, $0xB  }
0x26d: {  	p2 =	slt.u32 @!p1 s5, $0x3;
	s1 =	sand.u32 $0x1FFFF800, s1  }
0x26e: {  	p2 =	por p2, p1;
	s1 =	sadd.s32 s2, s1  }
0x26f: {  	[hbm4b:s1+s4] =	stream.linear.scatter [tilespmem:s12], [sflag:$0x7], $0x4000, $0x38;
	[tilespmem:$0x1C080] =	vst v63  }
0x270: {  	s1 =	simm.s32 @!p2 $0xA  }
0x271: {  	_ =	swait.ge @!p2 [sflag:s1], $0x4000  }
0x272: {  	[sflag:s1] =	ssyncset.done @!p2 $0x0  }
0x273: {  	[sflag:s1] =	ssyncadd.s32 @!p2 $0xFFFFC000  }
0x274: {  	s1 =	sld @!p1 [smem:s8+$0x3];
	_ =	sdelay $0x2  }
.Ltmp12:
0x275: {  	s1 =	sadd.s32 @!p1 s7, s1;
	(pc) =	sbr.rel .LBB2_15-.Ltmp12, $4  }
0x276: {  	s1 =	sshll.u32 @!p1 s1, $0xB  }
0x277: {  	s1 =	sand.u32 @!p1 $0x1FFFF800, s1  }
0x278: {  	s9 =	simm.s32 @!p1 $0x0;
	s10 =	simm.s32 @!p1 $0x10080;
	s1 =	sadd.s32 @!p1 s11, s1  }
0x279: {  	[tilespmem:s10], [sflag:$0x4] =	stream.linear.gather @!p1 [hbm4b:s1+s9], $0x4000, $0x38;
	[tilespmem:$0x1C080] =	vst v63  }
.LBB2_14:
0x27a: {  	_ =	swait.ge [sflag:s18], $0x4000  }
0x27b: {  	[sflag:s18] =	ssyncset.done $0x0  }
0x27c: {  	[sflag:s18] =	ssyncadd.s32 $0xFFFFC000  }
0x27d: {  	s1 =	sld [smem:s8+$0x0];
	_ =	sdelay $0x2  }
0x27e: {  	s1 =	sadd.s32 s7, s1  }
0x27f: {  	s1 =	sshll.u32 s1, $0xB  }
0x280: {  	s1 =	sand.u32 $0x1FFFF800, s1  }
0x281: {  	p1 =	sge.u32 s5, s3;
	s1 =	sadd.s32 s2, s1  }
0x282: {  	[hbm4b:s1+s4] =	stream.linear.scatter [tilespmem:s14], [sflag:$0xA], $0x4000, $0x38;
	[tilespmem:$0x1C080] =	vst v63  }
0x283: {  	s1 =	simm.s32 @!p1 $0x7  }
0x284: {  	_ =	swait.ge @!p1 [sflag:s1], $0x4000  }
0x285: {  	[sflag:s1] =	ssyncset.done @!p1 $0x0  }
0x286: {  	[sflag:s1] =	ssyncadd.s32 @!p1 $0xFFFFC000  }
0x287: {  	s1 =	sld @!p1 [smem:s8+$0x3];
	_ =	sdelay $0x2  }
.Ltmp13:
0x288: {  	s1 =	sadd.s32 @!p1 s7, s1;
	(pc) =	sbr.rel .LBB2_15-.Ltmp13, $4  }
0x289: {  	s1 =	sshll.u32 @!p1 s1, $0xB  }
0x28a: {  	s1 =	sand.u32 @!p1 $0x1FFFF800, s1  }
0x28b: {  	s9 =	simm.s32 @!p1 $0x0;
	s10 =	simm.s32 @!p1 $0x4080;
	s1 =	sadd.s32 @!p1 s11, s1  }
0x28c: {  	[tilespmem:s10], [sflag:$0x1] =	stream.linear.gather @!p1 [hbm4b:s1+s9], $0x4000, $0x38;
	[tilespmem:$0x1C080] =	vst v63  }
.LBB2_16:
0x28d: {  	_ =	swait.ge [sflag:s15], $0x4000  }
0x28e: {  	[sflag:s15] =	ssyncset.done $0x0  }
0x28f: {  	s1 =	simm.s32 $0x8;
	[sflag:s15] =	ssyncadd.s32 $0xFFFFC000  }
0x290: {  	_ =	swait.ge [sflag:s1], $0x4000  }
0x291: {  	[sflag:s1] =	ssyncset.done $0x0  }
0x292: {  	s28 =	simm.s32 $0x9;
	[sflag:s1] =	ssyncadd.s32 $0xFFFFC000  }
0x293: {  	_ =	swait.ge [sflag:s28], $0x4000  }
0x294: {  	[sflag:s28] =	ssyncset.done $0x0  }
0x295: {  	s29 =	simm.s32 $0xA;
	[sflag:s28] =	ssyncadd.s32 $0xFFFFC000  }
0x296: {  	_ =	swait.ge [sflag:s29], $0x4000  }
0x297: {  	[sflag:s29] =	ssyncset.done $0x0  }
0x298: {  	s30 =	simm.s32 $0xB;
	[sflag:s29] =	ssyncadd.s32 $0xFFFFC000  }
0x299: {  	_ =	swait.ge [sflag:s30], $0x4000  }
.Ltmp14:
0x29a: {  	[sflag:s30] =	ssyncset.done $0x0;
	(pc) =	sbr.rel @p0 .LBB2_20-.Ltmp14, $4  }
0x29b: {  	s31 =	simm.s32 $0xC;
	[sflag:s30] =	ssyncadd.s32 $0xFFFFC000  }
0x29c: {  	_ =	swait.ge [sflag:s31], $0x4000  }
0x29d: {  	[sflag:s31] =	ssyncset.done $0x0  }
0x29e: {  	s1 =	simm.s32 $0x0;
	s3 =	rddreg [dreg:$0x7];
	[sflag:s31] =	ssyncadd.s32 $0xFFFFC000  }
0x29f: {  	s1 =	sadd.s32 $0x1, s1  }
0x2a0: {  	p0 =	slt.u32 s1, s0  }
.Ltmp15:
0x2a1: {  	_ = 	snop;
	(pc) =	sbr.rel @!p0 .LBB2_19-.Ltmp15, $3  }
0x2a2: {  	_ =	sdelay $0x1  }
0x2a3: {  	_ =	swait.ge [sflag:s22], $0x4000  }
0x2a4: {  	[sflag:s22] =	ssyncset.done $0x0  }
.LBB2_18:
0x2a5: {  	s1 =	sadd.s32 $0x1, s1  }
0x2a6: {  	[sflag:s22] =	ssyncadd.s32 $0xFFFFC000;
	p0 =	slt.u32 s1, s0  }
.Ltmp16:
0x2a7: {  	(pc) =	sbr.rel @p0 .LBB2_18-.Ltmp16, $3  }
0x2a8: {  	_ =	sdelay $0x1  }
0x2a9: {  	_ =	swait.ge [sflag:s22], $0x4000  }
0x2aa: {  	[sflag:s22] =	ssyncset.done $0x0  }
.Ltmp17:
0x2ab: {  	_ = 	snop;
	(pc) =	sbr.rel .LBB2_19-.Ltmp17, $1  }
0x2ac: {  	_ =	sdelay $0x3  }
.LBB2_3:
.Ltmp18:
0x2ad: {  	(pc) =	sbr.rel .LBB2_6-.Ltmp18, $2  }
0x2ae: {  	_ =	sdelay $0x2  }
0x2af: {  	_ = 	snop  }
.LBB2_21:
0x2b0: {  	_ =	sfence.sel $0x180000  }
0x2b1: {  	[bflag:$0x0] =	sbarrier.arrive $0xFFFF  }
0x2b2: {  	_ =	strace $0x90000047  }
0x2b3: {  	s0 =	stileid.u32;
	[bflag:$0x2] =	sbarrier.arrive $0xFFFF  }
0x2b4: {  	p0 =	sne.s32 s0, $0x0;
	s0 =	rddreg [dreg:$0x3]  }
0x2b5: {  	s0 =	sadd.s32 @!p0 $0x100000, s0  }
0x2b6: {  	[sflag:s0] =	ssyncadd.tile.s32 @!p0 $0x1;
	_ =	shalt  }
.Lfunc_end2:
_tile_overlayer_lowered:
.L_overlay_start_2:
0x2b7: {  	(tag) =	ssettag $0x2  }
0x2b8: {  	s0 =	rddreg [dreg:$0x0];
	s2 =	stileid.u32  }
0x2b9: {  	s1 =	rddreg [dreg:$0x1];
	p0 =	sne.s32 s2, $0x0  }
0x2ba: {  	s3 =	rddreg [dreg:$0x2];
	[bflag:$0x3] =	sbarrier.arrive $0xFFFF;
	s2 =	simm.s32 @!p0 $0x1C0E  }
0x2bb: {  	[timem:s3], [sflag:s2] =	dma.local @!p0 [hbm:s0], s1  }
0x2bc: {  	s0 =	simm.s32 @!p0 $0xE  }
0x2bd: {  	_ =	swait.ge @!p0 [sflag:s0], s1  }
0x2be: {  	s1 =	ssub.s32 @!p0 $0x0, s1;
	[sflag:s0] =	ssyncset.done @!p0 $0x0  }
0x2bf: {  	[sflag:s0] =	ssyncadd.s32 @!p0 s1  }
0x2c0: {  	[bflag:$0x3] =	sbarrier.arrive $0xFFFF  }
0x2c1: {  	_ =	shalt  }

</sc_bundles>
